<compile_context>
chip_gen: v7x
topology: tpu7x:2x2x1
jax: 0.10.2.dev20260603
libtpu: 0.0.44.dev20260713+nightly
codegen_flags: <defaults>
</compile_context>

<pallas_src>
import functools

import jax
import jax.numpy as jnp
from jax import lax
from jax.experimental import pallas as pl
from jax.experimental.pallas import tpu as pltpu
from jax.experimental.pallas import tpu_sc as plsc

NC = 2
NS = 16
NW = NC * NS
LANES = 16
TILE_W = 128
WC = 1024
SLABW = 1041


def _iota16():
    return lax.broadcasted_iota(jnp.int32, (LANES,), 0)


def _transpose_128(slab, tr1d, t8, col_base, d):
    rows = _iota16()
    iota = _iota16()

    def gathers(k):
        c0v = jnp.broadcast_to(col_base + k * 16,
                               (LANES,)).astype(jnp.int32)
        return [plsc.load_gather(slab, [rows, c0v + b]) for b in range(16)]

    def stores(k, vals):
        a0v = jnp.broadcast_to((col_base + k * 16) * d,
                               (LANES,)).astype(jnp.int32) + iota
        for b in range(16):
            plsc.store_scatter(tr1d, [a0v + b * d], vals[b])

    def blk(k, vals_prev):
        vals = gathers(k)
        stores(k - 1, vals_prev)
        return vals
    last = lax.fori_loop(1, TILE_W // 16, blk, gathers(0))
    stores(TILE_W // 16 - 1, last)


@functools.lru_cache(maxsize=None)
def _build_detile(V: int, D: int):
    n_full = V // WC
    tail = V - n_full * WC
    tail_full = (tail // TILE_W) * TILE_W
    tail_rem = tail - tail_full
    base_wins = n_full // NW
    extra = n_full - base_wins * NW
    mesh = plsc.VectorSubcoreMesh(core_axis_name="c", subcore_axis_name="s")

    @functools.partial(
        pl.kernel,
        mesh=mesh,
        out_type=jax.ShapeDtypeStruct((V * D,), jnp.float32),
        scratch_types=[
            pltpu.VMEM((LANES, SLABW), jnp.float32),
            pltpu.VMEM((LANES, SLABW), jnp.float32),
            pltpu.VMEM((WC * D,), jnp.float32),
            pltpu.VMEM((WC * D,), jnp.float32),
            pltpu.SemaphoreType.DMA,
            pltpu.SemaphoreType.DMA,
            pltpu.SemaphoreType.DMA,
            pltpu.SemaphoreType.DMA,
        ],
        compiler_params=pltpu.CompilerParams(needs_layout_passes=False),
    )
    def detile_kernel(wt_hbm, wtail_hbm, g_hbm, slab0, slab1, tr0, tr1,
                      si0, si1, so0, so1):
        wid = lax.axis_index("s") * NC + lax.axis_index("c")
        n_win = base_wins + jnp.where(wid < extra, 1, 0)
        slabs = [slab0, slab1]
        trs = [tr0, tr1]
        sis = [si0, si1]
        sos = [so0, so1]

        def v0_of(g):
            return pl.multiple_of((wid + g * NW) * WC, WC)

        def start_in(g, s):
            pltpu.async_copy(wt_hbm.at[:, pl.ds(v0_of(g), WC)],
                             slabs[s].at[:, pl.ds(0, WC)], sis[s])

        def wait_in(g, s):
            pltpu.make_async_copy(wt_hbm.at[:, pl.ds(v0_of(g), WC)],
                                  slabs[s].at[:, pl.ds(0, WC)],
                                  sis[s]).wait()

        def g0_of(g):
            return pl.multiple_of(v0_of(g) * D, WC * D)

        def start_out(g, s):
            pltpu.async_copy(trs[s], g_hbm.at[pl.ds(g0_of(g), WC * D)],
                             sos[s])

        def wait_out(g, s):
            pltpu.make_async_copy(trs[s],
                                  g_hbm.at[pl.ds(g0_of(g), WC * D)],
                                  sos[s]).wait()

        @pl.when(n_win > 0)
        def _():
            start_in(0, 0)

        def body(g, carry):
            for s in range(2):
                @pl.when(lax.rem(g, 2) == s)
                def _():
                    @pl.when(g + 1 < n_win)
                    def _():
                        start_in(g + 1, 1 - s)

                    @pl.when(g >= 2)
                    def _():
                        wait_out(g - 2, s)

                    wait_in(g, s)

                    def tb(t8, c):
                        _transpose_128(slabs[s], trs[s], t8, t8 * TILE_W, D)
                        return c
                    lax.fori_loop(0, WC // TILE_W, tb, 0)
                    start_out(g, s)
            return carry

        lax.fori_loop(0, n_win, body, 0)

        for d in (2, 1):
            @pl.when(n_win >= d)
            def _():
                g = n_win - d
                for s in range(2):
                    @pl.when(lax.rem(g, 2) == s)
                    def _():
                        wait_out(g, s)

        @pl.when(wid == NW - 1)
        def _():
            v0 = n_full * WC
            pltpu.sync_copy(wt_hbm.at[:, pl.ds(v0, tail_full)],
                            slab0.at[:, pl.ds(0, tail_full)])

            def tb(t8, c):
                _transpose_128(slab0, tr0, t8, t8 * TILE_W, D)
                return c
            lax.fori_loop(0, tail_full // TILE_W, tb, 0)
            pltpu.sync_copy(tr0.at[pl.ds(0, tail_full * D)],
                            g_hbm.at[pl.ds(v0 * D, tail_full * D)])

        @pl.when(wid == NW - 2)
        def _():
            nrem = tail_rem * D
            pltpu.sync_copy(wtail_hbm, tr1.at[pl.ds(0, nrem)])
            pltpu.sync_copy(
                tr1.at[pl.ds(0, nrem)],
                g_hbm.at[pl.ds((n_full * WC + tail_full) * D, nrem)])

    return detile_kernel


@functools.lru_cache(maxsize=None)
def _build_gather(B: int, B_pad: int, V: int, D: int):
    b_per_w = B_pad // NW
    last_w = B - (NW - 1) * b_per_w
    assert b_per_w % 8 == 0 and 0 < last_w <= b_per_w
    mesh = plsc.VectorSubcoreMesh(core_axis_name="c", subcore_axis_name="s")

    @functools.partial(
        pl.kernel,
        mesh=mesh,
        out_type=jax.ShapeDtypeStruct((B, D), jnp.float32),
        scratch_types=[
            pltpu.VMEM((b_per_w,), jnp.int32),
            pltpu.VMEM((b_per_w, D), jnp.float32),
            pltpu.SemaphoreType.DMA,
        ],
        compiler_params=pltpu.CompilerParams(use_tc_tiling_on_sc=False),
    )
    def gather_kernel(idx_hbm, table_hbm, out_hbm, idx_v, rows_v, sem):
        wid = lax.axis_index("s") * NC + lax.axis_index("c")
        base = pl.multiple_of(wid * b_per_w, 8)
        pltpu.sync_copy(idx_hbm.at[pl.ds(base, b_per_w)], idx_v)
        pltpu.async_copy(table_hbm.at[idx_v], rows_v, sem).wait()

        @pl.when(wid < NW - 1)
        def _():
            pltpu.sync_copy(rows_v, out_hbm.at[pl.ds(base, b_per_w), :])

        @pl.when(wid == NW - 1)
        def _():
            pltpu.sync_copy(rows_v.at[pl.ds(0, last_w), :],
                            out_hbm.at[pl.ds(base, last_w), :])

    return gather_kernel


def kernel(atom_types, W):
    idx = jnp.squeeze(atom_types).astype(jnp.int32)
    B = idx.shape[0]
    V, D = W.shape
    align = 16 * NW
    B_pad = ((B + align - 1) // align) * align
    if B_pad != B:
        pad = (jnp.arange(B_pad - B, dtype=jnp.int32) * 997) % V
        idx = jnp.concatenate([idx, pad])
    n_full = V // WC
    tail_full = ((V - n_full * WC) // TILE_W) * TILE_W
    v_aligned = n_full * WC + tail_full
    wtail = W[v_aligned:].reshape(-1)
    table1d = _build_detile(V, D)(W.T, wtail)
    return _build_gather(B, B_pad, V, D)(idx, table1d.reshape(V, D))

# --- scband reference (transcript-rebuilt; emitter-appended) ---
"""Pipeline reference for scband-embedding-node-attrs-76836964926070 (READ-ONLY COPY).

The authoritative reference and input builder live on the scoring server;
editing this copy changes nothing except your own understanding.
"""

import jax, jax.numpy as jnp
import numpy as np

NUM_TYPES = 1000000
EMB_DIM = 16
N_NODES = 100000

def setup_inputs(seed: int = 0) -> dict:
    key = jax.random.key(seed)
    k1, k2 = jax.random.split(key)
    atom_types = jax.random.randint(k1, (N_NODES,), 0, NUM_TYPES, dtype=jnp.int32)
    # Embedding table initialized like torch.nn.init.normal_(mean=0, std=1.0)
    W = jax.random.normal(k2, (NUM_TYPES, EMB_DIM), dtype=jnp.float32)
    return {"atom_types": atom_types, "W": W}

def reference(atom_types, W):
    # EmbeddingNodeAttrs.forward: for each categorical attribute, squeeze index
    # tensor and run it through nn.Embedding, then concat along last dim -> float.
    idx = jnp.squeeze(atom_types)
    emb = jnp.take(W, idx, axis=0)
    out = []
    out.append(emb)
    # no numerical attributes configured
    node_attrs = jnp.concatenate(out, axis=-1).astype(jnp.float32)
    return node_attrs

if __name__ == "__main__":
    import jax
    _d = setup_inputs()
    print(jax.jit(kernel)(*tuple(_d.values())))

</pallas_src>

<mosaic_0001>
#map = affine_map<(d0, d1) -> (0, 0)>
#map1 = affine_map<(d0, d1) -> (0)>
module attributes {stable_mosaic.version = 14 : i64} {
  func.func @detile_kernel(%arg0: i32, %arg1: i32, %arg2: memref<16x1000000xf32, #tpu.memory_space<hbm>>, %arg3: memref<1024xf32, #tpu.memory_space<hbm>>, %arg4: memref<16000000xf32, #tpu.memory_space<hbm>>, %arg5: memref<16x1041xf32, #tpu.memory_space<vmem>>, %arg6: memref<16x1041xf32, #tpu.memory_space<vmem>>, %arg7: memref<16384xf32, #tpu.memory_space<vmem>>, %arg8: memref<16384xf32, #tpu.memory_space<vmem>>, %arg9: memref<!tpu.dma_semaphore, #tpu.memory_space<semaphore_mem>>, %arg10: memref<!tpu.dma_semaphore, #tpu.memory_space<semaphore_mem>>, %arg11: memref<!tpu.dma_semaphore, #tpu.memory_space<semaphore_mem>>, %arg12: memref<!tpu.dma_semaphore, #tpu.memory_space<semaphore_mem>>) attributes {dimension_semantics = [#tpu.dimension_semantics<core_parallel>, #tpu.dimension_semantics<subcore_parallel>], iteration_bounds = array<i64: 2, 16>, scalar_prefetch = 0 : i64, scratch_operands = 8 : i64, tpu.core_type = #tpu.core_type<sc_vector_subcore>, window_params = [{transform_indices = #map}, {transform_indices = #map1}, {transform_indices = #map1}]} {
    %mul3A = arith.constant 2 : i32
    %mul3A_0 = arith.muli %arg1, %mul3A : i32
    %add3A = arith.addi %mul3A_0, %arg0 : i32
    %lt3A = arith.constant 16 : i32
    %lt3A_1 = arith.cmpi slt, %add3A, %lt3A : i32
    %jit3A = arith.constant 1 : i32
    %jit3A_2 = arith.constant 0 : i32
    %select_n3A = arith.select %lt3A_1, %jit3A, %jit3A_2 : i32
    %add3A_3 = arith.constant 30 : i32
    %add3A_4 = arith.addi %add3A_3, %select_n3A : i32
    %gt3A = arith.constant 0 : i32
    %gt3A_5 = arith.cmpi sgt, %add3A_4, %gt3A : i32
    %convert_element_type3A = arith.extui %gt3A_5 : i1 to i32
    %cond3A = arith.constant 0 : i32
    %cond3A_6 = arith.cmpi ne, %convert_element_type3A, %cond3A : i32
    scf.if %cond3A_6 {
      %add3A_34 = arith.constant 0 : i32
      %add3A_35 = arith.addi %add3A, %add3A_34 : i32
      %mul3A_36 = arith.constant 1024 : i32
      %mul3A_37 = arith.muli %add3A_35, %mul3A_36 : i32
      %multiple_of3A = tpu.assume_multiple %mul3A_37, 1024 : i32
      %dma_start3A = arith.constant 0 : i32
      %dma_start3A_38 = arith.constant 0 : i32
      %dma_start3A_39 = tpu.memref_slice %arg5[%dma_start3A, %dma_start3A_38] : memref<16x1041xf32, #tpu.memory_space<vmem>> -> memref<16x1024xf32, #tpu.memory_space<vmem>>
      %dma_start3A_40 = arith.constant 0 : i32
      %dma_start3A_41 = tpu.memref_slice %arg2[%dma_start3A_40, %multiple_of3A] : memref<16x1000000xf32, #tpu.memory_space<hbm>> -> memref<16x1024xf32, #tpu.memory_space<hbm>>
      %dma_start3A_42 = arith.constant 0 : i32
      %dma_start3A_43 = arith.constant 0 : i32
      %dma_start3A_44 = tpu.memref_slice %arg5[%dma_start3A_42, %dma_start3A_43] : memref<16x1041xf32, #tpu.memory_space<vmem>> -> memref<16x1024xf32, #tpu.memory_space<vmem>>
      %dma_start3A_45 = arith.constant 0 : i32
      %dma_start3A_46 = tpu.memref_slice %arg2[%dma_start3A_45, %multiple_of3A] : memref<16x1000000xf32, #tpu.memory_space<hbm>> -> memref<16x1024xf32, #tpu.memory_space<hbm>>
      tpu.enqueue_dma source(%dma_start3A_46 : memref<16x1024xf32, #tpu.memory_space<hbm>>) target(%dma_start3A_44 : memref<16x1024xf32, #tpu.memory_space<vmem>>) target_semaphore(%arg9 : memref<!tpu.dma_semaphore, #tpu.memory_space<semaphore_mem>>)
    } else {
    }
    %while3A = arith.constant 0 : i32
    %while3A_7 = arith.constant 0 : i32
    %while3A_8 = arith.subi %add3A_4, %while3A_7 : i32
    %while3A_9 = arith.addi %while3A_7, %while3A_8 : i32
    %while3A_10 = arith.constant 1 : i32
    %while3A_11 = arith.divsi %while3A_8, %while3A_10 : i32
    %while3A_12 = arith.muli %while3A_11, %while3A_10 : i32
    %while3A_13 = arith.addi %while3A_7, %while3A_12 : i32
    %while3A_14 = arith.constant 1 : i32
    scf.for %while3A_34 = %while3A_7 to %while3A_13 step %while3A_14  : i32 {
      %rem3A = arith.constant 2 : i32
      %rem3A_35 = arith.remsi %while3A_34, %rem3A : i32
      %eq3A_36 = arith.constant 0 : i32
      %eq3A_37 = arith.cmpi eq, %rem3A_35, %eq3A_36 : i32
      %convert_element_type3A_38 = arith.extui %eq3A_37 : i1 to i32
      %cond3A_39 = arith.constant 0 : i32
      %cond3A_40 = arith.cmpi ne, %convert_element_type3A_38, %cond3A_39 : i32
      scf.if %cond3A_40 {
        %add3A_48 = arith.constant 1 : i32
        %add3A_49 = arith.addi %while3A_34, %add3A_48 : i32
        %lt3A_50 = arith.cmpi slt, %add3A_49, %add3A_4 : i32
        %convert_element_type3A_51 = arith.extui %lt3A_50 : i1 to i32
        %cond3A_52 = arith.constant 0 : i32
        %cond3A_53 = arith.cmpi ne, %convert_element_type3A_51, %cond3A_52 : i32
        scf.if %cond3A_53 {
          %add3A_88 = arith.constant 1 : i32
          %add3A_89 = arith.addi %while3A_34, %add3A_88 : i32
          %mul3A_90 = arith.constant 32 : i32
          %mul3A_91 = arith.muli %add3A_89, %mul3A_90 : i32
          %add3A_92 = arith.addi %add3A, %mul3A_91 : i32
          %mul3A_93 = arith.constant 1024 : i32
          %mul3A_94 = arith.muli %add3A_92, %mul3A_93 : i32
          %multiple_of3A_95 = tpu.assume_multiple %mul3A_94, 1024 : i32
          %dma_start3A_96 = arith.constant 0 : i32
          %dma_start3A_97 = arith.constant 0 : i32
          %dma_start3A_98 = tpu.memref_slice %arg6[%dma_start3A_96, %dma_start3A_97] : memref<16x1041xf32, #tpu.memory_space<vmem>> -> memref<16x1024xf32, #tpu.memory_space<vmem>>
          %dma_start3A_99 = arith.constant 0 : i32
          %dma_start3A_100 = tpu.memref_slice %arg2[%dma_start3A_99, %multiple_of3A_95] : memref<16x1000000xf32, #tpu.memory_space<hbm>> -> memref<16x1024xf32, #tpu.memory_space<hbm>>
          %dma_start3A_101 = arith.constant 0 : i32
          %dma_start3A_102 = arith.constant 0 : i32
          %dma_start3A_103 = tpu.memref_slice %arg6[%dma_start3A_101, %dma_start3A_102] : memref<16x1041xf32, #tpu.memory_space<vmem>> -> memref<16x1024xf32, #tpu.memory_space<vmem>>
          %dma_start3A_104 = arith.constant 0 : i32
          %dma_start3A_105 = tpu.memref_slice %arg2[%dma_start3A_104, %multiple_of3A_95] : memref<16x1000000xf32, #tpu.memory_space<hbm>> -> memref<16x1024xf32, #tpu.memory_space<hbm>>
          tpu.enqueue_dma source(%dma_start3A_105 : memref<16x1024xf32, #tpu.memory_space<hbm>>) target(%dma_start3A_103 : memref<16x1024xf32, #tpu.memory_space<vmem>>) target_semaphore(%arg10 : memref<!tpu.dma_semaphore, #tpu.memory_space<semaphore_mem>>)
        } else {
        }
        %ge3A_54 = arith.constant 2 : i32
        %ge3A_55 = arith.cmpi sge, %while3A_34, %ge3A_54 : i32
        %convert_element_type3A_56 = arith.extui %ge3A_55 : i1 to i32
        %cond3A_57 = arith.constant 0 : i32
        %cond3A_58 = arith.cmpi ne, %convert_element_type3A_56, %cond3A_57 : i32
        scf.if %cond3A_58 {
          %sub3A = arith.constant 2 : i32
          %sub3A_88 = arith.subi %while3A_34, %sub3A : i32
          %mul3A_89 = arith.constant 32 : i32
          %mul3A_90 = arith.muli %sub3A_88, %mul3A_89 : i32
          %add3A_91 = arith.addi %add3A, %mul3A_90 : i32
          %mul3A_92 = arith.constant 1024 : i32
          %mul3A_93 = arith.muli %add3A_91, %mul3A_92 : i32
          %multiple_of3A_94 = tpu.assume_multiple %mul3A_93, 1024 : i32
          %mul3A_95 = arith.constant 16 : i32
          %mul3A_96 = arith.muli %multiple_of3A_94, %mul3A_95 : i32
          %multiple_of3A_97 = tpu.assume_multiple %mul3A_96, 16384 : i32
          %dma_wait3A_98 = tpu.memref_slice %arg4[%multiple_of3A_97] : memref<16000000xf32, #tpu.memory_space<hbm>> -> memref<16384xf32, #tpu.memory_space<hbm>>
          %dma_wait3A_99 = tpu.memref_slice %arg4[%multiple_of3A_97] : memref<16000000xf32, #tpu.memory_space<hbm>> -> memref<16384xf32, #tpu.memory_space<hbm>>
          tpu.wait_dma2 semaphore(%arg11 : memref<!tpu.dma_semaphore, #tpu.memory_space<semaphore_mem>>) src(%arg7 : memref<16384xf32, #tpu.memory_space<vmem>>) dst(%dma_wait3A_99 : memref<16384xf32, #tpu.memory_space<hbm>>)
        } else {
        }
        %mul3A_59 = arith.constant 32 : i32
        %mul3A_60 = arith.muli %while3A_34, %mul3A_59 : i32
        %add3A_61 = arith.addi %add3A, %mul3A_60 : i32
        %mul3A_62 = arith.constant 1024 : i32
        %mul3A_63 = arith.muli %add3A_61, %mul3A_62 : i32
        %multiple_of3A = tpu.assume_multiple %mul3A_63, 1024 : i32
        %dma_wait3A = arith.constant 0 : i32
        %dma_wait3A_64 = arith.constant 0 : i32
        %dma_wait3A_65 = tpu.memref_slice %arg5[%dma_wait3A, %dma_wait3A_64] : memref<16x1041xf32, #tpu.memory_space<vmem>> -> memref<16x1024xf32, #tpu.memory_space<vmem>>
        %dma_wait3A_66 = arith.constant 0 : i32
        %dma_wait3A_67 = tpu.memref_slice %arg2[%dma_wait3A_66, %multiple_of3A] : memref<16x1000000xf32, #tpu.memory_space<hbm>> -> memref<16x1024xf32, #tpu.memory_space<hbm>>
        %dma_wait3A_68 = arith.constant 0 : i32
        %dma_wait3A_69 = arith.constant 0 : i32
        %dma_wait3A_70 = tpu.memref_slice %arg5[%dma_wait3A_68, %dma_wait3A_69] : memref<16x1041xf32, #tpu.memory_space<vmem>> -> memref<16x1024xf32, #tpu.memory_space<vmem>>
        %dma_wait3A_71 = arith.constant 0 : i32
        %dma_wait3A_72 = tpu.memref_slice %arg2[%dma_wait3A_71, %multiple_of3A] : memref<16x1000000xf32, #tpu.memory_space<hbm>> -> memref<16x1024xf32, #tpu.memory_space<hbm>>
        tpu.wait_dma2 semaphore(%arg9 : memref<!tpu.dma_semaphore, #tpu.memory_space<semaphore_mem>>) src(%dma_wait3A_72 : memref<16x1024xf32, #tpu.memory_space<hbm>>) dst(%dma_wait3A_70 : memref<16x1024xf32, #tpu.memory_space<vmem>>)
        %scan3A = arith.constant 0 : i32
        %scan3A_73 = arith.constant 0 : i32
        %scan3A_74 = arith.constant 8 : i32
        %scan3A_75 = arith.addi %scan3A_73, %scan3A_74 : i32
        %scan3A_76 = arith.constant 1 : i32
        scf.for %scan3A_88 = %scan3A_73 to %scan3A_75 step %scan3A_76  : i32 {
          %mul3A_89 = arith.constant 128 : i32
          %mul3A_90 = arith.muli %scan3A_88, %mul3A_89 : i32
          %iota3A = tpu.iota {dimensions = array<i32: 0>} : vector<16xi32>
          %iota3A_91 = tpu.iota {dimensions = array<i32: 0>} : vector<16xi32>
          %add3A_92 = arith.constant 0 : i32
          %add3A_93 = arith.addi %mul3A_90, %add3A_92 : i32
          %broadcast_in_dim3A = vector.broadcast %add3A_93 : i32 to vector<16xi32>
          %add3A_94 = arith.constant 0 : i32
          %add3A_95 = vector.broadcast %add3A_94 : i32 to vector<16xi32>
          %add3A_96 = arith.addi %broadcast_in_dim3A, %add3A_95 : vector<16xi32>
          %gather3A = tpu.vector_load_idx %arg5[%iota3A, %add3A_96] : memref<16x1041xf32, #tpu.memory_space<vmem>>[vector<16xi32>, vector<16xi32>], vector<16xf32>,
          %add3A_97 = arith.constant 1 : i32
          %add3A_98 = vector.broadcast %add3A_97 : i32 to vector<16xi32>
          %add3A_99 = arith.addi %broadcast_in_dim3A, %add3A_98 : vector<16xi32>
          %gather3A_100 = tpu.vector_load_idx %arg5[%iota3A, %add3A_99] : memref<16x1041xf32, #tpu.memory_space<vmem>>[vector<16xi32>, vector<16xi32>], vector<16xf32>,
          %add3A_101 = arith.constant 2 : i32
          %add3A_102 = vector.broadcast %add3A_101 : i32 to vector<16xi32>
          %add3A_103 = arith.addi %broadcast_in_dim3A, %add3A_102 : vector<16xi32>
          %gather3A_104 = tpu.vector_load_idx %arg5[%iota3A, %add3A_103] : memref<16x1041xf32, #tpu.memory_space<vmem>>[vector<16xi32>, vector<16xi32>], vector<16xf32>,
          %add3A_105 = arith.constant 3 : i32
          %add3A_106 = vector.broadcast %add3A_105 : i32 to vector<16xi32>
          %add3A_107 = arith.addi %broadcast_in_dim3A, %add3A_106 : vector<16xi32>
          %gather3A_108 = tpu.vector_load_idx %arg5[%iota3A, %add3A_107] : memref<16x1041xf32, #tpu.memory_space<vmem>>[vector<16xi32>, vector<16xi32>], vector<16xf32>,
          %add3A_109 = arith.constant 4 : i32
          %add3A_110 = vector.broadcast %add3A_109 : i32 to vector<16xi32>
          %add3A_111 = arith.addi %broadcast_in_dim3A, %add3A_110 : vector<16xi32>
          %gather3A_112 = tpu.vector_load_idx %arg5[%iota3A, %add3A_111] : memref<16x1041xf32, #tpu.memory_space<vmem>>[vector<16xi32>, vector<16xi32>], vector<16xf32>,
          %add3A_113 = arith.constant 5 : i32
          %add3A_114 = vector.broadcast %add3A_113 : i32 to vector<16xi32>
          %add3A_115 = arith.addi %broadcast_in_dim3A, %add3A_114 : vector<16xi32>
          %gather3A_116 = tpu.vector_load_idx %arg5[%iota3A, %add3A_115] : memref<16x1041xf32, #tpu.memory_space<vmem>>[vector<16xi32>, vector<16xi32>], vector<16xf32>,
          %add3A_117 = arith.constant 6 : i32
          %add3A_118 = vector.broadcast %add3A_117 : i32 to vector<16xi32>
          %add3A_119 = arith.addi %broadcast_in_dim3A, %add3A_118 : vector<16xi32>
          %gather3A_120 = tpu.vector_load_idx %arg5[%iota3A, %add3A_119] : memref<16x1041xf32, #tpu.memory_space<vmem>>[vector<16xi32>, vector<16xi32>], vector<16xf32>,
          %add3A_121 = arith.constant 7 : i32
          %add3A_122 = vector.broadcast %add3A_121 : i32 to vector<16xi32>
          %add3A_123 = arith.addi %broadcast_in_dim3A, %add3A_122 : vector<16xi32>
          %gather3A_124 = tpu.vector_load_idx %arg5[%iota3A, %add3A_123] : memref<16x1041xf32, #tpu.memory_space<vmem>>[vector<16xi32>, vector<16xi32>], vector<16xf32>,
          %add3A_125 = arith.constant 8 : i32
          %add3A_126 = vector.broadcast %add3A_125 : i32 to vector<16xi32>
          %add3A_127 = arith.addi %broadcast_in_dim3A, %add3A_126 : vector<16xi32>
          %gather3A_128 = tpu.vector_load_idx %arg5[%iota3A, %add3A_127] : memref<16x1041xf32, #tpu.memory_space<vmem>>[vector<16xi32>, vector<16xi32>], vector<16xf32>,
          %add3A_129 = arith.constant 9 : i32
          %add3A_130 = vector.broadcast %add3A_129 : i32 to vector<16xi32>
          %add3A_131 = arith.addi %broadcast_in_dim3A, %add3A_130 : vector<16xi32>
          %gather3A_132 = tpu.vector_load_idx %arg5[%iota3A, %add3A_131] : memref<16x1041xf32, #tpu.memory_space<vmem>>[vector<16xi32>, vector<16xi32>], vector<16xf32>,
          %add3A_133 = arith.constant 10 : i32
          %add3A_134 = vector.broadcast %add3A_133 : i32 to vector<16xi32>
          %add3A_135 = arith.addi %broadcast_in_dim3A, %add3A_134 : vector<16xi32>
          %gather3A_136 = tpu.vector_load_idx %arg5[%iota3A, %add3A_135] : memref<16x1041xf32, #tpu.memory_space<vmem>>[vector<16xi32>, vector<16xi32>], vector<16xf32>,
          %add3A_137 = arith.constant 11 : i32
          %add3A_138 = vector.broadcast %add3A_137 : i32 to vector<16xi32>
          %add3A_139 = arith.addi %broadcast_in_dim3A, %add3A_138 : vector<16xi32>
          %gather3A_140 = tpu.vector_load_idx %arg5[%iota3A, %add3A_139] : memref<16x1041xf32, #tpu.memory_space<vmem>>[vector<16xi32>, vector<16xi32>], vector<16xf32>,
          %add3A_141 = arith.constant 12 : i32
          %add3A_142 = vector.broadcast %add3A_141 : i32 to vector<16xi32>
          %add3A_143 = arith.addi %broadcast_in_dim3A, %add3A_142 : vector<16xi32>
          %gather3A_144 = tpu.vector_load_idx %arg5[%iota3A, %add3A_143] : memref<16x1041xf32, #tpu.memory_space<vmem>>[vector<16xi32>, vector<16xi32>], vector<16xf32>,
          %add3A_145 = arith.constant 13 : i32
          %add3A_146 = vector.broadcast %add3A_145 : i32 to vector<16xi32>
          %add3A_147 = arith.addi %broadcast_in_dim3A, %add3A_146 : vector<16xi32>
          %gather3A_148 = tpu.vector_load_idx %arg5[%iota3A, %add3A_147] : memref<16x1041xf32, #tpu.memory_space<vmem>>[vector<16xi32>, vector<16xi32>], vector<16xf32>,
          %add3A_149 = arith.constant 14 : i32
          %add3A_150 = vector.broadcast %add3A_149 : i32 to vector<16xi32>
          %add3A_151 = arith.addi %broadcast_in_dim3A, %add3A_150 : vector<16xi32>
          %gather3A_152 = tpu.vector_load_idx %arg5[%iota3A, %add3A_151] : memref<16x1041xf32, #tpu.memory_space<vmem>>[vector<16xi32>, vector<16xi32>], vector<16xf32>,
          %add3A_153 = arith.constant 15 : i32
          %add3A_154 = vector.broadcast %add3A_153 : i32 to vector<16xi32>
          %add3A_155 = arith.addi %broadcast_in_dim3A, %add3A_154 : vector<16xi32>
          %gather3A_156 = tpu.vector_load_idx %arg5[%iota3A, %add3A_155] : memref<16x1041xf32, #tpu.memory_space<vmem>>[vector<16xi32>, vector<16xi32>], vector<16xf32>,
          %scan3A_157 = arith.constant 1 : i32
          %scan3A_158 = arith.constant 7 : i32
          %scan3A_159 = arith.addi %scan3A_157, %scan3A_158 : i32
          %scan3A_160 = arith.constant 1 : i32
          %scan3A_161:16 = scf.for %scan3A_217 = %scan3A_157 to %scan3A_159 step %scan3A_160 iter_args(%scan3A_218 = %gather3A, %scan3A_219 = %gather3A_100, %scan3A_220 = %gather3A_104, %scan3A_221 = %gather3A_108, %scan3A_222 = %gather3A_112, %scan3A_223 = %gather3A_116, %scan3A_224 = %gather3A_120, %scan3A_225 = %gather3A_124, %scan3A_226 = %gather3A_128, %scan3A_227 = %gather3A_132, %scan3A_228 = %gather3A_136, %scan3A_229 = %gather3A_140, %scan3A_230 = %gather3A_144, %scan3A_231 = %gather3A_148, %scan3A_232 = %gather3A_152, %scan3A_233 = %gather3A_156) -> (vector<16xf32>, vector<16xf32>, vector<16xf32>, vector<16xf32>, vector<16xf32>, vector<16xf32>, vector<16xf32>, vector<16xf32>, vector<16xf32>, vector<16xf32>, vector<16xf32>, vector<16xf32>, vector<16xf32>, vector<16xf32>, vector<16xf32>, vector<16xf32>)  : i32 {
            %mul3A_234 = arith.constant 16 : i32
            %mul3A_235 = arith.muli %scan3A_217, %mul3A_234 : i32
            %add3A_236 = arith.addi %mul3A_90, %mul3A_235 : i32
            %broadcast_in_dim3A_237 = vector.broadcast %add3A_236 : i32 to vector<16xi32>
            %add3A_238 = arith.constant 0 : i32
            %add3A_239 = vector.broadcast %add3A_238 : i32 to vector<16xi32>
            %add3A_240 = arith.addi %broadcast_in_dim3A_237, %add3A_239 : vector<16xi32>
            %gather3A_241 = tpu.vector_load_idx %arg5[%iota3A, %add3A_240] : memref<16x1041xf32, #tpu.memory_space<vmem>>[vector<16xi32>, vector<16xi32>], vector<16xf32>,
            %add3A_242 = arith.constant 1 : i32
            %add3A_243 = vector.broadcast %add3A_242 : i32 to vector<16xi32>
            %add3A_244 = arith.addi %broadcast_in_dim3A_237, %add3A_243 : vector<16xi32>
            %gather3A_245 = tpu.vector_load_idx %arg5[%iota3A, %add3A_244] : memref<16x1041xf32, #tpu.memory_space<vmem>>[vector<16xi32>, vector<16xi32>], vector<16xf32>,
            %add3A_246 = arith.constant 2 : i32
            %add3A_247 = vector.broadcast %add3A_246 : i32 to vector<16xi32>
            %add3A_248 = arith.addi %broadcast_in_dim3A_237, %add3A_247 : vector<16xi32>
            %gather3A_249 = tpu.vector_load_idx %arg5[%iota3A, %add3A_248] : memref<16x1041xf32, #tpu.memory_space<vmem>>[vector<16xi32>, vector<16xi32>], vector<16xf32>,
            %add3A_250 = arith.constant 3 : i32
            %add3A_251 = vector.broadcast %add3A_250 : i32 to vector<16xi32>
            %add3A_252 = arith.addi %broadcast_in_dim3A_237, %add3A_251 : vector<16xi32>
            %gather3A_253 = tpu.vector_load_idx %arg5[%iota3A, %add3A_252] : memref<16x1041xf32, #tpu.memory_space<vmem>>[vector<16xi32>, vector<16xi32>], vector<16xf32>,
            %add3A_254 = arith.constant 4 : i32
            %add3A_255 = vector.broadcast %add3A_254 : i32 to vector<16xi32>
            %add3A_256 = arith.addi %broadcast_in_dim3A_237, %add3A_255 : vector<16xi32>
            %gather3A_257 = tpu.vector_load_idx %arg5[%iota3A, %add3A_256] : memref<16x1041xf32, #tpu.memory_space<vmem>>[vector<16xi32>, vector<16xi32>], vector<16xf32>,
            %add3A_258 = arith.constant 5 : i32
            %add3A_259 = vector.broadcast %add3A_258 : i32 to vector<16xi32>
            %add3A_260 = arith.addi %broadcast_in_dim3A_237, %add3A_259 : vector<16xi32>
            %gather3A_261 = tpu.vector_load_idx %arg5[%iota3A, %add3A_260] : memref<16x1041xf32, #tpu.memory_space<vmem>>[vector<16xi32>, vector<16xi32>], vector<16xf32>,
            %add3A_262 = arith.constant 6 : i32
            %add3A_263 = vector.broadcast %add3A_262 : i32 to vector<16xi32>
            %add3A_264 = arith.addi %broadcast_in_dim3A_237, %add3A_263 : vector<16xi32>
            %gather3A_265 = tpu.vector_load_idx %arg5[%iota3A, %add3A_264] : memref<16x1041xf32, #tpu.memory_space<vmem>>[vector<16xi32>, vector<16xi32>], vector<16xf32>,
            %add3A_266 = arith.constant 7 : i32
            %add3A_267 = vector.broadcast %add3A_266 : i32 to vector<16xi32>
            %add3A_268 = arith.addi %broadcast_in_dim3A_237, %add3A_267 : vector<16xi32>
            %gather3A_269 = tpu.vector_load_idx %arg5[%iota3A, %add3A_268] : memref<16x1041xf32, #tpu.memory_space<vmem>>[vector<16xi32>, vector<16xi32>], vector<16xf32>,
            %add3A_270 = arith.constant 8 : i32
            %add3A_271 = vector.broadcast %add3A_270 : i32 to vector<16xi32>
            %add3A_272 = arith.addi %broadcast_in_dim3A_237, %add3A_271 : vector<16xi32>
            %gather3A_273 = tpu.vector_load_idx %arg5[%iota3A, %add3A_272] : memref<16x1041xf32, #tpu.memory_space<vmem>>[vector<16xi32>, vector<16xi32>], vector<16xf32>,
            %add3A_274 = arith.constant 9 : i32
            %add3A_275 = vector.broadcast %add3A_274 : i32 to vector<16xi32>
            %add3A_276 = arith.addi %broadcast_in_dim3A_237, %add3A_275 : vector<16xi32>
            %gather3A_277 = tpu.vector_load_idx %arg5[%iota3A, %add3A_276] : memref<16x1041xf32, #tpu.memory_space<vmem>>[vector<16xi32>, vector<16xi32>], vector<16xf32>,
            %add3A_278 = arith.constant 10 : i32
            %add3A_279 = vector.broadcast %add3A_278 : i32 to vector<16xi32>
            %add3A_280 = arith.addi %broadcast_in_dim3A_237, %add3A_279 : vector<16xi32>
            %gather3A_281 = tpu.vector_load_idx %arg5[%iota3A, %add3A_280] : memref<16x1041xf32, #tpu.memory_space<vmem>>[vector<16xi32>, vector<16xi32>], vector<16xf32>,
            %add3A_282 = arith.constant 11 : i32
            %add3A_283 = vector.broadcast %add3A_282 : i32 to vector<16xi32>
            %add3A_284 = arith.addi %broadcast_in_dim3A_237, %add3A_283 : vector<16xi32>
            %gather3A_285 = tpu.vector_load_idx %arg5[%iota3A, %add3A_284] : memref<16x1041xf32, #tpu.memory_space<vmem>>[vector<16xi32>, vector<16xi32>], vector<16xf32>,
            %add3A_286 = arith.constant 12 : i32
            %add3A_287 = vector.broadcast %add3A_286 : i32 to vector<16xi32>
            %add3A_288 = arith.addi %broadcast_in_dim3A_237, %add3A_287 : vector<16xi32>
            %gather3A_289 = tpu.vector_load_idx %arg5[%iota3A, %add3A_288] : memref<16x1041xf32, #tpu.memory_space<vmem>>[vector<16xi32>, vector<16xi32>], vector<16xf32>,
            %add3A_290 = arith.constant 13 : i32
            %add3A_291 = vector.broadcast %add3A_290 : i32 to vector<16xi32>
            %add3A_292 = arith.addi %broadcast_in_dim3A_237, %add3A_291 : vector<16xi32>
            %gather3A_293 = tpu.vector_load_idx %arg5[%iota3A, %add3A_292] : memref<16x1041xf32, #tpu.memory_space<vmem>>[vector<16xi32>, vector<16xi32>], vector<16xf32>,
            %add3A_294 = arith.constant 14 : i32
            %add3A_295 = vector.broadcast %add3A_294 : i32 to vector<16xi32>
            %add3A_296 = arith.addi %broadcast_in_dim3A_237, %add3A_295 : vector<16xi32>
            %gather3A_297 = tpu.vector_load_idx %arg5[%iota3A, %add3A_296] : memref<16x1041xf32, #tpu.memory_space<vmem>>[vector<16xi32>, vector<16xi32>], vector<16xf32>,
            %add3A_298 = arith.constant 15 : i32
            %add3A_299 = vector.broadcast %add3A_298 : i32 to vector<16xi32>
            %add3A_300 = arith.addi %broadcast_in_dim3A_237, %add3A_299 : vector<16xi32>
            %gather3A_301 = tpu.vector_load_idx %arg5[%iota3A, %add3A_300] : memref<16x1041xf32, #tpu.memory_space<vmem>>[vector<16xi32>, vector<16xi32>], vector<16xf32>,
            %sub3A = arith.constant 1 : i32
            %sub3A_302 = arith.subi %scan3A_217, %sub3A : i32
            %mul3A_303 = arith.constant 16 : i32
            %mul3A_304 = arith.muli %sub3A_302, %mul3A_303 : i32
            %add3A_305 = arith.addi %mul3A_90, %mul3A_304 : i32
            %mul3A_306 = arith.constant 16 : i32
            %mul3A_307 = arith.muli %add3A_305, %mul3A_306 : i32
            %broadcast_in_dim3A_308 = vector.broadcast %mul3A_307 : i32 to vector<16xi32>
            %add3A_309 = arith.addi %broadcast_in_dim3A_308, %iota3A_91 : vector<16xi32>
            %add3A_310 = arith.constant 0 : i32
            %add3A_311 = vector.broadcast %add3A_310 : i32 to vector<16xi32>
            %add3A_312 = arith.addi %add3A_309, %add3A_311 : vector<16xi32>
            tpu.vector_store_idx %arg7[%add3A_312], %scan3A_218 : memref<16384xf32, #tpu.memory_space<vmem>>[vector<16xi32>], vector<16xf32>,
            %add3A_313 = arith.constant 16 : i32
            %add3A_314 = vector.broadcast %add3A_313 : i32 to vector<16xi32>
            %add3A_315 = arith.addi %add3A_309, %add3A_314 : vector<16xi32>
            tpu.vector_store_idx %arg7[%add3A_315], %scan3A_219 : memref<16384xf32, #tpu.memory_space<vmem>>[vector<16xi32>], vector<16xf32>,
            %add3A_316 = arith.constant 32 : i32
            %add3A_317 = vector.broadcast %add3A_316 : i32 to vector<16xi32>
            %add3A_318 = arith.addi %add3A_309, %add3A_317 : vector<16xi32>
            tpu.vector_store_idx %arg7[%add3A_318], %scan3A_220 : memref<16384xf32, #tpu.memory_space<vmem>>[vector<16xi32>], vector<16xf32>,
            %add3A_319 = arith.constant 48 : i32
            %add3A_320 = vector.broadcast %add3A_319 : i32 to vector<16xi32>
            %add3A_321 = arith.addi %add3A_309, %add3A_320 : vector<16xi32>
            tpu.vector_store_idx %arg7[%add3A_321], %scan3A_221 : memref<16384xf32, #tpu.memory_space<vmem>>[vector<16xi32>], vector<16xf32>,
            %add3A_322 = arith.constant 64 : i32
            %add3A_323 = vector.broadcast %add3A_322 : i32 to vector<16xi32>
            %add3A_324 = arith.addi %add3A_309, %add3A_323 : vector<16xi32>
            tpu.vector_store_idx %arg7[%add3A_324], %scan3A_222 : memref<16384xf32, #tpu.memory_space<vmem>>[vector<16xi32>], vector<16xf32>,
            %add3A_325 = arith.constant 80 : i32
            %add3A_326 = vector.broadcast %add3A_325 : i32 to vector<16xi32>
            %add3A_327 = arith.addi %add3A_309, %add3A_326 : vector<16xi32>
            tpu.vector_store_idx %arg7[%add3A_327], %scan3A_223 : memref<16384xf32, #tpu.memory_space<vmem>>[vector<16xi32>], vector<16xf32>,
            %add3A_328 = arith.constant 96 : i32
            %add3A_329 = vector.broadcast %add3A_328 : i32 to vector<16xi32>
            %add3A_330 = arith.addi %add3A_309, %add3A_329 : vector<16xi32>
            tpu.vector_store_idx %arg7[%add3A_330], %scan3A_224 : memref<16384xf32, #tpu.memory_space<vmem>>[vector<16xi32>], vector<16xf32>,
            %add3A_331 = arith.constant 112 : i32
            %add3A_332 = vector.broadcast %add3A_331 : i32 to vector<16xi32>
            %add3A_333 = arith.addi %add3A_309, %add3A_332 : vector<16xi32>
            tpu.vector_store_idx %arg7[%add3A_333], %scan3A_225 : memref<16384xf32, #tpu.memory_space<vmem>>[vector<16xi32>], vector<16xf32>,
            %add3A_334 = arith.constant 128 : i32
            %add3A_335 = vector.broadcast %add3A_334 : i32 to vector<16xi32>
            %add3A_336 = arith.addi %add3A_309, %add3A_335 : vector<16xi32>
            tpu.vector_store_idx %arg7[%add3A_336], %scan3A_226 : memref<16384xf32, #tpu.memory_space<vmem>>[vector<16xi32>], vector<16xf32>,
            %add3A_337 = arith.constant 144 : i32
            %add3A_338 = vector.broadcast %add3A_337 : i32 to vector<16xi32>
            %add3A_339 = arith.addi %add3A_309, %add3A_338 : vector<16xi32>
            tpu.vector_store_idx %arg7[%add3A_339], %scan3A_227 : memref<16384xf32, #tpu.memory_space<vmem>>[vector<16xi32>], vector<16xf32>,
            %add3A_340 = arith.constant 160 : i32
            %add3A_341 = vector.broadcast %add3A_340 : i32 to vector<16xi32>
            %add3A_342 = arith.addi %add3A_309, %add3A_341 : vector<16xi32>
            tpu.vector_store_idx %arg7[%add3A_342], %scan3A_228 : memref<16384xf32, #tpu.memory_space<vmem>>[vector<16xi32>], vector<16xf32>,
            %add3A_343 = arith.constant 176 : i32
            %add3A_344 = vector.broadcast %add3A_343 : i32 to vector<16xi32>
            %add3A_345 = arith.addi %add3A_309, %add3A_344 : vector<16xi32>
            tpu.vector_store_idx %arg7[%add3A_345], %scan3A_229 : memref<16384xf32, #tpu.memory_space<vmem>>[vector<16xi32>], vector<16xf32>,
            %add3A_346 = arith.constant 192 : i32
            %add3A_347 = vector.broadcast %add3A_346 : i32 to vector<16xi32>
            %add3A_348 = arith.addi %add3A_309, %add3A_347 : vector<16xi32>
            tpu.vector_store_idx %arg7[%add3A_348], %scan3A_230 : memref<16384xf32, #tpu.memory_space<vmem>>[vector<16xi32>], vector<16xf32>,
            %add3A_349 = arith.constant 208 : i32
            %add3A_350 = vector.broadcast %add3A_349 : i32 to vector<16xi32>
            %add3A_351 = arith.addi %add3A_309, %add3A_350 : vector<16xi32>
            tpu.vector_store_idx %arg7[%add3A_351], %scan3A_231 : memref<16384xf32, #tpu.memory_space<vmem>>[vector<16xi32>], vector<16xf32>,
            %add3A_352 = arith.constant 224 : i32
            %add3A_353 = vector.broadcast %add3A_352 : i32 to vector<16xi32>
            %add3A_354 = arith.addi %add3A_309, %add3A_353 : vector<16xi32>
            tpu.vector_store_idx %arg7[%add3A_354], %scan3A_232 : memref<16384xf32, #tpu.memory_space<vmem>>[vector<16xi32>], vector<16xf32>,
            %add3A_355 = arith.constant 240 : i32
            %add3A_356 = vector.broadcast %add3A_355 : i32 to vector<16xi32>
            %add3A_357 = arith.addi %add3A_309, %add3A_356 : vector<16xi32>
            tpu.vector_store_idx %arg7[%add3A_357], %scan3A_233 : memref<16384xf32, #tpu.memory_space<vmem>>[vector<16xi32>], vector<16xf32>,
            scf.yield %gather3A_241, %gather3A_245, %gather3A_249, %gather3A_253, %gather3A_257, %gather3A_261, %gather3A_265, %gather3A_269, %gather3A_273, %gather3A_277, %gather3A_281, %gather3A_285, %gather3A_289, %gather3A_293, %gather3A_297, %gather3A_301 : vector<16xf32>, vector<16xf32>, vector<16xf32>, vector<16xf32>, vector<16xf32>, vector<16xf32>, vector<16xf32>, vector<16xf32>, vector<16xf32>, vector<16xf32>, vector<16xf32>, vector<16xf32>, vector<16xf32>, vector<16xf32>, vector<16xf32>, vector<16xf32>
          }
          %scan3A_162 = arith.constant 7 : i32
          %add3A_163 = arith.constant 112 : i32
          %add3A_164 = arith.addi %mul3A_90, %add3A_163 : i32
          %mul3A_165 = arith.constant 16 : i32
          %mul3A_166 = arith.muli %add3A_164, %mul3A_165 : i32
          %broadcast_in_dim3A_167 = vector.broadcast %mul3A_166 : i32 to vector<16xi32>
          %add3A_168 = arith.addi %broadcast_in_dim3A_167, %iota3A_91 : vector<16xi32>
          %add3A_169 = arith.constant 0 : i32
          %add3A_170 = vector.broadcast %add3A_169 : i32 to vector<16xi32>
          %add3A_171 = arith.addi %add3A_168, %add3A_170 : vector<16xi32>
          tpu.vector_store_idx %arg7[%add3A_171], %scan3A_161#0 : memref<16384xf32, #tpu.memory_space<vmem>>[vector<16xi32>], vector<16xf32>,
          %add3A_172 = arith.constant 16 : i32
          %add3A_173 = vector.broadcast %add3A_172 : i32 to vector<16xi32>
          %add3A_174 = arith.addi %add3A_168, %add3A_173 : vector<16xi32>
          tpu.vector_store_idx %arg7[%add3A_174], %scan3A_161#1 : memref<16384xf32, #tpu.memory_space<vmem>>[vector<16xi32>], vector<16xf32>,
          %add3A_175 = arith.constant 32 : i32
          %add3A_176 = vector.broadcast %add3A_175 : i32 to vector<16xi32>
          %add3A_177 = arith.addi %add3A_168, %add3A_176 : vector<16xi32>
          tpu.vector_store_idx %arg7[%add3A_177], %scan3A_161#2 : memref<16384xf32, #tpu.memory_space<vmem>>[vector<16xi32>], vector<16xf32>,
          %add3A_178 = arith.constant 48 : i32
          %add3A_179 = vector.broadcast %add3A_178 : i32 to vector<16xi32>
          %add3A_180 = arith.addi %add3A_168, %add3A_179 : vector<16xi32>
          tpu.vector_store_idx %arg7[%add3A_180], %scan3A_161#3 : memref<16384xf32, #tpu.memory_space<vmem>>[vector<16xi32>], vector<16xf32>,
          %add3A_181 = arith.constant 64 : i32
          %add3A_182 = vector.broadcast %add3A_181 : i32 to vector<16xi32>
          %add3A_183 = arith.addi %add3A_168, %add3A_182 : vector<16xi32>
          tpu.vector_store_idx %arg7[%add3A_183], %scan3A_161#4 : memref<16384xf32, #tpu.memory_space<vmem>>[vector<16xi32>], vector<16xf32>,
          %add3A_184 = arith.constant 80 : i32
          %add3A_185 = vector.broadcast %add3A_184 : i32 to vector<16xi32>
          %add3A_186 = arith.addi %add3A_168, %add3A_185 : vector<16xi32>
          tpu.vector_store_idx %arg7[%add3A_186], %scan3A_161#5 : memref<16384xf32, #tpu.memory_space<vmem>>[vector<16xi32>], vector<16xf32>,
          %add3A_187 = arith.constant 96 : i32
          %add3A_188 = vector.broadcast %add3A_187 : i32 to vector<16xi32>
          %add3A_189 = arith.addi %add3A_168, %add3A_188 : vector<16xi32>
          tpu.vector_store_idx %arg7[%add3A_189], %scan3A_161#6 : memref<16384xf32, #tpu.memory_space<vmem>>[vector<16xi32>], vector<16xf32>,
          %add3A_190 = arith.constant 112 : i32
          %add3A_191 = vector.broadcast %add3A_190 : i32 to vector<16xi32>
          %add3A_192 = arith.addi %add3A_168, %add3A_191 : vector<16xi32>
          tpu.vector_store_idx %arg7[%add3A_192], %scan3A_161#7 : memref<16384xf32, #tpu.memory_space<vmem>>[vector<16xi32>], vector<16xf32>,
          %add3A_193 = arith.constant 128 : i32
          %add3A_194 = vector.broadcast %add3A_193 : i32 to vector<16xi32>
          %add3A_195 = arith.addi %add3A_168, %add3A_194 : vector<16xi32>
          tpu.vector_store_idx %arg7[%add3A_195], %scan3A_161#8 : memref<16384xf32, #tpu.memory_space<vmem>>[vector<16xi32>], vector<16xf32>,
          %add3A_196 = arith.constant 144 : i32
          %add3A_197 = vector.broadcast %add3A_196 : i32 to vector<16xi32>
          %add3A_198 = arith.addi %add3A_168, %add3A_197 : vector<16xi32>
          tpu.vector_store_idx %arg7[%add3A_198], %scan3A_161#9 : memref<16384xf32, #tpu.memory_space<vmem>>[vector<16xi32>], vector<16xf32>,
          %add3A_199 = arith.constant 160 : i32
          %add3A_200 = vector.broadcast %add3A_199 : i32 to vector<16xi32>
          %add3A_201 = arith.addi %add3A_168, %add3A_200 : vector<16xi32>
          tpu.vector_store_idx %arg7[%add3A_201], %scan3A_161#10 : memref<16384xf32, #tpu.memory_space<vmem>>[vector<16xi32>], vector<16xf32>,
          %add3A_202 = arith.constant 176 : i32
          %add3A_203 = vector.broadcast %add3A_202 : i32 to vector<16xi32>
          %add3A_204 = arith.addi %add3A_168, %add3A_203 : vector<16xi32>
          tpu.vector_store_idx %arg7[%add3A_204], %scan3A_161#11 : memref<16384xf32, #tpu.memory_space<vmem>>[vector<16xi32>], vector<16xf32>,
          %add3A_205 = arith.constant 192 : i32
          %add3A_206 = vector.broadcast %add3A_205 : i32 to vector<16xi32>
          %add3A_207 = arith.addi %add3A_168, %add3A_206 : vector<16xi32>
          tpu.vector_store_idx %arg7[%add3A_207], %scan3A_161#12 : memref<16384xf32, #tpu.memory_space<vmem>>[vector<16xi32>], vector<16xf32>,
          %add3A_208 = arith.constant 208 : i32
          %add3A_209 = vector.broadcast %add3A_208 : i32 to vector<16xi32>
          %add3A_210 = arith.addi %add3A_168, %add3A_209 : vector<16xi32>
          tpu.vector_store_idx %arg7[%add3A_210], %scan3A_161#13 : memref<16384xf32, #tpu.memory_space<vmem>>[vector<16xi32>], vector<16xf32>,
          %add3A_211 = arith.constant 224 : i32
          %add3A_212 = vector.broadcast %add3A_211 : i32 to vector<16xi32>
          %add3A_213 = arith.addi %add3A_168, %add3A_212 : vector<16xi32>
          tpu.vector_store_idx %arg7[%add3A_213], %scan3A_161#14 : memref<16384xf32, #tpu.memory_space<vmem>>[vector<16xi32>], vector<16xf32>,
          %add3A_214 = arith.constant 240 : i32
          %add3A_215 = vector.broadcast %add3A_214 : i32 to vector<16xi32>
          %add3A_216 = arith.addi %add3A_168, %add3A_215 : vector<16xi32>
          tpu.vector_store_idx %arg7[%add3A_216], %scan3A_161#15 : memref<16384xf32, #tpu.memory_space<vmem>>[vector<16xi32>], vector<16xf32>,
        }
        %scan3A_77 = arith.constant 8 : i32
        %mul3A_78 = arith.constant 32 : i32
        %mul3A_79 = arith.muli %while3A_34, %mul3A_78 : i32
        %add3A_80 = arith.addi %add3A, %mul3A_79 : i32
        %mul3A_81 = arith.constant 1024 : i32
        %mul3A_82 = arith.muli %add3A_80, %mul3A_81 : i32
        %multiple_of3A_83 = tpu.assume_multiple %mul3A_82, 1024 : i32
        %mul3A_84 = arith.constant 16 : i32
        %mul3A_85 = arith.muli %multiple_of3A_83, %mul3A_84 : i32
        %multiple_of3A_86 = tpu.assume_multiple %mul3A_85, 16384 : i32
        %dma_start3A = tpu.memref_slice %arg4[%multiple_of3A_86] : memref<16000000xf32, #tpu.memory_space<hbm>> -> memref<16384xf32, #tpu.memory_space<hbm>>
        %dma_start3A_87 = tpu.memref_slice %arg4[%multiple_of3A_86] : memref<16000000xf32, #tpu.memory_space<hbm>> -> memref<16384xf32, #tpu.memory_space<hbm>>
        tpu.enqueue_dma source(%arg7 : memref<16384xf32, #tpu.memory_space<vmem>>) target(%dma_start3A_87 : memref<16384xf32, #tpu.memory_space<hbm>>) target_semaphore(%arg11 : memref<!tpu.dma_semaphore, #tpu.memory_space<semaphore_mem>>)
      } else {
      }
      %rem3A_41 = arith.constant 2 : i32
      %rem3A_42 = arith.remsi %while3A_34, %rem3A_41 : i32
      %eq3A_43 = arith.constant 1 : i32
      %eq3A_44 = arith.cmpi eq, %rem3A_42, %eq3A_43 : i32
      %convert_element_type3A_45 = arith.extui %eq3A_44 : i1 to i32
      %cond3A_46 = arith.constant 0 : i32
      %cond3A_47 = arith.cmpi ne, %convert_element_type3A_45, %cond3A_46 : i32
      scf.if %cond3A_47 {
        %add3A_48 = arith.constant 1 : i32
        %add3A_49 = arith.addi %while3A_34, %add3A_48 : i32
        %lt3A_50 = arith.cmpi slt, %add3A_49, %add3A_4 : i32
        %convert_element_type3A_51 = arith.extui %lt3A_50 : i1 to i32
        %cond3A_52 = arith.constant 0 : i32
        %cond3A_53 = arith.cmpi ne, %convert_element_type3A_51, %cond3A_52 : i32
        scf.if %cond3A_53 {
          %add3A_88 = arith.constant 1 : i32
          %add3A_89 = arith.addi %while3A_34, %add3A_88 : i32
          %mul3A_90 = arith.constant 32 : i32
          %mul3A_91 = arith.muli %add3A_89, %mul3A_90 : i32
          %add3A_92 = arith.addi %add3A, %mul3A_91 : i32
          %mul3A_93 = arith.constant 1024 : i32
          %mul3A_94 = arith.muli %add3A_92, %mul3A_93 : i32
          %multiple_of3A_95 = tpu.assume_multiple %mul3A_94, 1024 : i32
          %dma_start3A_96 = arith.constant 0 : i32
          %dma_start3A_97 = arith.constant 0 : i32
          %dma_start3A_98 = tpu.memref_slice %arg5[%dma_start3A_96, %dma_start3A_97] : memref<16x1041xf32, #tpu.memory_space<vmem>> -> memref<16x1024xf32, #tpu.memory_space<vmem>>
          %dma_start3A_99 = arith.constant 0 : i32
          %dma_start3A_100 = tpu.memref_slice %arg2[%dma_start3A_99, %multiple_of3A_95] : memref<16x1000000xf32, #tpu.memory_space<hbm>> -> memref<16x1024xf32, #tpu.memory_space<hbm>>
          %dma_start3A_101 = arith.constant 0 : i32
          %dma_start3A_102 = arith.constant 0 : i32
          %dma_start3A_103 = tpu.memref_slice %arg5[%dma_start3A_101, %dma_start3A_102] : memref<16x1041xf32, #tpu.memory_space<vmem>> -> memref<16x1024xf32, #tpu.memory_space<vmem>>
          %dma_start3A_104 = arith.constant 0 : i32
          %dma_start3A_105 = tpu.memref_slice %arg2[%dma_start3A_104, %multiple_of3A_95] : memref<16x1000000xf32, #tpu.memory_space<hbm>> -> memref<16x1024xf32, #tpu.memory_space<hbm>>
          tpu.enqueue_dma source(%dma_start3A_105 : memref<16x1024xf32, #tpu.memory_space<hbm>>) target(%dma_start3A_103 : memref<16x1024xf32, #tpu.memory_space<vmem>>) target_semaphore(%arg9 : memref<!tpu.dma_semaphore, #tpu.memory_space<semaphore_mem>>)
        } else {
        }
        %ge3A_54 = arith.constant 2 : i32
        %ge3A_55 = arith.cmpi sge, %while3A_34, %ge3A_54 : i32
        %convert_element_type3A_56 = arith.extui %ge3A_55 : i1 to i32
        %cond3A_57 = arith.constant 0 : i32
        %cond3A_58 = arith.cmpi ne, %convert_element_type3A_56, %cond3A_57 : i32
        scf.if %cond3A_58 {
          %sub3A = arith.constant 2 : i32
          %sub3A_88 = arith.subi %while3A_34, %sub3A : i32
          %mul3A_89 = arith.constant 32 : i32
          %mul3A_90 = arith.muli %sub3A_88, %mul3A_89 : i32
          %add3A_91 = arith.addi %add3A, %mul3A_90 : i32
          %mul3A_92 = arith.constant 1024 : i32
          %mul3A_93 = arith.muli %add3A_91, %mul3A_92 : i32
          %multiple_of3A_94 = tpu.assume_multiple %mul3A_93, 1024 : i32
          %mul3A_95 = arith.constant 16 : i32
          %mul3A_96 = arith.muli %multiple_of3A_94, %mul3A_95 : i32
          %multiple_of3A_97 = tpu.assume_multiple %mul3A_96, 16384 : i32
          %dma_wait3A_98 = tpu.memref_slice %arg4[%multiple_of3A_97] : memref<16000000xf32, #tpu.memory_space<hbm>> -> memref<16384xf32, #tpu.memory_space<hbm>>
          %dma_wait3A_99 = tpu.memref_slice %arg4[%multiple_of3A_97] : memref<16000000xf32, #tpu.memory_space<hbm>> -> memref<16384xf32, #tpu.memory_space<hbm>>
          tpu.wait_dma2 semaphore(%arg12 : memref<!tpu.dma_semaphore, #tpu.memory_space<semaphore_mem>>) src(%arg8 : memref<16384xf32, #tpu.memory_space<vmem>>) dst(%dma_wait3A_99 : memref<16384xf32, #tpu.memory_space<hbm>>)
        } else {
        }
        %mul3A_59 = arith.constant 32 : i32
        %mul3A_60 = arith.muli %while3A_34, %mul3A_59 : i32
        %add3A_61 = arith.addi %add3A, %mul3A_60 : i32
        %mul3A_62 = arith.constant 1024 : i32
        %mul3A_63 = arith.muli %add3A_61, %mul3A_62 : i32
        %multiple_of3A = tpu.assume_multiple %mul3A_63, 1024 : i32
        %dma_wait3A = arith.constant 0 : i32
        %dma_wait3A_64 = arith.constant 0 : i32
        %dma_wait3A_65 = tpu.memref_slice %arg6[%dma_wait3A, %dma_wait3A_64] : memref<16x1041xf32, #tpu.memory_space<vmem>> -> memref<16x1024xf32, #tpu.memory_space<vmem>>
        %dma_wait3A_66 = arith.constant 0 : i32
        %dma_wait3A_67 = tpu.memref_slice %arg2[%dma_wait3A_66, %multiple_of3A] : memref<16x1000000xf32, #tpu.memory_space<hbm>> -> memref<16x1024xf32, #tpu.memory_space<hbm>>
        %dma_wait3A_68 = arith.constant 0 : i32
        %dma_wait3A_69 = arith.constant 0 : i32
        %dma_wait3A_70 = tpu.memref_slice %arg6[%dma_wait3A_68, %dma_wait3A_69] : memref<16x1041xf32, #tpu.memory_space<vmem>> -> memref<16x1024xf32, #tpu.memory_space<vmem>>
        %dma_wait3A_71 = arith.constant 0 : i32
        %dma_wait3A_72 = tpu.memref_slice %arg2[%dma_wait3A_71, %multiple_of3A] : memref<16x1000000xf32, #tpu.memory_space<hbm>> -> memref<16x1024xf32, #tpu.memory_space<hbm>>
        tpu.wait_dma2 semaphore(%arg10 : memref<!tpu.dma_semaphore, #tpu.memory_space<semaphore_mem>>) src(%dma_wait3A_72 : memref<16x1024xf32, #tpu.memory_space<hbm>>) dst(%dma_wait3A_70 : memref<16x1024xf32, #tpu.memory_space<vmem>>)
        %scan3A = arith.constant 0 : i32
        %scan3A_73 = arith.constant 0 : i32
        %scan3A_74 = arith.constant 8 : i32
        %scan3A_75 = arith.addi %scan3A_73, %scan3A_74 : i32
        %scan3A_76 = arith.constant 1 : i32
        scf.for %scan3A_88 = %scan3A_73 to %scan3A_75 step %scan3A_76  : i32 {
          %mul3A_89 = arith.constant 128 : i32
          %mul3A_90 = arith.muli %scan3A_88, %mul3A_89 : i32
          %iota3A = tpu.iota {dimensions = array<i32: 0>} : vector<16xi32>
          %iota3A_91 = tpu.iota {dimensions = array<i32: 0>} : vector<16xi32>
          %add3A_92 = arith.constant 0 : i32
          %add3A_93 = arith.addi %mul3A_90, %add3A_92 : i32
          %broadcast_in_dim3A = vector.broadcast %add3A_93 : i32 to vector<16xi32>
          %add3A_94 = arith.constant 0 : i32
          %add3A_95 = vector.broadcast %add3A_94 : i32 to vector<16xi32>
          %add3A_96 = arith.addi %broadcast_in_dim3A, %add3A_95 : vector<16xi32>
          %gather3A = tpu.vector_load_idx %arg6[%iota3A, %add3A_96] : memref<16x1041xf32, #tpu.memory_space<vmem>>[vector<16xi32>, vector<16xi32>], vector<16xf32>,
          %add3A_97 = arith.constant 1 : i32
          %add3A_98 = vector.broadcast %add3A_97 : i32 to vector<16xi32>
          %add3A_99 = arith.addi %broadcast_in_dim3A, %add3A_98 : vector<16xi32>
          %gather3A_100 = tpu.vector_load_idx %arg6[%iota3A, %add3A_99] : memref<16x1041xf32, #tpu.memory_space<vmem>>[vector<16xi32>, vector<16xi32>], vector<16xf32>,
          %add3A_101 = arith.constant 2 : i32
          %add3A_102 = vector.broadcast %add3A_101 : i32 to vector<16xi32>
          %add3A_103 = arith.addi %broadcast_in_dim3A, %add3A_102 : vector<16xi32>
          %gather3A_104 = tpu.vector_load_idx %arg6[%iota3A, %add3A_103] : memref<16x1041xf32, #tpu.memory_space<vmem>>[vector<16xi32>, vector<16xi32>], vector<16xf32>,
          %add3A_105 = arith.constant 3 : i32
          %add3A_106 = vector.broadcast %add3A_105 : i32 to vector<16xi32>
          %add3A_107 = arith.addi %broadcast_in_dim3A, %add3A_106 : vector<16xi32>
          %gather3A_108 = tpu.vector_load_idx %arg6[%iota3A, %add3A_107] : memref<16x1041xf32, #tpu.memory_space<vmem>>[vector<16xi32>, vector<16xi32>], vector<16xf32>,
          %add3A_109 = arith.constant 4 : i32
          %add3A_110 = vector.broadcast %add3A_109 : i32 to vector<16xi32>
          %add3A_111 = arith.addi %broadcast_in_dim3A, %add3A_110 : vector<16xi32>
          %gather3A_112 = tpu.vector_load_idx %arg6[%iota3A, %add3A_111] : memref<16x1041xf32, #tpu.memory_space<vmem>>[vector<16xi32>, vector<16xi32>], vector<16xf32>,
          %add3A_113 = arith.constant 5 : i32
          %add3A_114 = vector.broadcast %add3A_113 : i32 to vector<16xi32>
          %add3A_115 = arith.addi %broadcast_in_dim3A, %add3A_114 : vector<16xi32>
          %gather3A_116 = tpu.vector_load_idx %arg6[%iota3A, %add3A_115] : memref<16x1041xf32, #tpu.memory_space<vmem>>[vector<16xi32>, vector<16xi32>], vector<16xf32>,
          %add3A_117 = arith.constant 6 : i32
          %add3A_118 = vector.broadcast %add3A_117 : i32 to vector<16xi32>
          %add3A_119 = arith.addi %broadcast_in_dim3A, %add3A_118 : vector<16xi32>
          %gather3A_120 = tpu.vector_load_idx %arg6[%iota3A, %add3A_119] : memref<16x1041xf32, #tpu.memory_space<vmem>>[vector<16xi32>, vector<16xi32>], vector<16xf32>,
          %add3A_121 = arith.constant 7 : i32
          %add3A_122 = vector.broadcast %add3A_121 : i32 to vector<16xi32>
          %add3A_123 = arith.addi %broadcast_in_dim3A, %add3A_122 : vector<16xi32>
          %gather3A_124 = tpu.vector_load_idx %arg6[%iota3A, %add3A_123] : memref<16x1041xf32, #tpu.memory_space<vmem>>[vector<16xi32>, vector<16xi32>], vector<16xf32>,
          %add3A_125 = arith.constant 8 : i32
          %add3A_126 = vector.broadcast %add3A_125 : i32 to vector<16xi32>
          %add3A_127 = arith.addi %broadcast_in_dim3A, %add3A_126 : vector<16xi32>
          %gather3A_128 = tpu.vector_load_idx %arg6[%iota3A, %add3A_127] : memref<16x1041xf32, #tpu.memory_space<vmem>>[vector<16xi32>, vector<16xi32>], vector<16xf32>,
          %add3A_129 = arith.constant 9 : i32
          %add3A_130 = vector.broadcast %add3A_129 : i32 to vector<16xi32>
          %add3A_131 = arith.addi %broadcast_in_dim3A, %add3A_130 : vector<16xi32>
          %gather3A_132 = tpu.vector_load_idx %arg6[%iota3A, %add3A_131] : memref<16x1041xf32, #tpu.memory_space<vmem>>[vector<16xi32>, vector<16xi32>], vector<16xf32>,
          %add3A_133 = arith.constant 10 : i32
          %add3A_134 = vector.broadcast %add3A_133 : i32 to vector<16xi32>
          %add3A_135 = arith.addi %broadcast_in_dim3A, %add3A_134 : vector<16xi32>
          %gather3A_136 = tpu.vector_load_idx %arg6[%iota3A, %add3A_135] : memref<16x1041xf32, #tpu.memory_space<vmem>>[vector<16xi32>, vector<16xi32>], vector<16xf32>,
          %add3A_137 = arith.constant 11 : i32
          %add3A_138 = vector.broadcast %add3A_137 : i32 to vector<16xi32>
          %add3A_139 = arith.addi %broadcast_in_dim3A, %add3A_138 : vector<16xi32>
          %gather3A_140 = tpu.vector_load_idx %arg6[%iota3A, %add3A_139] : memref<16x1041xf32, #tpu.memory_space<vmem>>[vector<16xi32>, vector<16xi32>], vector<16xf32>,
          %add3A_141 = arith.constant 12 : i32
          %add3A_142 = vector.broadcast %add3A_141 : i32 to vector<16xi32>
          %add3A_143 = arith.addi %broadcast_in_dim3A, %add3A_142 : vector<16xi32>
          %gather3A_144 = tpu.vector_load_idx %arg6[%iota3A, %add3A_143] : memref<16x1041xf32, #tpu.memory_space<vmem>>[vector<16xi32>, vector<16xi32>], vector<16xf32>,
          %add3A_145 = arith.constant 13 : i32
          %add3A_146 = vector.broadcast %add3A_145 : i32 to vector<16xi32>
          %add3A_147 = arith.addi %broadcast_in_dim3A, %add3A_146 : vector<16xi32>
          %gather3A_148 = tpu.vector_load_idx %arg6[%iota3A, %add3A_147] : memref<16x1041xf32, #tpu.memory_space<vmem>>[vector<16xi32>, vector<16xi32>], vector<16xf32>,
          %add3A_149 = arith.constant 14 : i32
          %add3A_150 = vector.broadcast %add3A_149 : i32 to vector<16xi32>
          %add3A_151 = arith.addi %broadcast_in_dim3A, %add3A_150 : vector<16xi32>
          %gather3A_152 = tpu.vector_load_idx %arg6[%iota3A, %add3A_151] : memref<16x1041xf32, #tpu.memory_space<vmem>>[vector<16xi32>, vector<16xi32>], vector<16xf32>,
          %add3A_153 = arith.constant 15 : i32
          %add3A_154 = vector.broadcast %add3A_153 : i32 to vector<16xi32>
          %add3A_155 = arith.addi %broadcast_in_dim3A, %add3A_154 : vector<16xi32>
          %gather3A_156 = tpu.vector_load_idx %arg6[%iota3A, %add3A_155] : memref<16x1041xf32, #tpu.memory_space<vmem>>[vector<16xi32>, vector<16xi32>], vector<16xf32>,
          %scan3A_157 = arith.constant 1 : i32
          %scan3A_158 = arith.constant 7 : i32
          %scan3A_159 = arith.addi %scan3A_157, %scan3A_158 : i32
          %scan3A_160 = arith.constant 1 : i32
          %scan3A_161:16 = scf.for %scan3A_217 = %scan3A_157 to %scan3A_159 step %scan3A_160 iter_args(%scan3A_218 = %gather3A, %scan3A_219 = %gather3A_100, %scan3A_220 = %gather3A_104, %scan3A_221 = %gather3A_108, %scan3A_222 = %gather3A_112, %scan3A_223 = %gather3A_116, %scan3A_224 = %gather3A_120, %scan3A_225 = %gather3A_124, %scan3A_226 = %gather3A_128, %scan3A_227 = %gather3A_132, %scan3A_228 = %gather3A_136, %scan3A_229 = %gather3A_140, %scan3A_230 = %gather3A_144, %scan3A_231 = %gather3A_148, %scan3A_232 = %gather3A_152, %scan3A_233 = %gather3A_156) -> (vector<16xf32>, vector<16xf32>, vector<16xf32>, vector<16xf32>, vector<16xf32>, vector<16xf32>, vector<16xf32>, vector<16xf32>, vector<16xf32>, vector<16xf32>, vector<16xf32>, vector<16xf32>, vector<16xf32>, vector<16xf32>, vector<16xf32>, vector<16xf32>)  : i32 {
            %mul3A_234 = arith.constant 16 : i32
            %mul3A_235 = arith.muli %scan3A_217, %mul3A_234 : i32
            %add3A_236 = arith.addi %mul3A_90, %mul3A_235 : i32
            %broadcast_in_dim3A_237 = vector.broadcast %add3A_236 : i32 to vector<16xi32>
            %add3A_238 = arith.constant 0 : i32
            %add3A_239 = vector.broadcast %add3A_238 : i32 to vector<16xi32>
            %add3A_240 = arith.addi %broadcast_in_dim3A_237, %add3A_239 : vector<16xi32>
            %gather3A_241 = tpu.vector_load_idx %arg6[%iota3A, %add3A_240] : memref<16x1041xf32, #tpu.memory_space<vmem>>[vector<16xi32>, vector<16xi32>], vector<16xf32>,
            %add3A_242 = arith.constant 1 : i32
            %add3A_243 = vector.broadcast %add3A_242 : i32 to vector<16xi32>
            %add3A_244 = arith.addi %broadcast_in_dim3A_237, %add3A_243 : vector<16xi32>
            %gather3A_245 = tpu.vector_load_idx %arg6[%iota3A, %add3A_244] : memref<16x1041xf32, #tpu.memory_space<vmem>>[vector<16xi32>, vector<16xi32>], vector<16xf32>,
            %add3A_246 = arith.constant 2 : i32
            %add3A_247 = vector.broadcast %add3A_246 : i32 to vector<16xi32>
            %add3A_248 = arith.addi %broadcast_in_dim3A_237, %add3A_247 : vector<16xi32>
            %gather3A_249 = tpu.vector_load_idx %arg6[%iota3A, %add3A_248] : memref<16x1041xf32, #tpu.memory_space<vmem>>[vector<16xi32>, vector<16xi32>], vector<16xf32>,
            %add3A_250 = arith.constant 3 : i32
            %add3A_251 = vector.broadcast %add3A_250 : i32 to vector<16xi32>
            %add3A_252 = arith.addi %broadcast_in_dim3A_237, %add3A_251 : vector<16xi32>
            %gather3A_253 = tpu.vector_load_idx %arg6[%iota3A, %add3A_252] : memref<16x1041xf32, #tpu.memory_space<vmem>>[vector<16xi32>, vector<16xi32>], vector<16xf32>,
            %add3A_254 = arith.constant 4 : i32
            %add3A_255 = vector.broadcast %add3A_254 : i32 to vector<16xi32>
            %add3A_256 = arith.addi %broadcast_in_dim3A_237, %add3A_255 : vector<16xi32>
            %gather3A_257 = tpu.vector_load_idx %arg6[%iota3A, %add3A_256] : memref<16x1041xf32, #tpu.memory_space<vmem>>[vector<16xi32>, vector<16xi32>], vector<16xf32>,
            %add3A_258 = arith.constant 5 : i32
            %add3A_259 = vector.broadcast %add3A_258 : i32 to vector<16xi32>
            %add3A_260 = arith.addi %broadcast_in_dim3A_237, %add3A_259 : vector<16xi32>
            %gather3A_261 = tpu.vector_load_idx %arg6[%iota3A, %add3A_260] : memref<16x1041xf32, #tpu.memory_space<vmem>>[vector<16xi32>, vector<16xi32>], vector<16xf32>,
            %add3A_262 = arith.constant 6 : i32
            %add3A_263 = vector.broadcast %add3A_262 : i32 to vector<16xi32>
            %add3A_264 = arith.addi %broadcast_in_dim3A_237, %add3A_263 : vector<16xi32>
            %gather3A_265 = tpu.vector_load_idx %arg6[%iota3A, %add3A_264] : memref<16x1041xf32, #tpu.memory_space<vmem>>[vector<16xi32>, vector<16xi32>], vector<16xf32>,
            %add3A_266 = arith.constant 7 : i32
            %add3A_267 = vector.broadcast %add3A_266 : i32 to vector<16xi32>
            %add3A_268 = arith.addi %broadcast_in_dim3A_237, %add3A_267 : vector<16xi32>
            %gather3A_269 = tpu.vector_load_idx %arg6[%iota3A, %add3A_268] : memref<16x1041xf32, #tpu.memory_space<vmem>>[vector<16xi32>, vector<16xi32>], vector<16xf32>,
            %add3A_270 = arith.constant 8 : i32
            %add3A_271 = vector.broadcast %add3A_270 : i32 to vector<16xi32>
            %add3A_272 = arith.addi %broadcast_in_dim3A_237, %add3A_271 : vector<16xi32>
            %gather3A_273 = tpu.vector_load_idx %arg6[%iota3A, %add3A_272] : memref<16x1041xf32, #tpu.memory_space<vmem>>[vector<16xi32>, vector<16xi32>], vector<16xf32>,
            %add3A_274 = arith.constant 9 : i32
            %add3A_275 = vector.broadcast %add3A_274 : i32 to vector<16xi32>
            %add3A_276 = arith.addi %broadcast_in_dim3A_237, %add3A_275 : vector<16xi32>
            %gather3A_277 = tpu.vector_load_idx %arg6[%iota3A, %add3A_276] : memref<16x1041xf32, #tpu.memory_space<vmem>>[vector<16xi32>, vector<16xi32>], vector<16xf32>,
            %add3A_278 = arith.constant 10 : i32
            %add3A_279 = vector.broadcast %add3A_278 : i32 to vector<16xi32>
            %add3A_280 = arith.addi %broadcast_in_dim3A_237, %add3A_279 : vector<16xi32>
            %gather3A_281 = tpu.vector_load_idx %arg6[%iota3A, %add3A_280] : memref<16x1041xf32, #tpu.memory_space<vmem>>[vector<16xi32>, vector<16xi32>], vector<16xf32>,
            %add3A_282 = arith.constant 11 : i32
            %add3A_283 = vector.broadcast %add3A_282 : i32 to vector<16xi32>
            %add3A_284 = arith.addi %broadcast_in_dim3A_237, %add3A_283 : vector<16xi32>
            %gather3A_285 = tpu.vector_load_idx %arg6[%iota3A, %add3A_284] : memref<16x1041xf32, #tpu.memory_space<vmem>>[vector<16xi32>, vector<16xi32>], vector<16xf32>,
            %add3A_286 = arith.constant 12 : i32
            %add3A_287 = vector.broadcast %add3A_286 : i32 to vector<16xi32>
            %add3A_288 = arith.addi %broadcast_in_dim3A_237, %add3A_287 : vector<16xi32>
            %gather3A_289 = tpu.vector_load_idx %arg6[%iota3A, %add3A_288] : memref<16x1041xf32, #tpu.memory_space<vmem>>[vector<16xi32>, vector<16xi32>], vector<16xf32>,
            %add3A_290 = arith.constant 13 : i32
            %add3A_291 = vector.broadcast %add3A_290 : i32 to vector<16xi32>
            %add3A_292 = arith.addi %broadcast_in_dim3A_237, %add3A_291 : vector<16xi32>
            %gather3A_293 = tpu.vector_load_idx %arg6[%iota3A, %add3A_292] : memref<16x1041xf32, #tpu.memory_space<vmem>>[vector<16xi32>, vector<16xi32>], vector<16xf32>,
            %add3A_294 = arith.constant 14 : i32
            %add3A_295 = vector.broadcast %add3A_294 : i32 to vector<16xi32>
            %add3A_296 = arith.addi %broadcast_in_dim3A_237, %add3A_295 : vector<16xi32>
            %gather3A_297 = tpu.vector_load_idx %arg6[%iota3A, %add3A_296] : memref<16x1041xf32, #tpu.memory_space<vmem>>[vector<16xi32>, vector<16xi32>], vector<16xf32>,
            %add3A_298 = arith.constant 15 : i32
            %add3A_299 = vector.broadcast %add3A_298 : i32 to vector<16xi32>
            %add3A_300 = arith.addi %broadcast_in_dim3A_237, %add3A_299 : vector<16xi32>
            %gather3A_301 = tpu.vector_load_idx %arg6[%iota3A, %add3A_300] : memref<16x1041xf32, #tpu.memory_space<vmem>>[vector<16xi32>, vector<16xi32>], vector<16xf32>,
            %sub3A = arith.constant 1 : i32
            %sub3A_302 = arith.subi %scan3A_217, %sub3A : i32
            %mul3A_303 = arith.constant 16 : i32
            %mul3A_304 = arith.muli %sub3A_302, %mul3A_303 : i32
            %add3A_305 = arith.addi %mul3A_90, %mul3A_304 : i32
            %mul3A_306 = arith.constant 16 : i32
            %mul3A_307 = arith.muli %add3A_305, %mul3A_306 : i32
            %broadcast_in_dim3A_308 = vector.broadcast %mul3A_307 : i32 to vector<16xi32>
            %add3A_309 = arith.addi %broadcast_in_dim3A_308, %iota3A_91 : vector<16xi32>
            %add3A_310 = arith.constant 0 : i32
            %add3A_311 = vector.broadcast %add3A_310 : i32 to vector<16xi32>
            %add3A_312 = arith.addi %add3A_309, %add3A_311 : vector<16xi32>
            tpu.vector_store_idx %arg8[%add3A_312], %scan3A_218 : memref<16384xf32, #tpu.memory_space<vmem>>[vector<16xi32>], vector<16xf32>,
            %add3A_313 = arith.constant 16 : i32
            %add3A_314 = vector.broadcast %add3A_313 : i32 to vector<16xi32>
            %add3A_315 = arith.addi %add3A_309, %add3A_314 : vector<16xi32>
            tpu.vector_store_idx %arg8[%add3A_315], %scan3A_219 : memref<16384xf32, #tpu.memory_space<vmem>>[vector<16xi32>], vector<16xf32>,
            %add3A_316 = arith.constant 32 : i32
            %add3A_317 = vector.broadcast %add3A_316 : i32 to vector<16xi32>
            %add3A_318 = arith.addi %add3A_309, %add3A_317 : vector<16xi32>
            tpu.vector_store_idx %arg8[%add3A_318], %scan3A_220 : memref<16384xf32, #tpu.memory_space<vmem>>[vector<16xi32>], vector<16xf32>,
            %add3A_319 = arith.constant 48 : i32
            %add3A_320 = vector.broadcast %add3A_319 : i32 to vector<16xi32>
            %add3A_321 = arith.addi %add3A_309, %add3A_320 : vector<16xi32>
            tpu.vector_store_idx %arg8[%add3A_321], %scan3A_221 : memref<16384xf32, #tpu.memory_space<vmem>>[vector<16xi32>], vector<16xf32>,
            %add3A_322 = arith.constant 64 : i32
            %add3A_323 = vector.broadcast %add3A_322 : i32 to vector<16xi32>
            %add3A_324 = arith.addi %add3A_309, %add3A_323 : vector<16xi32>
            tpu.vector_store_idx %arg8[%add3A_324], %scan3A_222 : memref<16384xf32, #tpu.memory_space<vmem>>[vector<16xi32>], vector<16xf32>,
            %add3A_325 = arith.constant 80 : i32
            %add3A_326 = vector.broadcast %add3A_325 : i32 to vector<16xi32>
            %add3A_327 = arith.addi %add3A_309, %add3A_326 : vector<16xi32>
            tpu.vector_store_idx %arg8[%add3A_327], %scan3A_223 : memref<16384xf32, #tpu.memory_space<vmem>>[vector<16xi32>], vector<16xf32>,
            %add3A_328 = arith.constant 96 : i32
            %add3A_329 = vector.broadcast %add3A_328 : i32 to vector<16xi32>
            %add3A_330 = arith.addi %add3A_309, %add3A_329 : vector<16xi32>
            tpu.vector_store_idx %arg8[%add3A_330], %scan3A_224 : memref<16384xf32, #tpu.memory_space<vmem>>[vector<16xi32>], vector<16xf32>,
            %add3A_331 = arith.constant 112 : i32
            %add3A_332 = vector.broadcast %add3A_331 : i32 to vector<16xi32>
            %add3A_333 = arith.addi %add3A_309, %add3A_332 : vector<16xi32>
            tpu.vector_store_idx %arg8[%add3A_333], %scan3A_225 : memref<16384xf32, #tpu.memory_space<vmem>>[vector<16xi32>], vector<16xf32>,
            %add3A_334 = arith.constant 128 : i32
            %add3A_335 = vector.broadcast %add3A_334 : i32 to vector<16xi32>
            %add3A_336 = arith.addi %add3A_309, %add3A_335 : vector<16xi32>
            tpu.vector_store_idx %arg8[%add3A_336], %scan3A_226 : memref<16384xf32, #tpu.memory_space<vmem>>[vector<16xi32>], vector<16xf32>,
            %add3A_337 = arith.constant 144 : i32
            %add3A_338 = vector.broadcast %add3A_337 : i32 to vector<16xi32>
            %add3A_339 = arith.addi %add3A_309, %add3A_338 : vector<16xi32>
            tpu.vector_store_idx %arg8[%add3A_339], %scan3A_227 : memref<16384xf32, #tpu.memory_space<vmem>>[vector<16xi32>], vector<16xf32>,
            %add3A_340 = arith.constant 160 : i32
            %add3A_341 = vector.broadcast %add3A_340 : i32 to vector<16xi32>
            %add3A_342 = arith.addi %add3A_309, %add3A_341 : vector<16xi32>
            tpu.vector_store_idx %arg8[%add3A_342], %scan3A_228 : memref<16384xf32, #tpu.memory_space<vmem>>[vector<16xi32>], vector<16xf32>,
            %add3A_343 = arith.constant 176 : i32
            %add3A_344 = vector.broadcast %add3A_343 : i32 to vector<16xi32>
            %add3A_345 = arith.addi %add3A_309, %add3A_344 : vector<16xi32>
            tpu.vector_store_idx %arg8[%add3A_345], %scan3A_229 : memref<16384xf32, #tpu.memory_space<vmem>>[vector<16xi32>], vector<16xf32>,
            %add3A_346 = arith.constant 192 : i32
            %add3A_347 = vector.broadcast %add3A_346 : i32 to vector<16xi32>
            %add3A_348 = arith.addi %add3A_309, %add3A_347 : vector<16xi32>
            tpu.vector_store_idx %arg8[%add3A_348], %scan3A_230 : memref<16384xf32, #tpu.memory_space<vmem>>[vector<16xi32>], vector<16xf32>,
            %add3A_349 = arith.constant 208 : i32
            %add3A_350 = vector.broadcast %add3A_349 : i32 to vector<16xi32>
            %add3A_351 = arith.addi %add3A_309, %add3A_350 : vector<16xi32>
            tpu.vector_store_idx %arg8[%add3A_351], %scan3A_231 : memref<16384xf32, #tpu.memory_space<vmem>>[vector<16xi32>], vector<16xf32>,
            %add3A_352 = arith.constant 224 : i32
            %add3A_353 = vector.broadcast %add3A_352 : i32 to vector<16xi32>
            %add3A_354 = arith.addi %add3A_309, %add3A_353 : vector<16xi32>
            tpu.vector_store_idx %arg8[%add3A_354], %scan3A_232 : memref<16384xf32, #tpu.memory_space<vmem>>[vector<16xi32>], vector<16xf32>,
            %add3A_355 = arith.constant 240 : i32
            %add3A_356 = vector.broadcast %add3A_355 : i32 to vector<16xi32>
            %add3A_357 = arith.addi %add3A_309, %add3A_356 : vector<16xi32>
            tpu.vector_store_idx %arg8[%add3A_357], %scan3A_233 : memref<16384xf32, #tpu.memory_space<vmem>>[vector<16xi32>], vector<16xf32>,
            scf.yield %gather3A_241, %gather3A_245, %gather3A_249, %gather3A_253, %gather3A_257, %gather3A_261, %gather3A_265, %gather3A_269, %gather3A_273, %gather3A_277, %gather3A_281, %gather3A_285, %gather3A_289, %gather3A_293, %gather3A_297, %gather3A_301 : vector<16xf32>, vector<16xf32>, vector<16xf32>, vector<16xf32>, vector<16xf32>, vector<16xf32>, vector<16xf32>, vector<16xf32>, vector<16xf32>, vector<16xf32>, vector<16xf32>, vector<16xf32>, vector<16xf32>, vector<16xf32>, vector<16xf32>, vector<16xf32>
          }
          %scan3A_162 = arith.constant 7 : i32
          %add3A_163 = arith.constant 112 : i32
          %add3A_164 = arith.addi %mul3A_90, %add3A_163 : i32
          %mul3A_165 = arith.constant 16 : i32
          %mul3A_166 = arith.muli %add3A_164, %mul3A_165 : i32
          %broadcast_in_dim3A_167 = vector.broadcast %mul3A_166 : i32 to vector<16xi32>
          %add3A_168 = arith.addi %broadcast_in_dim3A_167, %iota3A_91 : vector<16xi32>
          %add3A_169 = arith.constant 0 : i32
          %add3A_170 = vector.broadcast %add3A_169 : i32 to vector<16xi32>
          %add3A_171 = arith.addi %add3A_168, %add3A_170 : vector<16xi32>
          tpu.vector_store_idx %arg8[%add3A_171], %scan3A_161#0 : memref<16384xf32, #tpu.memory_space<vmem>>[vector<16xi32>], vector<16xf32>,
          %add3A_172 = arith.constant 16 : i32
          %add3A_173 = vector.broadcast %add3A_172 : i32 to vector<16xi32>
          %add3A_174 = arith.addi %add3A_168, %add3A_173 : vector<16xi32>
          tpu.vector_store_idx %arg8[%add3A_174], %scan3A_161#1 : memref<16384xf32, #tpu.memory_space<vmem>>[vector<16xi32>], vector<16xf32>,
          %add3A_175 = arith.constant 32 : i32
          %add3A_176 = vector.broadcast %add3A_175 : i32 to vector<16xi32>
          %add3A_177 = arith.addi %add3A_168, %add3A_176 : vector<16xi32>
          tpu.vector_store_idx %arg8[%add3A_177], %scan3A_161#2 : memref<16384xf32, #tpu.memory_space<vmem>>[vector<16xi32>], vector<16xf32>,
          %add3A_178 = arith.constant 48 : i32
          %add3A_179 = vector.broadcast %add3A_178 : i32 to vector<16xi32>
          %add3A_180 = arith.addi %add3A_168, %add3A_179 : vector<16xi32>
          tpu.vector_store_idx %arg8[%add3A_180], %scan3A_161#3 : memref<16384xf32, #tpu.memory_space<vmem>>[vector<16xi32>], vector<16xf32>,
          %add3A_181 = arith.constant 64 : i32
          %add3A_182 = vector.broadcast %add3A_181 : i32 to vector<16xi32>
          %add3A_183 = arith.addi %add3A_168, %add3A_182 : vector<16xi32>
          tpu.vector_store_idx %arg8[%add3A_183], %scan3A_161#4 : memref<16384xf32, #tpu.memory_space<vmem>>[vector<16xi32>], vector<16xf32>,
          %add3A_184 = arith.constant 80 : i32
          %add3A_185 = vector.broadcast %add3A_184 : i32 to vector<16xi32>
          %add3A_186 = arith.addi %add3A_168, %add3A_185 : vector<16xi32>
          tpu.vector_store_idx %arg8[%add3A_186], %scan3A_161#5 : memref<16384xf32, #tpu.memory_space<vmem>>[vector<16xi32>], vector<16xf32>,
          %add3A_187 = arith.constant 96 : i32
          %add3A_188 = vector.broadcast %add3A_187 : i32 to vector<16xi32>
          %add3A_189 = arith.addi %add3A_168, %add3A_188 : vector<16xi32>
          tpu.vector_store_idx %arg8[%add3A_189], %scan3A_161#6 : memref<16384xf32, #tpu.memory_space<vmem>>[vector<16xi32>], vector<16xf32>,
          %add3A_190 = arith.constant 112 : i32
          %add3A_191 = vector.broadcast %add3A_190 : i32 to vector<16xi32>
          %add3A_192 = arith.addi %add3A_168, %add3A_191 : vector<16xi32>
          tpu.vector_store_idx %arg8[%add3A_192], %scan3A_161#7 : memref<16384xf32, #tpu.memory_space<vmem>>[vector<16xi32>], vector<16xf32>,
          %add3A_193 = arith.constant 128 : i32
          %add3A_194 = vector.broadcast %add3A_193 : i32 to vector<16xi32>
          %add3A_195 = arith.addi %add3A_168, %add3A_194 : vector<16xi32>
          tpu.vector_store_idx %arg8[%add3A_195], %scan3A_161#8 : memref<16384xf32, #tpu.memory_space<vmem>>[vector<16xi32>], vector<16xf32>,
          %add3A_196 = arith.constant 144 : i32
          %add3A_197 = vector.broadcast %add3A_196 : i32 to vector<16xi32>
          %add3A_198 = arith.addi %add3A_168, %add3A_197 : vector<16xi32>
          tpu.vector_store_idx %arg8[%add3A_198], %scan3A_161#9 : memref<16384xf32, #tpu.memory_space<vmem>>[vector<16xi32>], vector<16xf32>,
          %add3A_199 = arith.constant 160 : i32
          %add3A_200 = vector.broadcast %add3A_199 : i32 to vector<16xi32>
          %add3A_201 = arith.addi %add3A_168, %add3A_200 : vector<16xi32>
          tpu.vector_store_idx %arg8[%add3A_201], %scan3A_161#10 : memref<16384xf32, #tpu.memory_space<vmem>>[vector<16xi32>], vector<16xf32>,
          %add3A_202 = arith.constant 176 : i32
          %add3A_203 = vector.broadcast %add3A_202 : i32 to vector<16xi32>
          %add3A_204 = arith.addi %add3A_168, %add3A_203 : vector<16xi32>
          tpu.vector_store_idx %arg8[%add3A_204], %scan3A_161#11 : memref<16384xf32, #tpu.memory_space<vmem>>[vector<16xi32>], vector<16xf32>,
          %add3A_205 = arith.constant 192 : i32
          %add3A_206 = vector.broadcast %add3A_205 : i32 to vector<16xi32>
          %add3A_207 = arith.addi %add3A_168, %add3A_206 : vector<16xi32>
          tpu.vector_store_idx %arg8[%add3A_207], %scan3A_161#12 : memref<16384xf32, #tpu.memory_space<vmem>>[vector<16xi32>], vector<16xf32>,
          %add3A_208 = arith.constant 208 : i32
          %add3A_209 = vector.broadcast %add3A_208 : i32 to vector<16xi32>
          %add3A_210 = arith.addi %add3A_168, %add3A_209 : vector<16xi32>
          tpu.vector_store_idx %arg8[%add3A_210], %scan3A_161#13 : memref<16384xf32, #tpu.memory_space<vmem>>[vector<16xi32>], vector<16xf32>,
          %add3A_211 = arith.constant 224 : i32
          %add3A_212 = vector.broadcast %add3A_211 : i32 to vector<16xi32>
          %add3A_213 = arith.addi %add3A_168, %add3A_212 : vector<16xi32>
          tpu.vector_store_idx %arg8[%add3A_213], %scan3A_161#14 : memref<16384xf32, #tpu.memory_space<vmem>>[vector<16xi32>], vector<16xf32>,
          %add3A_214 = arith.constant 240 : i32
          %add3A_215 = vector.broadcast %add3A_214 : i32 to vector<16xi32>
          %add3A_216 = arith.addi %add3A_168, %add3A_215 : vector<16xi32>
          tpu.vector_store_idx %arg8[%add3A_216], %scan3A_161#15 : memref<16384xf32, #tpu.memory_space<vmem>>[vector<16xi32>], vector<16xf32>,
        }
        %scan3A_77 = arith.constant 8 : i32
        %mul3A_78 = arith.constant 32 : i32
        %mul3A_79 = arith.muli %while3A_34, %mul3A_78 : i32
        %add3A_80 = arith.addi %add3A, %mul3A_79 : i32
        %mul3A_81 = arith.constant 1024 : i32
        %mul3A_82 = arith.muli %add3A_80, %mul3A_81 : i32
        %multiple_of3A_83 = tpu.assume_multiple %mul3A_82, 1024 : i32
        %mul3A_84 = arith.constant 16 : i32
        %mul3A_85 = arith.muli %multiple_of3A_83, %mul3A_84 : i32
        %multiple_of3A_86 = tpu.assume_multiple %mul3A_85, 16384 : i32
        %dma_start3A = tpu.memref_slice %arg4[%multiple_of3A_86] : memref<16000000xf32, #tpu.memory_space<hbm>> -> memref<16384xf32, #tpu.memory_space<hbm>>
        %dma_start3A_87 = tpu.memref_slice %arg4[%multiple_of3A_86] : memref<16000000xf32, #tpu.memory_space<hbm>> -> memref<16384xf32, #tpu.memory_space<hbm>>
        tpu.enqueue_dma source(%arg8 : memref<16384xf32, #tpu.memory_space<vmem>>) target(%dma_start3A_87 : memref<16384xf32, #tpu.memory_space<hbm>>) target_semaphore(%arg12 : memref<!tpu.dma_semaphore, #tpu.memory_space<semaphore_mem>>)
      } else {
      }
    }
    %while3A_15 = arith.constant 1 : i32
    scf.for %while3A_34 = %while3A_13 to %while3A_9 step %while3A_15  : i32 {
      %rem3A = arith.constant 2 : i32
      %rem3A_35 = arith.remsi %while3A_34, %rem3A : i32
      %eq3A_36 = arith.constant 0 : i32
      %eq3A_37 = arith.cmpi eq, %rem3A_35, %eq3A_36 : i32
      %convert_element_type3A_38 = arith.extui %eq3A_37 : i1 to i32
      %cond3A_39 = arith.constant 0 : i32
      %cond3A_40 = arith.cmpi ne, %convert_element_type3A_38, %cond3A_39 : i32
      scf.if %cond3A_40 {
        %add3A_48 = arith.constant 1 : i32
        %add3A_49 = arith.addi %while3A_34, %add3A_48 : i32
        %lt3A_50 = arith.cmpi slt, %add3A_49, %add3A_4 : i32
        %convert_element_type3A_51 = arith.extui %lt3A_50 : i1 to i32
        %cond3A_52 = arith.constant 0 : i32
        %cond3A_53 = arith.cmpi ne, %convert_element_type3A_51, %cond3A_52 : i32
        scf.if %cond3A_53 {
          %add3A_88 = arith.constant 1 : i32
          %add3A_89 = arith.addi %while3A_34, %add3A_88 : i32
          %mul3A_90 = arith.constant 32 : i32
          %mul3A_91 = arith.muli %add3A_89, %mul3A_90 : i32
          %add3A_92 = arith.addi %add3A, %mul3A_91 : i32
          %mul3A_93 = arith.constant 1024 : i32
          %mul3A_94 = arith.muli %add3A_92, %mul3A_93 : i32
          %multiple_of3A_95 = tpu.assume_multiple %mul3A_94, 1024 : i32
          %dma_start3A_96 = arith.constant 0 : i32
          %dma_start3A_97 = arith.constant 0 : i32
          %dma_start3A_98 = tpu.memref_slice %arg6[%dma_start3A_96, %dma_start3A_97] : memref<16x1041xf32, #tpu.memory_space<vmem>> -> memref<16x1024xf32, #tpu.memory_space<vmem>>
          %dma_start3A_99 = arith.constant 0 : i32
          %dma_start3A_100 = tpu.memref_slice %arg2[%dma_start3A_99, %multiple_of3A_95] : memref<16x1000000xf32, #tpu.memory_space<hbm>> -> memref<16x1024xf32, #tpu.memory_space<hbm>>
          %dma_start3A_101 = arith.constant 0 : i32
          %dma_start3A_102 = arith.constant 0 : i32
          %dma_start3A_103 = tpu.memref_slice %arg6[%dma_start3A_101, %dma_start3A_102] : memref<16x1041xf32, #tpu.memory_space<vmem>> -> memref<16x1024xf32, #tpu.memory_space<vmem>>
          %dma_start3A_104 = arith.constant 0 : i32
          %dma_start3A_105 = tpu.memref_slice %arg2[%dma_start3A_104, %multiple_of3A_95] : memref<16x1000000xf32, #tpu.memory_space<hbm>> -> memref<16x1024xf32, #tpu.memory_space<hbm>>
          tpu.enqueue_dma source(%dma_start3A_105 : memref<16x1024xf32, #tpu.memory_space<hbm>>) target(%dma_start3A_103 : memref<16x1024xf32, #tpu.memory_space<vmem>>) target_semaphore(%arg10 : memref<!tpu.dma_semaphore, #tpu.memory_space<semaphore_mem>>)
        } else {
        }
        %ge3A_54 = arith.constant 2 : i32
        %ge3A_55 = arith.cmpi sge, %while3A_34, %ge3A_54 : i32
        %convert_element_type3A_56 = arith.extui %ge3A_55 : i1 to i32
        %cond3A_57 = arith.constant 0 : i32
        %cond3A_58 = arith.cmpi ne, %convert_element_type3A_56, %cond3A_57 : i32
        scf.if %cond3A_58 {
          %sub3A = arith.constant 2 : i32
          %sub3A_88 = arith.subi %while3A_34, %sub3A : i32
          %mul3A_89 = arith.constant 32 : i32
          %mul3A_90 = arith.muli %sub3A_88, %mul3A_89 : i32
          %add3A_91 = arith.addi %add3A, %mul3A_90 : i32
          %mul3A_92 = arith.constant 1024 : i32
          %mul3A_93 = arith.muli %add3A_91, %mul3A_92 : i32
          %multiple_of3A_94 = tpu.assume_multiple %mul3A_93, 1024 : i32
          %mul3A_95 = arith.constant 16 : i32
          %mul3A_96 = arith.muli %multiple_of3A_94, %mul3A_95 : i32
          %multiple_of3A_97 = tpu.assume_multiple %mul3A_96, 16384 : i32
          %dma_wait3A_98 = tpu.memref_slice %arg4[%multiple_of3A_97] : memref<16000000xf32, #tpu.memory_space<hbm>> -> memref<16384xf32, #tpu.memory_space<hbm>>
          %dma_wait3A_99 = tpu.memref_slice %arg4[%multiple_of3A_97] : memref<16000000xf32, #tpu.memory_space<hbm>> -> memref<16384xf32, #tpu.memory_space<hbm>>
          tpu.wait_dma2 semaphore(%arg11 : memref<!tpu.dma_semaphore, #tpu.memory_space<semaphore_mem>>) src(%arg7 : memref<16384xf32, #tpu.memory_space<vmem>>) dst(%dma_wait3A_99 : memref<16384xf32, #tpu.memory_space<hbm>>)
        } else {
        }
        %mul3A_59 = arith.constant 32 : i32
        %mul3A_60 = arith.muli %while3A_34, %mul3A_59 : i32
        %add3A_61 = arith.addi %add3A, %mul3A_60 : i32
        %mul3A_62 = arith.constant 1024 : i32
        %mul3A_63 = arith.muli %add3A_61, %mul3A_62 : i32
        %multiple_of3A = tpu.assume_multiple %mul3A_63, 1024 : i32
        %dma_wait3A = arith.constant 0 : i32
        %dma_wait3A_64 = arith.constant 0 : i32
        %dma_wait3A_65 = tpu.memref_slice %arg5[%dma_wait3A, %dma_wait3A_64] : memref<16x1041xf32, #tpu.memory_space<vmem>> -> memref<16x1024xf32, #tpu.memory_space<vmem>>
        %dma_wait3A_66 = arith.constant 0 : i32
        %dma_wait3A_67 = tpu.memref_slice %arg2[%dma_wait3A_66, %multiple_of3A] : memref<16x1000000xf32, #tpu.memory_space<hbm>> -> memref<16x1024xf32, #tpu.memory_space<hbm>>
        %dma_wait3A_68 = arith.constant 0 : i32
        %dma_wait3A_69 = arith.constant 0 : i32
        %dma_wait3A_70 = tpu.memref_slice %arg5[%dma_wait3A_68, %dma_wait3A_69] : memref<16x1041xf32, #tpu.memory_space<vmem>> -> memref<16x1024xf32, #tpu.memory_space<vmem>>
        %dma_wait3A_71 = arith.constant 0 : i32
        %dma_wait3A_72 = tpu.memref_slice %arg2[%dma_wait3A_71, %multiple_of3A] : memref<16x1000000xf32, #tpu.memory_space<hbm>> -> memref<16x1024xf32, #tpu.memory_space<hbm>>
        tpu.wait_dma2 semaphore(%arg9 : memref<!tpu.dma_semaphore, #tpu.memory_space<semaphore_mem>>) src(%dma_wait3A_72 : memref<16x1024xf32, #tpu.memory_space<hbm>>) dst(%dma_wait3A_70 : memref<16x1024xf32, #tpu.memory_space<vmem>>)
        %scan3A = arith.constant 0 : i32
        %scan3A_73 = arith.constant 0 : i32
        %scan3A_74 = arith.constant 8 : i32
        %scan3A_75 = arith.addi %scan3A_73, %scan3A_74 : i32
        %scan3A_76 = arith.constant 1 : i32
        scf.for %scan3A_88 = %scan3A_73 to %scan3A_75 step %scan3A_76  : i32 {
          %mul3A_89 = arith.constant 128 : i32
          %mul3A_90 = arith.muli %scan3A_88, %mul3A_89 : i32
          %iota3A = tpu.iota {dimensions = array<i32: 0>} : vector<16xi32>
          %iota3A_91 = tpu.iota {dimensions = array<i32: 0>} : vector<16xi32>
          %add3A_92 = arith.constant 0 : i32
          %add3A_93 = arith.addi %mul3A_90, %add3A_92 : i32
          %broadcast_in_dim3A = vector.broadcast %add3A_93 : i32 to vector<16xi32>
          %add3A_94 = arith.constant 0 : i32
          %add3A_95 = vector.broadcast %add3A_94 : i32 to vector<16xi32>
          %add3A_96 = arith.addi %broadcast_in_dim3A, %add3A_95 : vector<16xi32>
          %gather3A = tpu.vector_load_idx %arg5[%iota3A, %add3A_96] : memref<16x1041xf32, #tpu.memory_space<vmem>>[vector<16xi32>, vector<16xi32>], vector<16xf32>,
          %add3A_97 = arith.constant 1 : i32
          %add3A_98 = vector.broadcast %add3A_97 : i32 to vector<16xi32>
          %add3A_99 = arith.addi %broadcast_in_dim3A, %add3A_98 : vector<16xi32>
          %gather3A_100 = tpu.vector_load_idx %arg5[%iota3A, %add3A_99] : memref<16x1041xf32, #tpu.memory_space<vmem>>[vector<16xi32>, vector<16xi32>], vector<16xf32>,
          %add3A_101 = arith.constant 2 : i32
          %add3A_102 = vector.broadcast %add3A_101 : i32 to vector<16xi32>
          %add3A_103 = arith.addi %broadcast_in_dim3A, %add3A_102 : vector<16xi32>
          %gather3A_104 = tpu.vector_load_idx %arg5[%iota3A, %add3A_103] : memref<16x1041xf32, #tpu.memory_space<vmem>>[vector<16xi32>, vector<16xi32>], vector<16xf32>,
          %add3A_105 = arith.constant 3 : i32
          %add3A_106 = vector.broadcast %add3A_105 : i32 to vector<16xi32>
          %add3A_107 = arith.addi %broadcast_in_dim3A, %add3A_106 : vector<16xi32>
          %gather3A_108 = tpu.vector_load_idx %arg5[%iota3A, %add3A_107] : memref<16x1041xf32, #tpu.memory_space<vmem>>[vector<16xi32>, vector<16xi32>], vector<16xf32>,
          %add3A_109 = arith.constant 4 : i32
          %add3A_110 = vector.broadcast %add3A_109 : i32 to vector<16xi32>
          %add3A_111 = arith.addi %broadcast_in_dim3A, %add3A_110 : vector<16xi32>
          %gather3A_112 = tpu.vector_load_idx %arg5[%iota3A, %add3A_111] : memref<16x1041xf32, #tpu.memory_space<vmem>>[vector<16xi32>, vector<16xi32>], vector<16xf32>,
          %add3A_113 = arith.constant 5 : i32
          %add3A_114 = vector.broadcast %add3A_113 : i32 to vector<16xi32>
          %add3A_115 = arith.addi %broadcast_in_dim3A, %add3A_114 : vector<16xi32>
          %gather3A_116 = tpu.vector_load_idx %arg5[%iota3A, %add3A_115] : memref<16x1041xf32, #tpu.memory_space<vmem>>[vector<16xi32>, vector<16xi32>], vector<16xf32>,
          %add3A_117 = arith.constant 6 : i32
          %add3A_118 = vector.broadcast %add3A_117 : i32 to vector<16xi32>
          %add3A_119 = arith.addi %broadcast_in_dim3A, %add3A_118 : vector<16xi32>
          %gather3A_120 = tpu.vector_load_idx %arg5[%iota3A, %add3A_119] : memref<16x1041xf32, #tpu.memory_space<vmem>>[vector<16xi32>, vector<16xi32>], vector<16xf32>,
          %add3A_121 = arith.constant 7 : i32
          %add3A_122 = vector.broadcast %add3A_121 : i32 to vector<16xi32>
          %add3A_123 = arith.addi %broadcast_in_dim3A, %add3A_122 : vector<16xi32>
          %gather3A_124 = tpu.vector_load_idx %arg5[%iota3A, %add3A_123] : memref<16x1041xf32, #tpu.memory_space<vmem>>[vector<16xi32>, vector<16xi32>], vector<16xf32>,
          %add3A_125 = arith.constant 8 : i32
          %add3A_126 = vector.broadcast %add3A_125 : i32 to vector<16xi32>
          %add3A_127 = arith.addi %broadcast_in_dim3A, %add3A_126 : vector<16xi32>
          %gather3A_128 = tpu.vector_load_idx %arg5[%iota3A, %add3A_127] : memref<16x1041xf32, #tpu.memory_space<vmem>>[vector<16xi32>, vector<16xi32>], vector<16xf32>,
          %add3A_129 = arith.constant 9 : i32
          %add3A_130 = vector.broadcast %add3A_129 : i32 to vector<16xi32>
          %add3A_131 = arith.addi %broadcast_in_dim3A, %add3A_130 : vector<16xi32>
          %gather3A_132 = tpu.vector_load_idx %arg5[%iota3A, %add3A_131] : memref<16x1041xf32, #tpu.memory_space<vmem>>[vector<16xi32>, vector<16xi32>], vector<16xf32>,
          %add3A_133 = arith.constant 10 : i32
          %add3A_134 = vector.broadcast %add3A_133 : i32 to vector<16xi32>
          %add3A_135 = arith.addi %broadcast_in_dim3A, %add3A_134 : vector<16xi32>
          %gather3A_136 = tpu.vector_load_idx %arg5[%iota3A, %add3A_135] : memref<16x1041xf32, #tpu.memory_space<vmem>>[vector<16xi32>, vector<16xi32>], vector<16xf32>,
          %add3A_137 = arith.constant 11 : i32
          %add3A_138 = vector.broadcast %add3A_137 : i32 to vector<16xi32>
          %add3A_139 = arith.addi %broadcast_in_dim3A, %add3A_138 : vector<16xi32>
          %gather3A_140 = tpu.vector_load_idx %arg5[%iota3A, %add3A_139] : memref<16x1041xf32, #tpu.memory_space<vmem>>[vector<16xi32>, vector<16xi32>], vector<16xf32>,
          %add3A_141 = arith.constant 12 : i32
          %add3A_142 = vector.broadcast %add3A_141 : i32 to vector<16xi32>
          %add3A_143 = arith.addi %broadcast_in_dim3A, %add3A_142 : vector<16xi32>
          %gather3A_144 = tpu.vector_load_idx %arg5[%iota3A, %add3A_143] : memref<16x1041xf32, #tpu.memory_space<vmem>>[vector<16xi32>, vector<16xi32>], vector<16xf32>,
          %add3A_145 = arith.constant 13 : i32
          %add3A_146 = vector.broadcast %add3A_145 : i32 to vector<16xi32>
          %add3A_147 = arith.addi %broadcast_in_dim3A, %add3A_146 : vector<16xi32>
          %gather3A_148 = tpu.vector_load_idx %arg5[%iota3A, %add3A_147] : memref<16x1041xf32, #tpu.memory_space<vmem>>[vector<16xi32>, vector<16xi32>], vector<16xf32>,
          %add3A_149 = arith.constant 14 : i32
          %add3A_150 = vector.broadcast %add3A_149 : i32 to vector<16xi32>
          %add3A_151 = arith.addi %broadcast_in_dim3A, %add3A_150 : vector<16xi32>
          %gather3A_152 = tpu.vector_load_idx %arg5[%iota3A, %add3A_151] : memref<16x1041xf32, #tpu.memory_space<vmem>>[vector<16xi32>, vector<16xi32>], vector<16xf32>,
          %add3A_153 = arith.constant 15 : i32
          %add3A_154 = vector.broadcast %add3A_153 : i32 to vector<16xi32>
          %add3A_155 = arith.addi %broadcast_in_dim3A, %add3A_154 : vector<16xi32>
          %gather3A_156 = tpu.vector_load_idx %arg5[%iota3A, %add3A_155] : memref<16x1041xf32, #tpu.memory_space<vmem>>[vector<16xi32>, vector<16xi32>], vector<16xf32>,
          %scan3A_157 = arith.constant 1 : i32
          %scan3A_158 = arith.constant 7 : i32
          %scan3A_159 = arith.addi %scan3A_157, %scan3A_158 : i32
          %scan3A_160 = arith.constant 1 : i32
          %scan3A_161:16 = scf.for %scan3A_217 = %scan3A_157 to %scan3A_159 step %scan3A_160 iter_args(%scan3A_218 = %gather3A, %scan3A_219 = %gather3A_100, %scan3A_220 = %gather3A_104, %scan3A_221 = %gather3A_108, %scan3A_222 = %gather3A_112, %scan3A_223 = %gather3A_116, %scan3A_224 = %gather3A_120, %scan3A_225 = %gather3A_124, %scan3A_226 = %gather3A_128, %scan3A_227 = %gather3A_132, %scan3A_228 = %gather3A_136, %scan3A_229 = %gather3A_140, %scan3A_230 = %gather3A_144, %scan3A_231 = %gather3A_148, %scan3A_232 = %gather3A_152, %scan3A_233 = %gather3A_156) -> (vector<16xf32>, vector<16xf32>, vector<16xf32>, vector<16xf32>, vector<16xf32>, vector<16xf32>, vector<16xf32>, vector<16xf32>, vector<16xf32>, vector<16xf32>, vector<16xf32>, vector<16xf32>, vector<16xf32>, vector<16xf32>, vector<16xf32>, vector<16xf32>)  : i32 {
            %mul3A_234 = arith.constant 16 : i32
            %mul3A_235 = arith.muli %scan3A_217, %mul3A_234 : i32
            %add3A_236 = arith.addi %mul3A_90, %mul3A_235 : i32
            %broadcast_in_dim3A_237 = vector.broadcast %add3A_236 : i32 to vector<16xi32>
            %add3A_238 = arith.constant 0 : i32
            %add3A_239 = vector.broadcast %add3A_238 : i32 to vector<16xi32>
            %add3A_240 = arith.addi %broadcast_in_dim3A_237, %add3A_239 : vector<16xi32>
            %gather3A_241 = tpu.vector_load_idx %arg5[%iota3A, %add3A_240] : memref<16x1041xf32, #tpu.memory_space<vmem>>[vector<16xi32>, vector<16xi32>], vector<16xf32>,
            %add3A_242 = arith.constant 1 : i32
            %add3A_243 = vector.broadcast %add3A_242 : i32 to vector<16xi32>
            %add3A_244 = arith.addi %broadcast_in_dim3A_237, %add3A_243 : vector<16xi32>
            %gather3A_245 = tpu.vector_load_idx %arg5[%iota3A, %add3A_244] : memref<16x1041xf32, #tpu.memory_space<vmem>>[vector<16xi32>, vector<16xi32>], vector<16xf32>,
            %add3A_246 = arith.constant 2 : i32
            %add3A_247 = vector.broadcast %add3A_246 : i32 to vector<16xi32>
            %add3A_248 = arith.addi %broadcast_in_dim3A_237, %add3A_247 : vector<16xi32>
            %gather3A_249 = tpu.vector_load_idx %arg5[%iota3A, %add3A_248] : memref<16x1041xf32, #tpu.memory_space<vmem>>[vector<16xi32>, vector<16xi32>], vector<16xf32>,
            %add3A_250 = arith.constant 3 : i32
            %add3A_251 = vector.broadcast %add3A_250 : i32 to vector<16xi32>
            %add3A_252 = arith.addi %broadcast_in_dim3A_237, %add3A_251 : vector<16xi32>
            %gather3A_253 = tpu.vector_load_idx %arg5[%iota3A, %add3A_252] : memref<16x1041xf32, #tpu.memory_space<vmem>>[vector<16xi32>, vector<16xi32>], vector<16xf32>,
            %add3A_254 = arith.constant 4 : i32
            %add3A_255 = vector.broadcast %add3A_254 : i32 to vector<16xi32>
            %add3A_256 = arith.addi %broadcast_in_dim3A_237, %add3A_255 : vector<16xi32>
            %gather3A_257 = tpu.vector_load_idx %arg5[%iota3A, %add3A_256] : memref<16x1041xf32, #tpu.memory_space<vmem>>[vector<16xi32>, vector<16xi32>], vector<16xf32>,
            %add3A_258 = arith.constant 5 : i32
            %add3A_259 = vector.broadcast %add3A_258 : i32 to vector<16xi32>
            %add3A_260 = arith.addi %broadcast_in_dim3A_237, %add3A_259 : vector<16xi32>
            %gather3A_261 = tpu.vector_load_idx %arg5[%iota3A, %add3A_260] : memref<16x1041xf32, #tpu.memory_space<vmem>>[vector<16xi32>, vector<16xi32>], vector<16xf32>,
            %add3A_262 = arith.constant 6 : i32
            %add3A_263 = vector.broadcast %add3A_262 : i32 to vector<16xi32>
            %add3A_264 = arith.addi %broadcast_in_dim3A_237, %add3A_263 : vector<16xi32>
            %gather3A_265 = tpu.vector_load_idx %arg5[%iota3A, %add3A_264] : memref<16x1041xf32, #tpu.memory_space<vmem>>[vector<16xi32>, vector<16xi32>], vector<16xf32>,
            %add3A_266 = arith.constant 7 : i32
            %add3A_267 = vector.broadcast %add3A_266 : i32 to vector<16xi32>
            %add3A_268 = arith.addi %broadcast_in_dim3A_237, %add3A_267 : vector<16xi32>
            %gather3A_269 = tpu.vector_load_idx %arg5[%iota3A, %add3A_268] : memref<16x1041xf32, #tpu.memory_space<vmem>>[vector<16xi32>, vector<16xi32>], vector<16xf32>,
            %add3A_270 = arith.constant 8 : i32
            %add3A_271 = vector.broadcast %add3A_270 : i32 to vector<16xi32>
            %add3A_272 = arith.addi %broadcast_in_dim3A_237, %add3A_271 : vector<16xi32>
            %gather3A_273 = tpu.vector_load_idx %arg5[%iota3A, %add3A_272] : memref<16x1041xf32, #tpu.memory_space<vmem>>[vector<16xi32>, vector<16xi32>], vector<16xf32>,
            %add3A_274 = arith.constant 9 : i32
            %add3A_275 = vector.broadcast %add3A_274 : i32 to vector<16xi32>
            %add3A_276 = arith.addi %broadcast_in_dim3A_237, %add3A_275 : vector<16xi32>
            %gather3A_277 = tpu.vector_load_idx %arg5[%iota3A, %add3A_276] : memref<16x1041xf32, #tpu.memory_space<vmem>>[vector<16xi32>, vector<16xi32>], vector<16xf32>,
            %add3A_278 = arith.constant 10 : i32
            %add3A_279 = vector.broadcast %add3A_278 : i32 to vector<16xi32>
            %add3A_280 = arith.addi %broadcast_in_dim3A_237, %add3A_279 : vector<16xi32>
            %gather3A_281 = tpu.vector_load_idx %arg5[%iota3A, %add3A_280] : memref<16x1041xf32, #tpu.memory_space<vmem>>[vector<16xi32>, vector<16xi32>], vector<16xf32>,
            %add3A_282 = arith.constant 11 : i32
            %add3A_283 = vector.broadcast %add3A_282 : i32 to vector<16xi32>
            %add3A_284 = arith.addi %broadcast_in_dim3A_237, %add3A_283 : vector<16xi32>
            %gather3A_285 = tpu.vector_load_idx %arg5[%iota3A, %add3A_284] : memref<16x1041xf32, #tpu.memory_space<vmem>>[vector<16xi32>, vector<16xi32>], vector<16xf32>,
            %add3A_286 = arith.constant 12 : i32
            %add3A_287 = vector.broadcast %add3A_286 : i32 to vector<16xi32>
            %add3A_288 = arith.addi %broadcast_in_dim3A_237, %add3A_287 : vector<16xi32>
            %gather3A_289 = tpu.vector_load_idx %arg5[%iota3A, %add3A_288] : memref<16x1041xf32, #tpu.memory_space<vmem>>[vector<16xi32>, vector<16xi32>], vector<16xf32>,
            %add3A_290 = arith.constant 13 : i32
            %add3A_291 = vector.broadcast %add3A_290 : i32 to vector<16xi32>
            %add3A_292 = arith.addi %broadcast_in_dim3A_237, %add3A_291 : vector<16xi32>
            %gather3A_293 = tpu.vector_load_idx %arg5[%iota3A, %add3A_292] : memref<16x1041xf32, #tpu.memory_space<vmem>>[vector<16xi32>, vector<16xi32>], vector<16xf32>,
            %add3A_294 = arith.constant 14 : i32
            %add3A_295 = vector.broadcast %add3A_294 : i32 to vector<16xi32>
            %add3A_296 = arith.addi %broadcast_in_dim3A_237, %add3A_295 : vector<16xi32>
            %gather3A_297 = tpu.vector_load_idx %arg5[%iota3A, %add3A_296] : memref<16x1041xf32, #tpu.memory_space<vmem>>[vector<16xi32>, vector<16xi32>], vector<16xf32>,
            %add3A_298 = arith.constant 15 : i32
            %add3A_299 = vector.broadcast %add3A_298 : i32 to vector<16xi32>
            %add3A_300 = arith.addi %broadcast_in_dim3A_237, %add3A_299 : vector<16xi32>
            %gather3A_301 = tpu.vector_load_idx %arg5[%iota3A, %add3A_300] : memref<16x1041xf32, #tpu.memory_space<vmem>>[vector<16xi32>, vector<16xi32>], vector<16xf32>,
            %sub3A = arith.constant 1 : i32
            %sub3A_302 = arith.subi %scan3A_217, %sub3A : i32
            %mul3A_303 = arith.constant 16 : i32
            %mul3A_304 = arith.muli %sub3A_302, %mul3A_303 : i32
            %add3A_305 = arith.addi %mul3A_90, %mul3A_304 : i32
            %mul3A_306 = arith.constant 16 : i32
            %mul3A_307 = arith.muli %add3A_305, %mul3A_306 : i32
            %broadcast_in_dim3A_308 = vector.broadcast %mul3A_307 : i32 to vector<16xi32>
            %add3A_309 = arith.addi %broadcast_in_dim3A_308, %iota3A_91 : vector<16xi32>
            %add3A_310 = arith.constant 0 : i32
            %add3A_311 = vector.broadcast %add3A_310 : i32 to vector<16xi32>
            %add3A_312 = arith.addi %add3A_309, %add3A_311 : vector<16xi32>
            tpu.vector_store_idx %arg7[%add3A_312], %scan3A_218 : memref<16384xf32, #tpu.memory_space<vmem>>[vector<16xi32>], vector<16xf32>,
            %add3A_313 = arith.constant 16 : i32
            %add3A_314 = vector.broadcast %add3A_313 : i32 to vector<16xi32>
            %add3A_315 = arith.addi %add3A_309, %add3A_314 : vector<16xi32>
            tpu.vector_store_idx %arg7[%add3A_315], %scan3A_219 : memref<16384xf32, #tpu.memory_space<vmem>>[vector<16xi32>], vector<16xf32>,
            %add3A_316 = arith.constant 32 : i32
            %add3A_317 = vector.broadcast %add3A_316 : i32 to vector<16xi32>
            %add3A_318 = arith.addi %add3A_309, %add3A_317 : vector<16xi32>
            tpu.vector_store_idx %arg7[%add3A_318], %scan3A_220 : memref<16384xf32, #tpu.memory_space<vmem>>[vector<16xi32>], vector<16xf32>,
            %add3A_319 = arith.constant 48 : i32
            %add3A_320 = vector.broadcast %add3A_319 : i32 to vector<16xi32>
            %add3A_321 = arith.addi %add3A_309, %add3A_320 : vector<16xi32>
            tpu.vector_store_idx %arg7[%add3A_321], %scan3A_221 : memref<16384xf32, #tpu.memory_space<vmem>>[vector<16xi32>], vector<16xf32>,
            %add3A_322 = arith.constant 64 : i32
            %add3A_323 = vector.broadcast %add3A_322 : i32 to vector<16xi32>
            %add3A_324 = arith.addi %add3A_309, %add3A_323 : vector<16xi32>
            tpu.vector_store_idx %arg7[%add3A_324], %scan3A_222 : memref<16384xf32, #tpu.memory_space<vmem>>[vector<16xi32>], vector<16xf32>,
            %add3A_325 = arith.constant 80 : i32
            %add3A_326 = vector.broadcast %add3A_325 : i32 to vector<16xi32>
            %add3A_327 = arith.addi %add3A_309, %add3A_326 : vector<16xi32>
            tpu.vector_store_idx %arg7[%add3A_327], %scan3A_223 : memref<16384xf32, #tpu.memory_space<vmem>>[vector<16xi32>], vector<16xf32>,
            %add3A_328 = arith.constant 96 : i32
            %add3A_329 = vector.broadcast %add3A_328 : i32 to vector<16xi32>
            %add3A_330 = arith.addi %add3A_309, %add3A_329 : vector<16xi32>
            tpu.vector_store_idx %arg7[%add3A_330], %scan3A_224 : memref<16384xf32, #tpu.memory_space<vmem>>[vector<16xi32>], vector<16xf32>,
            %add3A_331 = arith.constant 112 : i32
            %add3A_332 = vector.broadcast %add3A_331 : i32 to vector<16xi32>
            %add3A_333 = arith.addi %add3A_309, %add3A_332 : vector<16xi32>
            tpu.vector_store_idx %arg7[%add3A_333], %scan3A_225 : memref<16384xf32, #tpu.memory_space<vmem>>[vector<16xi32>], vector<16xf32>,
            %add3A_334 = arith.constant 128 : i32
            %add3A_335 = vector.broadcast %add3A_334 : i32 to vector<16xi32>
            %add3A_336 = arith.addi %add3A_309, %add3A_335 : vector<16xi32>
            tpu.vector_store_idx %arg7[%add3A_336], %scan3A_226 : memref<16384xf32, #tpu.memory_space<vmem>>[vector<16xi32>], vector<16xf32>,
            %add3A_337 = arith.constant 144 : i32
            %add3A_338 = vector.broadcast %add3A_337 : i32 to vector<16xi32>
            %add3A_339 = arith.addi %add3A_309, %add3A_338 : vector<16xi32>
            tpu.vector_store_idx %arg7[%add3A_339], %scan3A_227 : memref<16384xf32, #tpu.memory_space<vmem>>[vector<16xi32>], vector<16xf32>,
            %add3A_340 = arith.constant 160 : i32
            %add3A_341 = vector.broadcast %add3A_340 : i32 to vector<16xi32>
            %add3A_342 = arith.addi %add3A_309, %add3A_341 : vector<16xi32>
            tpu.vector_store_idx %arg7[%add3A_342], %scan3A_228 : memref<16384xf32, #tpu.memory_space<vmem>>[vector<16xi32>], vector<16xf32>,
            %add3A_343 = arith.constant 176 : i32
            %add3A_344 = vector.broadcast %add3A_343 : i32 to vector<16xi32>
            %add3A_345 = arith.addi %add3A_309, %add3A_344 : vector<16xi32>
            tpu.vector_store_idx %arg7[%add3A_345], %scan3A_229 : memref<16384xf32, #tpu.memory_space<vmem>>[vector<16xi32>], vector<16xf32>,
            %add3A_346 = arith.constant 192 : i32
            %add3A_347 = vector.broadcast %add3A_346 : i32 to vector<16xi32>
            %add3A_348 = arith.addi %add3A_309, %add3A_347 : vector<16xi32>
            tpu.vector_store_idx %arg7[%add3A_348], %scan3A_230 : memref<16384xf32, #tpu.memory_space<vmem>>[vector<16xi32>], vector<16xf32>,
            %add3A_349 = arith.constant 208 : i32
            %add3A_350 = vector.broadcast %add3A_349 : i32 to vector<16xi32>
            %add3A_351 = arith.addi %add3A_309, %add3A_350 : vector<16xi32>
            tpu.vector_store_idx %arg7[%add3A_351], %scan3A_231 : memref<16384xf32, #tpu.memory_space<vmem>>[vector<16xi32>], vector<16xf32>,
            %add3A_352 = arith.constant 224 : i32
            %add3A_353 = vector.broadcast %add3A_352 : i32 to vector<16xi32>
            %add3A_354 = arith.addi %add3A_309, %add3A_353 : vector<16xi32>
            tpu.vector_store_idx %arg7[%add3A_354], %scan3A_232 : memref<16384xf32, #tpu.memory_space<vmem>>[vector<16xi32>], vector<16xf32>,
            %add3A_355 = arith.constant 240 : i32
            %add3A_356 = vector.broadcast %add3A_355 : i32 to vector<16xi32>
            %add3A_357 = arith.addi %add3A_309, %add3A_356 : vector<16xi32>
            tpu.vector_store_idx %arg7[%add3A_357], %scan3A_233 : memref<16384xf32, #tpu.memory_space<vmem>>[vector<16xi32>], vector<16xf32>,
            scf.yield %gather3A_241, %gather3A_245, %gather3A_249, %gather3A_253, %gather3A_257, %gather3A_261, %gather3A_265, %gather3A_269, %gather3A_273, %gather3A_277, %gather3A_281, %gather3A_285, %gather3A_289, %gather3A_293, %gather3A_297, %gather3A_301 : vector<16xf32>, vector<16xf32>, vector<16xf32>, vector<16xf32>, vector<16xf32>, vector<16xf32>, vector<16xf32>, vector<16xf32>, vector<16xf32>, vector<16xf32>, vector<16xf32>, vector<16xf32>, vector<16xf32>, vector<16xf32>, vector<16xf32>, vector<16xf32>
          }
          %scan3A_162 = arith.constant 7 : i32
          %add3A_163 = arith.constant 112 : i32
          %add3A_164 = arith.addi %mul3A_90, %add3A_163 : i32
          %mul3A_165 = arith.constant 16 : i32
          %mul3A_166 = arith.muli %add3A_164, %mul3A_165 : i32
          %broadcast_in_dim3A_167 = vector.broadcast %mul3A_166 : i32 to vector<16xi32>
          %add3A_168 = arith.addi %broadcast_in_dim3A_167, %iota3A_91 : vector<16xi32>
          %add3A_169 = arith.constant 0 : i32
          %add3A_170 = vector.broadcast %add3A_169 : i32 to vector<16xi32>
          %add3A_171 = arith.addi %add3A_168, %add3A_170 : vector<16xi32>
          tpu.vector_store_idx %arg7[%add3A_171], %scan3A_161#0 : memref<16384xf32, #tpu.memory_space<vmem>>[vector<16xi32>], vector<16xf32>,
          %add3A_172 = arith.constant 16 : i32
          %add3A_173 = vector.broadcast %add3A_172 : i32 to vector<16xi32>
          %add3A_174 = arith.addi %add3A_168, %add3A_173 : vector<16xi32>
          tpu.vector_store_idx %arg7[%add3A_174], %scan3A_161#1 : memref<16384xf32, #tpu.memory_space<vmem>>[vector<16xi32>], vector<16xf32>,
          %add3A_175 = arith.constant 32 : i32
          %add3A_176 = vector.broadcast %add3A_175 : i32 to vector<16xi32>
          %add3A_177 = arith.addi %add3A_168, %add3A_176 : vector<16xi32>
          tpu.vector_store_idx %arg7[%add3A_177], %scan3A_161#2 : memref<16384xf32, #tpu.memory_space<vmem>>[vector<16xi32>], vector<16xf32>,
          %add3A_178 = arith.constant 48 : i32
          %add3A_179 = vector.broadcast %add3A_178 : i32 to vector<16xi32>
          %add3A_180 = arith.addi %add3A_168, %add3A_179 : vector<16xi32>
          tpu.vector_store_idx %arg7[%add3A_180], %scan3A_161#3 : memref<16384xf32, #tpu.memory_space<vmem>>[vector<16xi32>], vector<16xf32>,
          %add3A_181 = arith.constant 64 : i32
          %add3A_182 = vector.broadcast %add3A_181 : i32 to vector<16xi32>
          %add3A_183 = arith.addi %add3A_168, %add3A_182 : vector<16xi32>
          tpu.vector_store_idx %arg7[%add3A_183], %scan3A_161#4 : memref<16384xf32, #tpu.memory_space<vmem>>[vector<16xi32>], vector<16xf32>,
          %add3A_184 = arith.constant 80 : i32
          %add3A_185 = vector.broadcast %add3A_184 : i32 to vector<16xi32>
          %add3A_186 = arith.addi %add3A_168, %add3A_185 : vector<16xi32>
          tpu.vector_store_idx %arg7[%add3A_186], %scan3A_161#5 : memref<16384xf32, #tpu.memory_space<vmem>>[vector<16xi32>], vector<16xf32>,
          %add3A_187 = arith.constant 96 : i32
          %add3A_188 = vector.broadcast %add3A_187 : i32 to vector<16xi32>
          %add3A_189 = arith.addi %add3A_168, %add3A_188 : vector<16xi32>
          tpu.vector_store_idx %arg7[%add3A_189], %scan3A_161#6 : memref<16384xf32, #tpu.memory_space<vmem>>[vector<16xi32>], vector<16xf32>,
          %add3A_190 = arith.constant 112 : i32
          %add3A_191 = vector.broadcast %add3A_190 : i32 to vector<16xi32>
          %add3A_192 = arith.addi %add3A_168, %add3A_191 : vector<16xi32>
          tpu.vector_store_idx %arg7[%add3A_192], %scan3A_161#7 : memref<16384xf32, #tpu.memory_space<vmem>>[vector<16xi32>], vector<16xf32>,
          %add3A_193 = arith.constant 128 : i32
          %add3A_194 = vector.broadcast %add3A_193 : i32 to vector<16xi32>
          %add3A_195 = arith.addi %add3A_168, %add3A_194 : vector<16xi32>
          tpu.vector_store_idx %arg7[%add3A_195], %scan3A_161#8 : memref<16384xf32, #tpu.memory_space<vmem>>[vector<16xi32>], vector<16xf32>,
          %add3A_196 = arith.constant 144 : i32
          %add3A_197 = vector.broadcast %add3A_196 : i32 to vector<16xi32>
          %add3A_198 = arith.addi %add3A_168, %add3A_197 : vector<16xi32>
          tpu.vector_store_idx %arg7[%add3A_198], %scan3A_161#9 : memref<16384xf32, #tpu.memory_space<vmem>>[vector<16xi32>], vector<16xf32>,
          %add3A_199 = arith.constant 160 : i32
          %add3A_200 = vector.broadcast %add3A_199 : i32 to vector<16xi32>
          %add3A_201 = arith.addi %add3A_168, %add3A_200 : vector<16xi32>
          tpu.vector_store_idx %arg7[%add3A_201], %scan3A_161#10 : memref<16384xf32, #tpu.memory_space<vmem>>[vector<16xi32>], vector<16xf32>,
          %add3A_202 = arith.constant 176 : i32
          %add3A_203 = vector.broadcast %add3A_202 : i32 to vector<16xi32>
          %add3A_204 = arith.addi %add3A_168, %add3A_203 : vector<16xi32>
          tpu.vector_store_idx %arg7[%add3A_204], %scan3A_161#11 : memref<16384xf32, #tpu.memory_space<vmem>>[vector<16xi32>], vector<16xf32>,
          %add3A_205 = arith.constant 192 : i32
          %add3A_206 = vector.broadcast %add3A_205 : i32 to vector<16xi32>
          %add3A_207 = arith.addi %add3A_168, %add3A_206 : vector<16xi32>
          tpu.vector_store_idx %arg7[%add3A_207], %scan3A_161#12 : memref<16384xf32, #tpu.memory_space<vmem>>[vector<16xi32>], vector<16xf32>,
          %add3A_208 = arith.constant 208 : i32
          %add3A_209 = vector.broadcast %add3A_208 : i32 to vector<16xi32>
          %add3A_210 = arith.addi %add3A_168, %add3A_209 : vector<16xi32>
          tpu.vector_store_idx %arg7[%add3A_210], %scan3A_161#13 : memref<16384xf32, #tpu.memory_space<vmem>>[vector<16xi32>], vector<16xf32>,
          %add3A_211 = arith.constant 224 : i32
          %add3A_212 = vector.broadcast %add3A_211 : i32 to vector<16xi32>
          %add3A_213 = arith.addi %add3A_168, %add3A_212 : vector<16xi32>
          tpu.vector_store_idx %arg7[%add3A_213], %scan3A_161#14 : memref<16384xf32, #tpu.memory_space<vmem>>[vector<16xi32>], vector<16xf32>,
          %add3A_214 = arith.constant 240 : i32
          %add3A_215 = vector.broadcast %add3A_214 : i32 to vector<16xi32>
          %add3A_216 = arith.addi %add3A_168, %add3A_215 : vector<16xi32>
          tpu.vector_store_idx %arg7[%add3A_216], %scan3A_161#15 : memref<16384xf32, #tpu.memory_space<vmem>>[vector<16xi32>], vector<16xf32>,
        }
        %scan3A_77 = arith.constant 8 : i32
        %mul3A_78 = arith.constant 32 : i32
        %mul3A_79 = arith.muli %while3A_34, %mul3A_78 : i32
        %add3A_80 = arith.addi %add3A, %mul3A_79 : i32
        %mul3A_81 = arith.constant 1024 : i32
        %mul3A_82 = arith.muli %add3A_80, %mul3A_81 : i32
        %multiple_of3A_83 = tpu.assume_multiple %mul3A_82, 1024 : i32
        %mul3A_84 = arith.constant 16 : i32
        %mul3A_85 = arith.muli %multiple_of3A_83, %mul3A_84 : i32
        %multiple_of3A_86 = tpu.assume_multiple %mul3A_85, 16384 : i32
        %dma_start3A = tpu.memref_slice %arg4[%multiple_of3A_86] : memref<16000000xf32, #tpu.memory_space<hbm>> -> memref<16384xf32, #tpu.memory_space<hbm>>
        %dma_start3A_87 = tpu.memref_slice %arg4[%multiple_of3A_86] : memref<16000000xf32, #tpu.memory_space<hbm>> -> memref<16384xf32, #tpu.memory_space<hbm>>
        tpu.enqueue_dma source(%arg7 : memref<16384xf32, #tpu.memory_space<vmem>>) target(%dma_start3A_87 : memref<16384xf32, #tpu.memory_space<hbm>>) target_semaphore(%arg11 : memref<!tpu.dma_semaphore, #tpu.memory_space<semaphore_mem>>)
      } else {
      }
      %rem3A_41 = arith.constant 2 : i32
      %rem3A_42 = arith.remsi %while3A_34, %rem3A_41 : i32
      %eq3A_43 = arith.constant 1 : i32
      %eq3A_44 = arith.cmpi eq, %rem3A_42, %eq3A_43 : i32
      %convert_element_type3A_45 = arith.extui %eq3A_44 : i1 to i32
      %cond3A_46 = arith.constant 0 : i32
      %cond3A_47 = arith.cmpi ne, %convert_element_type3A_45, %cond3A_46 : i32
      scf.if %cond3A_47 {
        %add3A_48 = arith.constant 1 : i32
        %add3A_49 = arith.addi %while3A_34, %add3A_48 : i32
        %lt3A_50 = arith.cmpi slt, %add3A_49, %add3A_4 : i32
        %convert_element_type3A_51 = arith.extui %lt3A_50 : i1 to i32
        %cond3A_52 = arith.constant 0 : i32
        %cond3A_53 = arith.cmpi ne, %convert_element_type3A_51, %cond3A_52 : i32
        scf.if %cond3A_53 {
          %add3A_88 = arith.constant 1 : i32
          %add3A_89 = arith.addi %while3A_34, %add3A_88 : i32
          %mul3A_90 = arith.constant 32 : i32
          %mul3A_91 = arith.muli %add3A_89, %mul3A_90 : i32
          %add3A_92 = arith.addi %add3A, %mul3A_91 : i32
          %mul3A_93 = arith.constant 1024 : i32
          %mul3A_94 = arith.muli %add3A_92, %mul3A_93 : i32
          %multiple_of3A_95 = tpu.assume_multiple %mul3A_94, 1024 : i32
          %dma_start3A_96 = arith.constant 0 : i32
          %dma_start3A_97 = arith.constant 0 : i32
          %dma_start3A_98 = tpu.memref_slice %arg5[%dma_start3A_96, %dma_start3A_97] : memref<16x1041xf32, #tpu.memory_space<vmem>> -> memref<16x1024xf32, #tpu.memory_space<vmem>>
          %dma_start3A_99 = arith.constant 0 : i32
          %dma_start3A_100 = tpu.memref_slice %arg2[%dma_start3A_99, %multiple_of3A_95] : memref<16x1000000xf32, #tpu.memory_space<hbm>> -> memref<16x1024xf32, #tpu.memory_space<hbm>>
          %dma_start3A_101 = arith.constant 0 : i32
          %dma_start3A_102 = arith.constant 0 : i32
          %dma_start3A_103 = tpu.memref_slice %arg5[%dma_start3A_101, %dma_start3A_102] : memref<16x1041xf32, #tpu.memory_space<vmem>> -> memref<16x1024xf32, #tpu.memory_space<vmem>>
          %dma_start3A_104 = arith.constant 0 : i32
          %dma_start3A_105 = tpu.memref_slice %arg2[%dma_start3A_104, %multiple_of3A_95] : memref<16x1000000xf32, #tpu.memory_space<hbm>> -> memref<16x1024xf32, #tpu.memory_space<hbm>>
          tpu.enqueue_dma source(%dma_start3A_105 : memref<16x1024xf32, #tpu.memory_space<hbm>>) target(%dma_start3A_103 : memref<16x1024xf32, #tpu.memory_space<vmem>>) target_semaphore(%arg9 : memref<!tpu.dma_semaphore, #tpu.memory_space<semaphore_mem>>)
        } else {
        }
        %ge3A_54 = arith.constant 2 : i32
        %ge3A_55 = arith.cmpi sge, %while3A_34, %ge3A_54 : i32
        %convert_element_type3A_56 = arith.extui %ge3A_55 : i1 to i32
        %cond3A_57 = arith.constant 0 : i32
        %cond3A_58 = arith.cmpi ne, %convert_element_type3A_56, %cond3A_57 : i32
        scf.if %cond3A_58 {
          %sub3A = arith.constant 2 : i32
          %sub3A_88 = arith.subi %while3A_34, %sub3A : i32
          %mul3A_89 = arith.constant 32 : i32
          %mul3A_90 = arith.muli %sub3A_88, %mul3A_89 : i32
          %add3A_91 = arith.addi %add3A, %mul3A_90 : i32
          %mul3A_92 = arith.constant 1024 : i32
          %mul3A_93 = arith.muli %add3A_91, %mul3A_92 : i32
          %multiple_of3A_94 = tpu.assume_multiple %mul3A_93, 1024 : i32
          %mul3A_95 = arith.constant 16 : i32
          %mul3A_96 = arith.muli %multiple_of3A_94, %mul3A_95 : i32
          %multiple_of3A_97 = tpu.assume_multiple %mul3A_96, 16384 : i32
          %dma_wait3A_98 = tpu.memref_slice %arg4[%multiple_of3A_97] : memref<16000000xf32, #tpu.memory_space<hbm>> -> memref<16384xf32, #tpu.memory_space<hbm>>
          %dma_wait3A_99 = tpu.memref_slice %arg4[%multiple_of3A_97] : memref<16000000xf32, #tpu.memory_space<hbm>> -> memref<16384xf32, #tpu.memory_space<hbm>>
          tpu.wait_dma2 semaphore(%arg12 : memref<!tpu.dma_semaphore, #tpu.memory_space<semaphore_mem>>) src(%arg8 : memref<16384xf32, #tpu.memory_space<vmem>>) dst(%dma_wait3A_99 : memref<16384xf32, #tpu.memory_space<hbm>>)
        } else {
        }
        %mul3A_59 = arith.constant 32 : i32
        %mul3A_60 = arith.muli %while3A_34, %mul3A_59 : i32
        %add3A_61 = arith.addi %add3A, %mul3A_60 : i32
        %mul3A_62 = arith.constant 1024 : i32
        %mul3A_63 = arith.muli %add3A_61, %mul3A_62 : i32
        %multiple_of3A = tpu.assume_multiple %mul3A_63, 1024 : i32
        %dma_wait3A = arith.constant 0 : i32
        %dma_wait3A_64 = arith.constant 0 : i32
        %dma_wait3A_65 = tpu.memref_slice %arg6[%dma_wait3A, %dma_wait3A_64] : memref<16x1041xf32, #tpu.memory_space<vmem>> -> memref<16x1024xf32, #tpu.memory_space<vmem>>
        %dma_wait3A_66 = arith.constant 0 : i32
        %dma_wait3A_67 = tpu.memref_slice %arg2[%dma_wait3A_66, %multiple_of3A] : memref<16x1000000xf32, #tpu.memory_space<hbm>> -> memref<16x1024xf32, #tpu.memory_space<hbm>>
        %dma_wait3A_68 = arith.constant 0 : i32
        %dma_wait3A_69 = arith.constant 0 : i32
        %dma_wait3A_70 = tpu.memref_slice %arg6[%dma_wait3A_68, %dma_wait3A_69] : memref<16x1041xf32, #tpu.memory_space<vmem>> -> memref<16x1024xf32, #tpu.memory_space<vmem>>
        %dma_wait3A_71 = arith.constant 0 : i32
        %dma_wait3A_72 = tpu.memref_slice %arg2[%dma_wait3A_71, %multiple_of3A] : memref<16x1000000xf32, #tpu.memory_space<hbm>> -> memref<16x1024xf32, #tpu.memory_space<hbm>>
        tpu.wait_dma2 semaphore(%arg10 : memref<!tpu.dma_semaphore, #tpu.memory_space<semaphore_mem>>) src(%dma_wait3A_72 : memref<16x1024xf32, #tpu.memory_space<hbm>>) dst(%dma_wait3A_70 : memref<16x1024xf32, #tpu.memory_space<vmem>>)
        %scan3A = arith.constant 0 : i32
        %scan3A_73 = arith.constant 0 : i32
        %scan3A_74 = arith.constant 8 : i32
        %scan3A_75 = arith.addi %scan3A_73, %scan3A_74 : i32
        %scan3A_76 = arith.constant 1 : i32
        scf.for %scan3A_88 = %scan3A_73 to %scan3A_75 step %scan3A_76  : i32 {
          %mul3A_89 = arith.constant 128 : i32
          %mul3A_90 = arith.muli %scan3A_88, %mul3A_89 : i32
          %iota3A = tpu.iota {dimensions = array<i32: 0>} : vector<16xi32>
          %iota3A_91 = tpu.iota {dimensions = array<i32: 0>} : vector<16xi32>
          %add3A_92 = arith.constant 0 : i32
          %add3A_93 = arith.addi %mul3A_90, %add3A_92 : i32
          %broadcast_in_dim3A = vector.broadcast %add3A_93 : i32 to vector<16xi32>
          %add3A_94 = arith.constant 0 : i32
          %add3A_95 = vector.broadcast %add3A_94 : i32 to vector<16xi32>
          %add3A_96 = arith.addi %broadcast_in_dim3A, %add3A_95 : vector<16xi32>
          %gather3A = tpu.vector_load_idx %arg6[%iota3A, %add3A_96] : memref<16x1041xf32, #tpu.memory_space<vmem>>[vector<16xi32>, vector<16xi32>], vector<16xf32>,
          %add3A_97 = arith.constant 1 : i32
          %add3A_98 = vector.broadcast %add3A_97 : i32 to vector<16xi32>
          %add3A_99 = arith.addi %broadcast_in_dim3A, %add3A_98 : vector<16xi32>
          %gather3A_100 = tpu.vector_load_idx %arg6[%iota3A, %add3A_99] : memref<16x1041xf32, #tpu.memory_space<vmem>>[vector<16xi32>, vector<16xi32>], vector<16xf32>,
          %add3A_101 = arith.constant 2 : i32
          %add3A_102 = vector.broadcast %add3A_101 : i32 to vector<16xi32>
          %add3A_103 = arith.addi %broadcast_in_dim3A, %add3A_102 : vector<16xi32>
          %gather3A_104 = tpu.vector_load_idx %arg6[%iota3A, %add3A_103] : memref<16x1041xf32, #tpu.memory_space<vmem>>[vector<16xi32>, vector<16xi32>], vector<16xf32>,
          %add3A_105 = arith.constant 3 : i32
          %add3A_106 = vector.broadcast %add3A_105 : i32 to vector<16xi32>
          %add3A_107 = arith.addi %broadcast_in_dim3A, %add3A_106 : vector<16xi32>
          %gather3A_108 = tpu.vector_load_idx %arg6[%iota3A, %add3A_107] : memref<16x1041xf32, #tpu.memory_space<vmem>>[vector<16xi32>, vector<16xi32>], vector<16xf32>,
          %add3A_109 = arith.constant 4 : i32
          %add3A_110 = vector.broadcast %add3A_109 : i32 to vector<16xi32>
          %add3A_111 = arith.addi %broadcast_in_dim3A, %add3A_110 : vector<16xi32>
          %gather3A_112 = tpu.vector_load_idx %arg6[%iota3A, %add3A_111] : memref<16x1041xf32, #tpu.memory_space<vmem>>[vector<16xi32>, vector<16xi32>], vector<16xf32>,
          %add3A_113 = arith.constant 5 : i32
          %add3A_114 = vector.broadcast %add3A_113 : i32 to vector<16xi32>
          %add3A_115 = arith.addi %broadcast_in_dim3A, %add3A_114 : vector<16xi32>
          %gather3A_116 = tpu.vector_load_idx %arg6[%iota3A, %add3A_115] : memref<16x1041xf32, #tpu.memory_space<vmem>>[vector<16xi32>, vector<16xi32>], vector<16xf32>,
          %add3A_117 = arith.constant 6 : i32
          %add3A_118 = vector.broadcast %add3A_117 : i32 to vector<16xi32>
          %add3A_119 = arith.addi %broadcast_in_dim3A, %add3A_118 : vector<16xi32>
          %gather3A_120 = tpu.vector_load_idx %arg6[%iota3A, %add3A_119] : memref<16x1041xf32, #tpu.memory_space<vmem>>[vector<16xi32>, vector<16xi32>], vector<16xf32>,
          %add3A_121 = arith.constant 7 : i32
          %add3A_122 = vector.broadcast %add3A_121 : i32 to vector<16xi32>
          %add3A_123 = arith.addi %broadcast_in_dim3A, %add3A_122 : vector<16xi32>
          %gather3A_124 = tpu.vector_load_idx %arg6[%iota3A, %add3A_123] : memref<16x1041xf32, #tpu.memory_space<vmem>>[vector<16xi32>, vector<16xi32>], vector<16xf32>,
          %add3A_125 = arith.constant 8 : i32
          %add3A_126 = vector.broadcast %add3A_125 : i32 to vector<16xi32>
          %add3A_127 = arith.addi %broadcast_in_dim3A, %add3A_126 : vector<16xi32>
          %gather3A_128 = tpu.vector_load_idx %arg6[%iota3A, %add3A_127] : memref<16x1041xf32, #tpu.memory_space<vmem>>[vector<16xi32>, vector<16xi32>], vector<16xf32>,
          %add3A_129 = arith.constant 9 : i32
          %add3A_130 = vector.broadcast %add3A_129 : i32 to vector<16xi32>
          %add3A_131 = arith.addi %broadcast_in_dim3A, %add3A_130 : vector<16xi32>
          %gather3A_132 = tpu.vector_load_idx %arg6[%iota3A, %add3A_131] : memref<16x1041xf32, #tpu.memory_space<vmem>>[vector<16xi32>, vector<16xi32>], vector<16xf32>,
          %add3A_133 = arith.constant 10 : i32
          %add3A_134 = vector.broadcast %add3A_133 : i32 to vector<16xi32>
          %add3A_135 = arith.addi %broadcast_in_dim3A, %add3A_134 : vector<16xi32>
          %gather3A_136 = tpu.vector_load_idx %arg6[%iota3A, %add3A_135] : memref<16x1041xf32, #tpu.memory_space<vmem>>[vector<16xi32>, vector<16xi32>], vector<16xf32>,
          %add3A_137 = arith.constant 11 : i32
          %add3A_138 = vector.broadcast %add3A_137 : i32 to vector<16xi32>
          %add3A_139 = arith.addi %broadcast_in_dim3A, %add3A_138 : vector<16xi32>
          %gather3A_140 = tpu.vector_load_idx %arg6[%iota3A, %add3A_139] : memref<16x1041xf32, #tpu.memory_space<vmem>>[vector<16xi32>, vector<16xi32>], vector<16xf32>,
          %add3A_141 = arith.constant 12 : i32
          %add3A_142 = vector.broadcast %add3A_141 : i32 to vector<16xi32>
          %add3A_143 = arith.addi %broadcast_in_dim3A, %add3A_142 : vector<16xi32>
          %gather3A_144 = tpu.vector_load_idx %arg6[%iota3A, %add3A_143] : memref<16x1041xf32, #tpu.memory_space<vmem>>[vector<16xi32>, vector<16xi32>], vector<16xf32>,
          %add3A_145 = arith.constant 13 : i32
          %add3A_146 = vector.broadcast %add3A_145 : i32 to vector<16xi32>
          %add3A_147 = arith.addi %broadcast_in_dim3A, %add3A_146 : vector<16xi32>
          %gather3A_148 = tpu.vector_load_idx %arg6[%iota3A, %add3A_147] : memref<16x1041xf32, #tpu.memory_space<vmem>>[vector<16xi32>, vector<16xi32>], vector<16xf32>,
          %add3A_149 = arith.constant 14 : i32
          %add3A_150 = vector.broadcast %add3A_149 : i32 to vector<16xi32>
          %add3A_151 = arith.addi %broadcast_in_dim3A, %add3A_150 : vector<16xi32>
          %gather3A_152 = tpu.vector_load_idx %arg6[%iota3A, %add3A_151] : memref<16x1041xf32, #tpu.memory_space<vmem>>[vector<16xi32>, vector<16xi32>], vector<16xf32>,
          %add3A_153 = arith.constant 15 : i32
          %add3A_154 = vector.broadcast %add3A_153 : i32 to vector<16xi32>
          %add3A_155 = arith.addi %broadcast_in_dim3A, %add3A_154 : vector<16xi32>
          %gather3A_156 = tpu.vector_load_idx %arg6[%iota3A, %add3A_155] : memref<16x1041xf32, #tpu.memory_space<vmem>>[vector<16xi32>, vector<16xi32>], vector<16xf32>,
          %scan3A_157 = arith.constant 1 : i32
          %scan3A_158 = arith.constant 7 : i32
          %scan3A_159 = arith.addi %scan3A_157, %scan3A_158 : i32
          %scan3A_160 = arith.constant 1 : i32
          %scan3A_161:16 = scf.for %scan3A_217 = %scan3A_157 to %scan3A_159 step %scan3A_160 iter_args(%scan3A_218 = %gather3A, %scan3A_219 = %gather3A_100, %scan3A_220 = %gather3A_104, %scan3A_221 = %gather3A_108, %scan3A_222 = %gather3A_112, %scan3A_223 = %gather3A_116, %scan3A_224 = %gather3A_120, %scan3A_225 = %gather3A_124, %scan3A_226 = %gather3A_128, %scan3A_227 = %gather3A_132, %scan3A_228 = %gather3A_136, %scan3A_229 = %gather3A_140, %scan3A_230 = %gather3A_144, %scan3A_231 = %gather3A_148, %scan3A_232 = %gather3A_152, %scan3A_233 = %gather3A_156) -> (vector<16xf32>, vector<16xf32>, vector<16xf32>, vector<16xf32>, vector<16xf32>, vector<16xf32>, vector<16xf32>, vector<16xf32>, vector<16xf32>, vector<16xf32>, vector<16xf32>, vector<16xf32>, vector<16xf32>, vector<16xf32>, vector<16xf32>, vector<16xf32>)  : i32 {
            %mul3A_234 = arith.constant 16 : i32
            %mul3A_235 = arith.muli %scan3A_217, %mul3A_234 : i32
            %add3A_236 = arith.addi %mul3A_90, %mul3A_235 : i32
            %broadcast_in_dim3A_237 = vector.broadcast %add3A_236 : i32 to vector<16xi32>
            %add3A_238 = arith.constant 0 : i32
            %add3A_239 = vector.broadcast %add3A_238 : i32 to vector<16xi32>
            %add3A_240 = arith.addi %broadcast_in_dim3A_237, %add3A_239 : vector<16xi32>
            %gather3A_241 = tpu.vector_load_idx %arg6[%iota3A, %add3A_240] : memref<16x1041xf32, #tpu.memory_space<vmem>>[vector<16xi32>, vector<16xi32>], vector<16xf32>,
            %add3A_242 = arith.constant 1 : i32
            %add3A_243 = vector.broadcast %add3A_242 : i32 to vector<16xi32>
            %add3A_244 = arith.addi %broadcast_in_dim3A_237, %add3A_243 : vector<16xi32>
            %gather3A_245 = tpu.vector_load_idx %arg6[%iota3A, %add3A_244] : memref<16x1041xf32, #tpu.memory_space<vmem>>[vector<16xi32>, vector<16xi32>], vector<16xf32>,
            %add3A_246 = arith.constant 2 : i32
            %add3A_247 = vector.broadcast %add3A_246 : i32 to vector<16xi32>
            %add3A_248 = arith.addi %broadcast_in_dim3A_237, %add3A_247 : vector<16xi32>
            %gather3A_249 = tpu.vector_load_idx %arg6[%iota3A, %add3A_248] : memref<16x1041xf32, #tpu.memory_space<vmem>>[vector<16xi32>, vector<16xi32>], vector<16xf32>,
            %add3A_250 = arith.constant 3 : i32
            %add3A_251 = vector.broadcast %add3A_250 : i32 to vector<16xi32>
            %add3A_252 = arith.addi %broadcast_in_dim3A_237, %add3A_251 : vector<16xi32>
            %gather3A_253 = tpu.vector_load_idx %arg6[%iota3A, %add3A_252] : memref<16x1041xf32, #tpu.memory_space<vmem>>[vector<16xi32>, vector<16xi32>], vector<16xf32>,
            %add3A_254 = arith.constant 4 : i32
            %add3A_255 = vector.broadcast %add3A_254 : i32 to vector<16xi32>
            %add3A_256 = arith.addi %broadcast_in_dim3A_237, %add3A_255 : vector<16xi32>
            %gather3A_257 = tpu.vector_load_idx %arg6[%iota3A, %add3A_256] : memref<16x1041xf32, #tpu.memory_space<vmem>>[vector<16xi32>, vector<16xi32>], vector<16xf32>,
            %add3A_258 = arith.constant 5 : i32
            %add3A_259 = vector.broadcast %add3A_258 : i32 to vector<16xi32>
            %add3A_260 = arith.addi %broadcast_in_dim3A_237, %add3A_259 : vector<16xi32>
            %gather3A_261 = tpu.vector_load_idx %arg6[%iota3A, %add3A_260] : memref<16x1041xf32, #tpu.memory_space<vmem>>[vector<16xi32>, vector<16xi32>], vector<16xf32>,
            %add3A_262 = arith.constant 6 : i32
            %add3A_263 = vector.broadcast %add3A_262 : i32 to vector<16xi32>
            %add3A_264 = arith.addi %broadcast_in_dim3A_237, %add3A_263 : vector<16xi32>
            %gather3A_265 = tpu.vector_load_idx %arg6[%iota3A, %add3A_264] : memref<16x1041xf32, #tpu.memory_space<vmem>>[vector<16xi32>, vector<16xi32>], vector<16xf32>,
            %add3A_266 = arith.constant 7 : i32
            %add3A_267 = vector.broadcast %add3A_266 : i32 to vector<16xi32>
            %add3A_268 = arith.addi %broadcast_in_dim3A_237, %add3A_267 : vector<16xi32>
            %gather3A_269 = tpu.vector_load_idx %arg6[%iota3A, %add3A_268] : memref<16x1041xf32, #tpu.memory_space<vmem>>[vector<16xi32>, vector<16xi32>], vector<16xf32>,
            %add3A_270 = arith.constant 8 : i32
            %add3A_271 = vector.broadcast %add3A_270 : i32 to vector<16xi32>
            %add3A_272 = arith.addi %broadcast_in_dim3A_237, %add3A_271 : vector<16xi32>
            %gather3A_273 = tpu.vector_load_idx %arg6[%iota3A, %add3A_272] : memref<16x1041xf32, #tpu.memory_space<vmem>>[vector<16xi32>, vector<16xi32>], vector<16xf32>,
            %add3A_274 = arith.constant 9 : i32
            %add3A_275 = vector.broadcast %add3A_274 : i32 to vector<16xi32>
            %add3A_276 = arith.addi %broadcast_in_dim3A_237, %add3A_275 : vector<16xi32>
            %gather3A_277 = tpu.vector_load_idx %arg6[%iota3A, %add3A_276] : memref<16x1041xf32, #tpu.memory_space<vmem>>[vector<16xi32>, vector<16xi32>], vector<16xf32>,
            %add3A_278 = arith.constant 10 : i32
            %add3A_279 = vector.broadcast %add3A_278 : i32 to vector<16xi32>
            %add3A_280 = arith.addi %broadcast_in_dim3A_237, %add3A_279 : vector<16xi32>
            %gather3A_281 = tpu.vector_load_idx %arg6[%iota3A, %add3A_280] : memref<16x1041xf32, #tpu.memory_space<vmem>>[vector<16xi32>, vector<16xi32>], vector<16xf32>,
            %add3A_282 = arith.constant 11 : i32
            %add3A_283 = vector.broadcast %add3A_282 : i32 to vector<16xi32>
            %add3A_284 = arith.addi %broadcast_in_dim3A_237, %add3A_283 : vector<16xi32>
            %gather3A_285 = tpu.vector_load_idx %arg6[%iota3A, %add3A_284] : memref<16x1041xf32, #tpu.memory_space<vmem>>[vector<16xi32>, vector<16xi32>], vector<16xf32>,
            %add3A_286 = arith.constant 12 : i32
            %add3A_287 = vector.broadcast %add3A_286 : i32 to vector<16xi32>
            %add3A_288 = arith.addi %broadcast_in_dim3A_237, %add3A_287 : vector<16xi32>
            %gather3A_289 = tpu.vector_load_idx %arg6[%iota3A, %add3A_288] : memref<16x1041xf32, #tpu.memory_space<vmem>>[vector<16xi32>, vector<16xi32>], vector<16xf32>,
            %add3A_290 = arith.constant 13 : i32
            %add3A_291 = vector.broadcast %add3A_290 : i32 to vector<16xi32>
            %add3A_292 = arith.addi %broadcast_in_dim3A_237, %add3A_291 : vector<16xi32>
            %gather3A_293 = tpu.vector_load_idx %arg6[%iota3A, %add3A_292] : memref<16x1041xf32, #tpu.memory_space<vmem>>[vector<16xi32>, vector<16xi32>], vector<16xf32>,
            %add3A_294 = arith.constant 14 : i32
            %add3A_295 = vector.broadcast %add3A_294 : i32 to vector<16xi32>
            %add3A_296 = arith.addi %broadcast_in_dim3A_237, %add3A_295 : vector<16xi32>
            %gather3A_297 = tpu.vector_load_idx %arg6[%iota3A, %add3A_296] : memref<16x1041xf32, #tpu.memory_space<vmem>>[vector<16xi32>, vector<16xi32>], vector<16xf32>,
            %add3A_298 = arith.constant 15 : i32
            %add3A_299 = vector.broadcast %add3A_298 : i32 to vector<16xi32>
            %add3A_300 = arith.addi %broadcast_in_dim3A_237, %add3A_299 : vector<16xi32>
            %gather3A_301 = tpu.vector_load_idx %arg6[%iota3A, %add3A_300] : memref<16x1041xf32, #tpu.memory_space<vmem>>[vector<16xi32>, vector<16xi32>], vector<16xf32>,
            %sub3A = arith.constant 1 : i32
            %sub3A_302 = arith.subi %scan3A_217, %sub3A : i32
            %mul3A_303 = arith.constant 16 : i32
            %mul3A_304 = arith.muli %sub3A_302, %mul3A_303 : i32
            %add3A_305 = arith.addi %mul3A_90, %mul3A_304 : i32
            %mul3A_306 = arith.constant 16 : i32
            %mul3A_307 = arith.muli %add3A_305, %mul3A_306 : i32
            %broadcast_in_dim3A_308 = vector.broadcast %mul3A_307 : i32 to vector<16xi32>
            %add3A_309 = arith.addi %broadcast_in_dim3A_308, %iota3A_91 : vector<16xi32>
            %add3A_310 = arith.constant 0 : i32
            %add3A_311 = vector.broadcast %add3A_310 : i32 to vector<16xi32>
            %add3A_312 = arith.addi %add3A_309, %add3A_311 : vector<16xi32>
            tpu.vector_store_idx %arg8[%add3A_312], %scan3A_218 : memref<16384xf32, #tpu.memory_space<vmem>>[vector<16xi32>], vector<16xf32>,
            %add3A_313 = arith.constant 16 : i32
            %add3A_314 = vector.broadcast %add3A_313 : i32 to vector<16xi32>
            %add3A_315 = arith.addi %add3A_309, %add3A_314 : vector<16xi32>
            tpu.vector_store_idx %arg8[%add3A_315], %scan3A_219 : memref<16384xf32, #tpu.memory_space<vmem>>[vector<16xi32>], vector<16xf32>,
            %add3A_316 = arith.constant 32 : i32
            %add3A_317 = vector.broadcast %add3A_316 : i32 to vector<16xi32>
            %add3A_318 = arith.addi %add3A_309, %add3A_317 : vector<16xi32>
            tpu.vector_store_idx %arg8[%add3A_318], %scan3A_220 : memref<16384xf32, #tpu.memory_space<vmem>>[vector<16xi32>], vector<16xf32>,
            %add3A_319 = arith.constant 48 : i32
            %add3A_320 = vector.broadcast %add3A_319 : i32 to vector<16xi32>
            %add3A_321 = arith.addi %add3A_309, %add3A_320 : vector<16xi32>
            tpu.vector_store_idx %arg8[%add3A_321], %scan3A_221 : memref<16384xf32, #tpu.memory_space<vmem>>[vector<16xi32>], vector<16xf32>,
            %add3A_322 = arith.constant 64 : i32
            %add3A_323 = vector.broadcast %add3A_322 : i32 to vector<16xi32>
            %add3A_324 = arith.addi %add3A_309, %add3A_323 : vector<16xi32>
            tpu.vector_store_idx %arg8[%add3A_324], %scan3A_222 : memref<16384xf32, #tpu.memory_space<vmem>>[vector<16xi32>], vector<16xf32>,
            %add3A_325 = arith.constant 80 : i32
            %add3A_326 = vector.broadcast %add3A_325 : i32 to vector<16xi32>
            %add3A_327 = arith.addi %add3A_309, %add3A_326 : vector<16xi32>
            tpu.vector_store_idx %arg8[%add3A_327], %scan3A_223 : memref<16384xf32, #tpu.memory_space<vmem>>[vector<16xi32>], vector<16xf32>,
            %add3A_328 = arith.constant 96 : i32
            %add3A_329 = vector.broadcast %add3A_328 : i32 to vector<16xi32>
            %add3A_330 = arith.addi %add3A_309, %add3A_329 : vector<16xi32>
            tpu.vector_store_idx %arg8[%add3A_330], %scan3A_224 : memref<16384xf32, #tpu.memory_space<vmem>>[vector<16xi32>], vector<16xf32>,
            %add3A_331 = arith.constant 112 : i32
            %add3A_332 = vector.broadcast %add3A_331 : i32 to vector<16xi32>
            %add3A_333 = arith.addi %add3A_309, %add3A_332 : vector<16xi32>
            tpu.vector_store_idx %arg8[%add3A_333], %scan3A_225 : memref<16384xf32, #tpu.memory_space<vmem>>[vector<16xi32>], vector<16xf32>,
            %add3A_334 = arith.constant 128 : i32
            %add3A_335 = vector.broadcast %add3A_334 : i32 to vector<16xi32>
            %add3A_336 = arith.addi %add3A_309, %add3A_335 : vector<16xi32>
            tpu.vector_store_idx %arg8[%add3A_336], %scan3A_226 : memref<16384xf32, #tpu.memory_space<vmem>>[vector<16xi32>], vector<16xf32>,
            %add3A_337 = arith.constant 144 : i32
            %add3A_338 = vector.broadcast %add3A_337 : i32 to vector<16xi32>
            %add3A_339 = arith.addi %add3A_309, %add3A_338 : vector<16xi32>
            tpu.vector_store_idx %arg8[%add3A_339], %scan3A_227 : memref<16384xf32, #tpu.memory_space<vmem>>[vector<16xi32>], vector<16xf32>,
            %add3A_340 = arith.constant 160 : i32
            %add3A_341 = vector.broadcast %add3A_340 : i32 to vector<16xi32>
            %add3A_342 = arith.addi %add3A_309, %add3A_341 : vector<16xi32>
            tpu.vector_store_idx %arg8[%add3A_342], %scan3A_228 : memref<16384xf32, #tpu.memory_space<vmem>>[vector<16xi32>], vector<16xf32>,
            %add3A_343 = arith.constant 176 : i32
            %add3A_344 = vector.broadcast %add3A_343 : i32 to vector<16xi32>
            %add3A_345 = arith.addi %add3A_309, %add3A_344 : vector<16xi32>
            tpu.vector_store_idx %arg8[%add3A_345], %scan3A_229 : memref<16384xf32, #tpu.memory_space<vmem>>[vector<16xi32>], vector<16xf32>,
            %add3A_346 = arith.constant 192 : i32
            %add3A_347 = vector.broadcast %add3A_346 : i32 to vector<16xi32>
            %add3A_348 = arith.addi %add3A_309, %add3A_347 : vector<16xi32>
            tpu.vector_store_idx %arg8[%add3A_348], %scan3A_230 : memref<16384xf32, #tpu.memory_space<vmem>>[vector<16xi32>], vector<16xf32>,
            %add3A_349 = arith.constant 208 : i32
            %add3A_350 = vector.broadcast %add3A_349 : i32 to vector<16xi32>
            %add3A_351 = arith.addi %add3A_309, %add3A_350 : vector<16xi32>
            tpu.vector_store_idx %arg8[%add3A_351], %scan3A_231 : memref<16384xf32, #tpu.memory_space<vmem>>[vector<16xi32>], vector<16xf32>,
            %add3A_352 = arith.constant 224 : i32
            %add3A_353 = vector.broadcast %add3A_352 : i32 to vector<16xi32>
            %add3A_354 = arith.addi %add3A_309, %add3A_353 : vector<16xi32>
            tpu.vector_store_idx %arg8[%add3A_354], %scan3A_232 : memref<16384xf32, #tpu.memory_space<vmem>>[vector<16xi32>], vector<16xf32>,
            %add3A_355 = arith.constant 240 : i32
            %add3A_356 = vector.broadcast %add3A_355 : i32 to vector<16xi32>
            %add3A_357 = arith.addi %add3A_309, %add3A_356 : vector<16xi32>
            tpu.vector_store_idx %arg8[%add3A_357], %scan3A_233 : memref<16384xf32, #tpu.memory_space<vmem>>[vector<16xi32>], vector<16xf32>,
            scf.yield %gather3A_241, %gather3A_245, %gather3A_249, %gather3A_253, %gather3A_257, %gather3A_261, %gather3A_265, %gather3A_269, %gather3A_273, %gather3A_277, %gather3A_281, %gather3A_285, %gather3A_289, %gather3A_293, %gather3A_297, %gather3A_301 : vector<16xf32>, vector<16xf32>, vector<16xf32>, vector<16xf32>, vector<16xf32>, vector<16xf32>, vector<16xf32>, vector<16xf32>, vector<16xf32>, vector<16xf32>, vector<16xf32>, vector<16xf32>, vector<16xf32>, vector<16xf32>, vector<16xf32>, vector<16xf32>
          }
          %scan3A_162 = arith.constant 7 : i32
          %add3A_163 = arith.constant 112 : i32
          %add3A_164 = arith.addi %mul3A_90, %add3A_163 : i32
          %mul3A_165 = arith.constant 16 : i32
          %mul3A_166 = arith.muli %add3A_164, %mul3A_165 : i32
          %broadcast_in_dim3A_167 = vector.broadcast %mul3A_166 : i32 to vector<16xi32>
          %add3A_168 = arith.addi %broadcast_in_dim3A_167, %iota3A_91 : vector<16xi32>
          %add3A_169 = arith.constant 0 : i32
          %add3A_170 = vector.broadcast %add3A_169 : i32 to vector<16xi32>
          %add3A_171 = arith.addi %add3A_168, %add3A_170 : vector<16xi32>
          tpu.vector_store_idx %arg8[%add3A_171], %scan3A_161#0 : memref<16384xf32, #tpu.memory_space<vmem>>[vector<16xi32>], vector<16xf32>,
          %add3A_172 = arith.constant 16 : i32
          %add3A_173 = vector.broadcast %add3A_172 : i32 to vector<16xi32>
          %add3A_174 = arith.addi %add3A_168, %add3A_173 : vector<16xi32>
          tpu.vector_store_idx %arg8[%add3A_174], %scan3A_161#1 : memref<16384xf32, #tpu.memory_space<vmem>>[vector<16xi32>], vector<16xf32>,
          %add3A_175 = arith.constant 32 : i32
          %add3A_176 = vector.broadcast %add3A_175 : i32 to vector<16xi32>
          %add3A_177 = arith.addi %add3A_168, %add3A_176 : vector<16xi32>
          tpu.vector_store_idx %arg8[%add3A_177], %scan3A_161#2 : memref<16384xf32, #tpu.memory_space<vmem>>[vector<16xi32>], vector<16xf32>,
          %add3A_178 = arith.constant 48 : i32
          %add3A_179 = vector.broadcast %add3A_178 : i32 to vector<16xi32>
          %add3A_180 = arith.addi %add3A_168, %add3A_179 : vector<16xi32>
          tpu.vector_store_idx %arg8[%add3A_180], %scan3A_161#3 : memref<16384xf32, #tpu.memory_space<vmem>>[vector<16xi32>], vector<16xf32>,
          %add3A_181 = arith.constant 64 : i32
          %add3A_182 = vector.broadcast %add3A_181 : i32 to vector<16xi32>
          %add3A_183 = arith.addi %add3A_168, %add3A_182 : vector<16xi32>
          tpu.vector_store_idx %arg8[%add3A_183], %scan3A_161#4 : memref<16384xf32, #tpu.memory_space<vmem>>[vector<16xi32>], vector<16xf32>,
          %add3A_184 = arith.constant 80 : i32
          %add3A_185 = vector.broadcast %add3A_184 : i32 to vector<16xi32>
          %add3A_186 = arith.addi %add3A_168, %add3A_185 : vector<16xi32>
          tpu.vector_store_idx %arg8[%add3A_186], %scan3A_161#5 : memref<16384xf32, #tpu.memory_space<vmem>>[vector<16xi32>], vector<16xf32>,
          %add3A_187 = arith.constant 96 : i32
          %add3A_188 = vector.broadcast %add3A_187 : i32 to vector<16xi32>
          %add3A_189 = arith.addi %add3A_168, %add3A_188 : vector<16xi32>
          tpu.vector_store_idx %arg8[%add3A_189], %scan3A_161#6 : memref<16384xf32, #tpu.memory_space<vmem>>[vector<16xi32>], vector<16xf32>,
          %add3A_190 = arith.constant 112 : i32
          %add3A_191 = vector.broadcast %add3A_190 : i32 to vector<16xi32>
          %add3A_192 = arith.addi %add3A_168, %add3A_191 : vector<16xi32>
          tpu.vector_store_idx %arg8[%add3A_192], %scan3A_161#7 : memref<16384xf32, #tpu.memory_space<vmem>>[vector<16xi32>], vector<16xf32>,
          %add3A_193 = arith.constant 128 : i32
          %add3A_194 = vector.broadcast %add3A_193 : i32 to vector<16xi32>
          %add3A_195 = arith.addi %add3A_168, %add3A_194 : vector<16xi32>
          tpu.vector_store_idx %arg8[%add3A_195], %scan3A_161#8 : memref<16384xf32, #tpu.memory_space<vmem>>[vector<16xi32>], vector<16xf32>,
          %add3A_196 = arith.constant 144 : i32
          %add3A_197 = vector.broadcast %add3A_196 : i32 to vector<16xi32>
          %add3A_198 = arith.addi %add3A_168, %add3A_197 : vector<16xi32>
          tpu.vector_store_idx %arg8[%add3A_198], %scan3A_161#9 : memref<16384xf32, #tpu.memory_space<vmem>>[vector<16xi32>], vector<16xf32>,
          %add3A_199 = arith.constant 160 : i32
          %add3A_200 = vector.broadcast %add3A_199 : i32 to vector<16xi32>
          %add3A_201 = arith.addi %add3A_168, %add3A_200 : vector<16xi32>
          tpu.vector_store_idx %arg8[%add3A_201], %scan3A_161#10 : memref<16384xf32, #tpu.memory_space<vmem>>[vector<16xi32>], vector<16xf32>,
          %add3A_202 = arith.constant 176 : i32
          %add3A_203 = vector.broadcast %add3A_202 : i32 to vector<16xi32>
          %add3A_204 = arith.addi %add3A_168, %add3A_203 : vector<16xi32>
          tpu.vector_store_idx %arg8[%add3A_204], %scan3A_161#11 : memref<16384xf32, #tpu.memory_space<vmem>>[vector<16xi32>], vector<16xf32>,
          %add3A_205 = arith.constant 192 : i32
          %add3A_206 = vector.broadcast %add3A_205 : i32 to vector<16xi32>
          %add3A_207 = arith.addi %add3A_168, %add3A_206 : vector<16xi32>
          tpu.vector_store_idx %arg8[%add3A_207], %scan3A_161#12 : memref<16384xf32, #tpu.memory_space<vmem>>[vector<16xi32>], vector<16xf32>,
          %add3A_208 = arith.constant 208 : i32
          %add3A_209 = vector.broadcast %add3A_208 : i32 to vector<16xi32>
          %add3A_210 = arith.addi %add3A_168, %add3A_209 : vector<16xi32>
          tpu.vector_store_idx %arg8[%add3A_210], %scan3A_161#13 : memref<16384xf32, #tpu.memory_space<vmem>>[vector<16xi32>], vector<16xf32>,
          %add3A_211 = arith.constant 224 : i32
          %add3A_212 = vector.broadcast %add3A_211 : i32 to vector<16xi32>
          %add3A_213 = arith.addi %add3A_168, %add3A_212 : vector<16xi32>
          tpu.vector_store_idx %arg8[%add3A_213], %scan3A_161#14 : memref<16384xf32, #tpu.memory_space<vmem>>[vector<16xi32>], vector<16xf32>,
          %add3A_214 = arith.constant 240 : i32
          %add3A_215 = vector.broadcast %add3A_214 : i32 to vector<16xi32>
          %add3A_216 = arith.addi %add3A_168, %add3A_215 : vector<16xi32>
          tpu.vector_store_idx %arg8[%add3A_216], %scan3A_161#15 : memref<16384xf32, #tpu.memory_space<vmem>>[vector<16xi32>], vector<16xf32>,
        }
        %scan3A_77 = arith.constant 8 : i32
        %mul3A_78 = arith.constant 32 : i32
        %mul3A_79 = arith.muli %while3A_34, %mul3A_78 : i32
        %add3A_80 = arith.addi %add3A, %mul3A_79 : i32
        %mul3A_81 = arith.constant 1024 : i32
        %mul3A_82 = arith.muli %add3A_80, %mul3A_81 : i32
        %multiple_of3A_83 = tpu.assume_multiple %mul3A_82, 1024 : i32
        %mul3A_84 = arith.constant 16 : i32
        %mul3A_85 = arith.muli %multiple_of3A_83, %mul3A_84 : i32
        %multiple_of3A_86 = tpu.assume_multiple %mul3A_85, 16384 : i32
        %dma_start3A = tpu.memref_slice %arg4[%multiple_of3A_86] : memref<16000000xf32, #tpu.memory_space<hbm>> -> memref<16384xf32, #tpu.memory_space<hbm>>
        %dma_start3A_87 = tpu.memref_slice %arg4[%multiple_of3A_86] : memref<16000000xf32, #tpu.memory_space<hbm>> -> memref<16384xf32, #tpu.memory_space<hbm>>
        tpu.enqueue_dma source(%arg8 : memref<16384xf32, #tpu.memory_space<vmem>>) target(%dma_start3A_87 : memref<16384xf32, #tpu.memory_space<hbm>>) target_semaphore(%arg12 : memref<!tpu.dma_semaphore, #tpu.memory_space<semaphore_mem>>)
      } else {
      }
    }
    %ge3A = arith.constant 2 : i32
    %ge3A_16 = arith.cmpi sge, %add3A_4, %ge3A : i32
    %convert_element_type3A_17 = arith.extui %ge3A_16 : i1 to i32
    %cond3A_18 = arith.constant 0 : i32
    %cond3A_19 = arith.cmpi ne, %convert_element_type3A_17, %cond3A_18 : i32
    scf.if %cond3A_19 {
      %sub3A = arith.constant 2 : i32
      %sub3A_34 = arith.subi %add3A_4, %sub3A : i32
      %rem3A = arith.constant 2 : i32
      %rem3A_35 = arith.remsi %sub3A_34, %rem3A : i32
      %eq3A_36 = arith.constant 0 : i32
      %eq3A_37 = arith.cmpi eq, %rem3A_35, %eq3A_36 : i32
      %convert_element_type3A_38 = arith.extui %eq3A_37 : i1 to i32
      %cond3A_39 = arith.constant 0 : i32
      %cond3A_40 = arith.cmpi ne, %convert_element_type3A_38, %cond3A_39 : i32
      scf.if %cond3A_40 {
        %mul3A_48 = arith.constant 32 : i32
        %mul3A_49 = arith.muli %sub3A_34, %mul3A_48 : i32
        %add3A_50 = arith.addi %add3A, %mul3A_49 : i32
        %mul3A_51 = arith.constant 1024 : i32
        %mul3A_52 = arith.muli %add3A_50, %mul3A_51 : i32
        %multiple_of3A = tpu.assume_multiple %mul3A_52, 1024 : i32
        %mul3A_53 = arith.constant 16 : i32
        %mul3A_54 = arith.muli %multiple_of3A, %mul3A_53 : i32
        %multiple_of3A_55 = tpu.assume_multiple %mul3A_54, 16384 : i32
        %dma_wait3A = tpu.memref_slice %arg4[%multiple_of3A_55] : memref<16000000xf32, #tpu.memory_space<hbm>> -> memref<16384xf32, #tpu.memory_space<hbm>>
        %dma_wait3A_56 = tpu.memref_slice %arg4[%multiple_of3A_55] : memref<16000000xf32, #tpu.memory_space<hbm>> -> memref<16384xf32, #tpu.memory_space<hbm>>
        tpu.wait_dma2 semaphore(%arg11 : memref<!tpu.dma_semaphore, #tpu.memory_space<semaphore_mem>>) src(%arg7 : memref<16384xf32, #tpu.memory_space<vmem>>) dst(%dma_wait3A_56 : memref<16384xf32, #tpu.memory_space<hbm>>)
      } else {
      }
      %rem3A_41 = arith.constant 2 : i32
      %rem3A_42 = arith.remsi %sub3A_34, %rem3A_41 : i32
      %eq3A_43 = arith.constant 1 : i32
      %eq3A_44 = arith.cmpi eq, %rem3A_42, %eq3A_43 : i32
      %convert_element_type3A_45 = arith.extui %eq3A_44 : i1 to i32
      %cond3A_46 = arith.constant 0 : i32
      %cond3A_47 = arith.cmpi ne, %convert_element_type3A_45, %cond3A_46 : i32
      scf.if %cond3A_47 {
        %mul3A_48 = arith.constant 32 : i32
        %mul3A_49 = arith.muli %sub3A_34, %mul3A_48 : i32
        %add3A_50 = arith.addi %add3A, %mul3A_49 : i32
        %mul3A_51 = arith.constant 1024 : i32
        %mul3A_52 = arith.muli %add3A_50, %mul3A_51 : i32
        %multiple_of3A = tpu.assume_multiple %mul3A_52, 1024 : i32
        %mul3A_53 = arith.constant 16 : i32
        %mul3A_54 = arith.muli %multiple_of3A, %mul3A_53 : i32
        %multiple_of3A_55 = tpu.assume_multiple %mul3A_54, 16384 : i32
        %dma_wait3A = tpu.memref_slice %arg4[%multiple_of3A_55] : memref<16000000xf32, #tpu.memory_space<hbm>> -> memref<16384xf32, #tpu.memory_space<hbm>>
        %dma_wait3A_56 = tpu.memref_slice %arg4[%multiple_of3A_55] : memref<16000000xf32, #tpu.memory_space<hbm>> -> memref<16384xf32, #tpu.memory_space<hbm>>
        tpu.wait_dma2 semaphore(%arg12 : memref<!tpu.dma_semaphore, #tpu.memory_space<semaphore_mem>>) src(%arg8 : memref<16384xf32, #tpu.memory_space<vmem>>) dst(%dma_wait3A_56 : memref<16384xf32, #tpu.memory_space<hbm>>)
      } else {
      }
    } else {
    }
    %ge3A_20 = arith.constant 1 : i32
    %ge3A_21 = arith.cmpi sge, %add3A_4, %ge3A_20 : i32
    %convert_element_type3A_22 = arith.extui %ge3A_21 : i1 to i32
    %cond3A_23 = arith.constant 0 : i32
    %cond3A_24 = arith.cmpi ne, %convert_element_type3A_22, %cond3A_23 : i32
    scf.if %cond3A_24 {
      %sub3A = arith.constant 1 : i32
      %sub3A_34 = arith.subi %add3A_4, %sub3A : i32
      %rem3A = arith.constant 2 : i32
      %rem3A_35 = arith.remsi %sub3A_34, %rem3A : i32
      %eq3A_36 = arith.constant 0 : i32
      %eq3A_37 = arith.cmpi eq, %rem3A_35, %eq3A_36 : i32
      %convert_element_type3A_38 = arith.extui %eq3A_37 : i1 to i32
      %cond3A_39 = arith.constant 0 : i32
      %cond3A_40 = arith.cmpi ne, %convert_element_type3A_38, %cond3A_39 : i32
      scf.if %cond3A_40 {
        %mul3A_48 = arith.constant 32 : i32
        %mul3A_49 = arith.muli %sub3A_34, %mul3A_48 : i32
        %add3A_50 = arith.addi %add3A, %mul3A_49 : i32
        %mul3A_51 = arith.constant 1024 : i32
        %mul3A_52 = arith.muli %add3A_50, %mul3A_51 : i32
        %multiple_of3A = tpu.assume_multiple %mul3A_52, 1024 : i32
        %mul3A_53 = arith.constant 16 : i32
        %mul3A_54 = arith.muli %multiple_of3A, %mul3A_53 : i32
        %multiple_of3A_55 = tpu.assume_multiple %mul3A_54, 16384 : i32
        %dma_wait3A = tpu.memref_slice %arg4[%multiple_of3A_55] : memref<16000000xf32, #tpu.memory_space<hbm>> -> memref<16384xf32, #tpu.memory_space<hbm>>
        %dma_wait3A_56 = tpu.memref_slice %arg4[%multiple_of3A_55] : memref<16000000xf32, #tpu.memory_space<hbm>> -> memref<16384xf32, #tpu.memory_space<hbm>>
        tpu.wait_dma2 semaphore(%arg11 : memref<!tpu.dma_semaphore, #tpu.memory_space<semaphore_mem>>) src(%arg7 : memref<16384xf32, #tpu.memory_space<vmem>>) dst(%dma_wait3A_56 : memref<16384xf32, #tpu.memory_space<hbm>>)
      } else {
      }
      %rem3A_41 = arith.constant 2 : i32
      %rem3A_42 = arith.remsi %sub3A_34, %rem3A_41 : i32
      %eq3A_43 = arith.constant 1 : i32
      %eq3A_44 = arith.cmpi eq, %rem3A_42, %eq3A_43 : i32
      %convert_element_type3A_45 = arith.extui %eq3A_44 : i1 to i32
      %cond3A_46 = arith.constant 0 : i32
      %cond3A_47 = arith.cmpi ne, %convert_element_type3A_45, %cond3A_46 : i32
      scf.if %cond3A_47 {
        %mul3A_48 = arith.constant 32 : i32
        %mul3A_49 = arith.muli %sub3A_34, %mul3A_48 : i32
        %add3A_50 = arith.addi %add3A, %mul3A_49 : i32
        %mul3A_51 = arith.constant 1024 : i32
        %mul3A_52 = arith.muli %add3A_50, %mul3A_51 : i32
        %multiple_of3A = tpu.assume_multiple %mul3A_52, 1024 : i32
        %mul3A_53 = arith.constant 16 : i32
        %mul3A_54 = arith.muli %multiple_of3A, %mul3A_53 : i32
        %multiple_of3A_55 = tpu.assume_multiple %mul3A_54, 16384 : i32
        %dma_wait3A = tpu.memref_slice %arg4[%multiple_of3A_55] : memref<16000000xf32, #tpu.memory_space<hbm>> -> memref<16384xf32, #tpu.memory_space<hbm>>
        %dma_wait3A_56 = tpu.memref_slice %arg4[%multiple_of3A_55] : memref<16000000xf32, #tpu.memory_space<hbm>> -> memref<16384xf32, #tpu.memory_space<hbm>>
        tpu.wait_dma2 semaphore(%arg12 : memref<!tpu.dma_semaphore, #tpu.memory_space<semaphore_mem>>) src(%arg8 : memref<16384xf32, #tpu.memory_space<vmem>>) dst(%dma_wait3A_56 : memref<16384xf32, #tpu.memory_space<hbm>>)
      } else {
      }
    } else {
    }
    %eq3A = arith.constant 31 : i32
    %eq3A_25 = arith.cmpi eq, %add3A, %eq3A : i32
    %convert_element_type3A_26 = arith.extui %eq3A_25 : i1 to i32
    %cond3A_27 = arith.constant 0 : i32
    %cond3A_28 = arith.cmpi ne, %convert_element_type3A_26, %cond3A_27 : i32
    scf.if %cond3A_28 {
      "tpu.region"() ({
        %run_scoped3A = tpu.sem_alloc : memref<!tpu.dma_semaphore, #tpu.memory_space<semaphore_mem>>
        %dma_start3A = arith.constant 0 : i32
        %dma_start3A_39 = arith.constant 0 : i32
        %dma_start3A_40 = tpu.memref_slice %arg5[%dma_start3A, %dma_start3A_39] : memref<16x1041xf32, #tpu.memory_space<vmem>> -> memref<16x512xf32, #tpu.memory_space<vmem>>
        %dma_start3A_41 = arith.constant 0 : i32
        %dma_start3A_42 = arith.constant 999424 : i32
        %dma_start3A_43 = tpu.memref_slice %arg2[%dma_start3A_41, %dma_start3A_42] : memref<16x1000000xf32, #tpu.memory_space<hbm>> -> memref<16x512xf32, #tpu.memory_space<hbm>>
        %dma_start3A_44 = arith.constant 0 : i32
        %dma_start3A_45 = arith.constant 0 : i32
        %dma_start3A_46 = tpu.memref_slice %arg5[%dma_start3A_44, %dma_start3A_45] : memref<16x1041xf32, #tpu.memory_space<vmem>> -> memref<16x512xf32, #tpu.memory_space<vmem>>
        %dma_start3A_47 = arith.constant 0 : i32
        %dma_start3A_48 = arith.constant 999424 : i32
        %dma_start3A_49 = tpu.memref_slice %arg2[%dma_start3A_47, %dma_start3A_48] : memref<16x1000000xf32, #tpu.memory_space<hbm>> -> memref<16x512xf32, #tpu.memory_space<hbm>>
        tpu.enqueue_dma source(%dma_start3A_49 : memref<16x512xf32, #tpu.memory_space<hbm>>) target(%dma_start3A_46 : memref<16x512xf32, #tpu.memory_space<vmem>>) target_semaphore(%run_scoped3A : memref<!tpu.dma_semaphore, #tpu.memory_space<semaphore_mem>>)
        %dma_wait3A = arith.constant 0 : i32
        %dma_wait3A_50 = arith.constant 0 : i32
        %dma_wait3A_51 = tpu.memref_slice %arg5[%dma_wait3A, %dma_wait3A_50] : memref<16x1041xf32, #tpu.memory_space<vmem>> -> memref<16x512xf32, #tpu.memory_space<vmem>>
        %dma_wait3A_52 = arith.constant 0 : i32
        %dma_wait3A_53 = arith.constant 999424 : i32
        %dma_wait3A_54 = tpu.memref_slice %arg2[%dma_wait3A_52, %dma_wait3A_53] : memref<16x1000000xf32, #tpu.memory_space<hbm>> -> memref<16x512xf32, #tpu.memory_space<hbm>>
        %dma_wait3A_55 = arith.constant 0 : i32
        %dma_wait3A_56 = arith.constant 0 : i32
        %dma_wait3A_57 = tpu.memref_slice %arg5[%dma_wait3A_55, %dma_wait3A_56] : memref<16x1041xf32, #tpu.memory_space<vmem>> -> memref<16x512xf32, #tpu.memory_space<vmem>>
        %dma_wait3A_58 = arith.constant 0 : i32
        %dma_wait3A_59 = arith.constant 999424 : i32
        %dma_wait3A_60 = tpu.memref_slice %arg2[%dma_wait3A_58, %dma_wait3A_59] : memref<16x1000000xf32, #tpu.memory_space<hbm>> -> memref<16x512xf32, #tpu.memory_space<hbm>>
        tpu.wait_dma2 semaphore(%run_scoped3A : memref<!tpu.dma_semaphore, #tpu.memory_space<semaphore_mem>>) src(%dma_wait3A_60 : memref<16x512xf32, #tpu.memory_space<hbm>>) dst(%dma_wait3A_57 : memref<16x512xf32, #tpu.memory_space<vmem>>)
        tpu.yield
      }) : () -> ()
      %scan3A = arith.constant 0 : i32
      %scan3A_34 = arith.constant 0 : i32
      %scan3A_35 = arith.constant 4 : i32
      %scan3A_36 = arith.addi %scan3A_34, %scan3A_35 : i32
      %scan3A_37 = arith.constant 1 : i32
      scf.for %scan3A_39 = %scan3A_34 to %scan3A_36 step %scan3A_37  : i32 {
        %mul3A_40 = arith.constant 128 : i32
        %mul3A_41 = arith.muli %scan3A_39, %mul3A_40 : i32
        %iota3A = tpu.iota {dimensions = array<i32: 0>} : vector<16xi32>
        %iota3A_42 = tpu.iota {dimensions = array<i32: 0>} : vector<16xi32>
        %add3A_43 = arith.constant 0 : i32
        %add3A_44 = arith.addi %mul3A_41, %add3A_43 : i32
        %broadcast_in_dim3A = vector.broadcast %add3A_44 : i32 to vector<16xi32>
        %add3A_45 = arith.constant 0 : i32
        %add3A_46 = vector.broadcast %add3A_45 : i32 to vector<16xi32>
        %add3A_47 = arith.addi %broadcast_in_dim3A, %add3A_46 : vector<16xi32>
        %gather3A = tpu.vector_load_idx %arg5[%iota3A, %add3A_47] : memref<16x1041xf32, #tpu.memory_space<vmem>>[vector<16xi32>, vector<16xi32>], vector<16xf32>,
        %add3A_48 = arith.constant 1 : i32
        %add3A_49 = vector.broadcast %add3A_48 : i32 to vector<16xi32>
        %add3A_50 = arith.addi %broadcast_in_dim3A, %add3A_49 : vector<16xi32>
        %gather3A_51 = tpu.vector_load_idx %arg5[%iota3A, %add3A_50] : memref<16x1041xf32, #tpu.memory_space<vmem>>[vector<16xi32>, vector<16xi32>], vector<16xf32>,
        %add3A_52 = arith.constant 2 : i32
        %add3A_53 = vector.broadcast %add3A_52 : i32 to vector<16xi32>
        %add3A_54 = arith.addi %broadcast_in_dim3A, %add3A_53 : vector<16xi32>
        %gather3A_55 = tpu.vector_load_idx %arg5[%iota3A, %add3A_54] : memref<16x1041xf32, #tpu.memory_space<vmem>>[vector<16xi32>, vector<16xi32>], vector<16xf32>,
        %add3A_56 = arith.constant 3 : i32
        %add3A_57 = vector.broadcast %add3A_56 : i32 to vector<16xi32>
        %add3A_58 = arith.addi %broadcast_in_dim3A, %add3A_57 : vector<16xi32>
        %gather3A_59 = tpu.vector_load_idx %arg5[%iota3A, %add3A_58] : memref<16x1041xf32, #tpu.memory_space<vmem>>[vector<16xi32>, vector<16xi32>], vector<16xf32>,
        %add3A_60 = arith.constant 4 : i32
        %add3A_61 = vector.broadcast %add3A_60 : i32 to vector<16xi32>
        %add3A_62 = arith.addi %broadcast_in_dim3A, %add3A_61 : vector<16xi32>
        %gather3A_63 = tpu.vector_load_idx %arg5[%iota3A, %add3A_62] : memref<16x1041xf32, #tpu.memory_space<vmem>>[vector<16xi32>, vector<16xi32>], vector<16xf32>,
        %add3A_64 = arith.constant 5 : i32
        %add3A_65 = vector.broadcast %add3A_64 : i32 to vector<16xi32>
        %add3A_66 = arith.addi %broadcast_in_dim3A, %add3A_65 : vector<16xi32>
        %gather3A_67 = tpu.vector_load_idx %arg5[%iota3A, %add3A_66] : memref<16x1041xf32, #tpu.memory_space<vmem>>[vector<16xi32>, vector<16xi32>], vector<16xf32>,
        %add3A_68 = arith.constant 6 : i32
        %add3A_69 = vector.broadcast %add3A_68 : i32 to vector<16xi32>
        %add3A_70 = arith.addi %broadcast_in_dim3A, %add3A_69 : vector<16xi32>
        %gather3A_71 = tpu.vector_load_idx %arg5[%iota3A, %add3A_70] : memref<16x1041xf32, #tpu.memory_space<vmem>>[vector<16xi32>, vector<16xi32>], vector<16xf32>,
        %add3A_72 = arith.constant 7 : i32
        %add3A_73 = vector.broadcast %add3A_72 : i32 to vector<16xi32>
        %add3A_74 = arith.addi %broadcast_in_dim3A, %add3A_73 : vector<16xi32>
        %gather3A_75 = tpu.vector_load_idx %arg5[%iota3A, %add3A_74] : memref<16x1041xf32, #tpu.memory_space<vmem>>[vector<16xi32>, vector<16xi32>], vector<16xf32>,
        %add3A_76 = arith.constant 8 : i32
        %add3A_77 = vector.broadcast %add3A_76 : i32 to vector<16xi32>
        %add3A_78 = arith.addi %broadcast_in_dim3A, %add3A_77 : vector<16xi32>
        %gather3A_79 = tpu.vector_load_idx %arg5[%iota3A, %add3A_78] : memref<16x1041xf32, #tpu.memory_space<vmem>>[vector<16xi32>, vector<16xi32>], vector<16xf32>,
        %add3A_80 = arith.constant 9 : i32
        %add3A_81 = vector.broadcast %add3A_80 : i32 to vector<16xi32>
        %add3A_82 = arith.addi %broadcast_in_dim3A, %add3A_81 : vector<16xi32>
        %gather3A_83 = tpu.vector_load_idx %arg5[%iota3A, %add3A_82] : memref<16x1041xf32, #tpu.memory_space<vmem>>[vector<16xi32>, vector<16xi32>], vector<16xf32>,
        %add3A_84 = arith.constant 10 : i32
        %add3A_85 = vector.broadcast %add3A_84 : i32 to vector<16xi32>
        %add3A_86 = arith.addi %broadcast_in_dim3A, %add3A_85 : vector<16xi32>
        %gather3A_87 = tpu.vector_load_idx %arg5[%iota3A, %add3A_86] : memref<16x1041xf32, #tpu.memory_space<vmem>>[vector<16xi32>, vector<16xi32>], vector<16xf32>,
        %add3A_88 = arith.constant 11 : i32
        %add3A_89 = vector.broadcast %add3A_88 : i32 to vector<16xi32>
        %add3A_90 = arith.addi %broadcast_in_dim3A, %add3A_89 : vector<16xi32>
        %gather3A_91 = tpu.vector_load_idx %arg5[%iota3A, %add3A_90] : memref<16x1041xf32, #tpu.memory_space<vmem>>[vector<16xi32>, vector<16xi32>], vector<16xf32>,
        %add3A_92 = arith.constant 12 : i32
        %add3A_93 = vector.broadcast %add3A_92 : i32 to vector<16xi32>
        %add3A_94 = arith.addi %broadcast_in_dim3A, %add3A_93 : vector<16xi32>
        %gather3A_95 = tpu.vector_load_idx %arg5[%iota3A, %add3A_94] : memref<16x1041xf32, #tpu.memory_space<vmem>>[vector<16xi32>, vector<16xi32>], vector<16xf32>,
        %add3A_96 = arith.constant 13 : i32
        %add3A_97 = vector.broadcast %add3A_96 : i32 to vector<16xi32>
        %add3A_98 = arith.addi %broadcast_in_dim3A, %add3A_97 : vector<16xi32>
        %gather3A_99 = tpu.vector_load_idx %arg5[%iota3A, %add3A_98] : memref<16x1041xf32, #tpu.memory_space<vmem>>[vector<16xi32>, vector<16xi32>], vector<16xf32>,
        %add3A_100 = arith.constant 14 : i32
        %add3A_101 = vector.broadcast %add3A_100 : i32 to vector<16xi32>
        %add3A_102 = arith.addi %broadcast_in_dim3A, %add3A_101 : vector<16xi32>
        %gather3A_103 = tpu.vector_load_idx %arg5[%iota3A, %add3A_102] : memref<16x1041xf32, #tpu.memory_space<vmem>>[vector<16xi32>, vector<16xi32>], vector<16xf32>,
        %add3A_104 = arith.constant 15 : i32
        %add3A_105 = vector.broadcast %add3A_104 : i32 to vector<16xi32>
        %add3A_106 = arith.addi %broadcast_in_dim3A, %add3A_105 : vector<16xi32>
        %gather3A_107 = tpu.vector_load_idx %arg5[%iota3A, %add3A_106] : memref<16x1041xf32, #tpu.memory_space<vmem>>[vector<16xi32>, vector<16xi32>], vector<16xf32>,
        %scan3A_108 = arith.constant 1 : i32
        %scan3A_109 = arith.constant 7 : i32
        %scan3A_110 = arith.addi %scan3A_108, %scan3A_109 : i32
        %scan3A_111 = arith.constant 1 : i32
        %scan3A_112:16 = scf.for %scan3A_168 = %scan3A_108 to %scan3A_110 step %scan3A_111 iter_args(%scan3A_169 = %gather3A, %scan3A_170 = %gather3A_51, %scan3A_171 = %gather3A_55, %scan3A_172 = %gather3A_59, %scan3A_173 = %gather3A_63, %scan3A_174 = %gather3A_67, %scan3A_175 = %gather3A_71, %scan3A_176 = %gather3A_75, %scan3A_177 = %gather3A_79, %scan3A_178 = %gather3A_83, %scan3A_179 = %gather3A_87, %scan3A_180 = %gather3A_91, %scan3A_181 = %gather3A_95, %scan3A_182 = %gather3A_99, %scan3A_183 = %gather3A_103, %scan3A_184 = %gather3A_107) -> (vector<16xf32>, vector<16xf32>, vector<16xf32>, vector<16xf32>, vector<16xf32>, vector<16xf32>, vector<16xf32>, vector<16xf32>, vector<16xf32>, vector<16xf32>, vector<16xf32>, vector<16xf32>, vector<16xf32>, vector<16xf32>, vector<16xf32>, vector<16xf32>)  : i32 {
          %mul3A_185 = arith.constant 16 : i32
          %mul3A_186 = arith.muli %scan3A_168, %mul3A_185 : i32
          %add3A_187 = arith.addi %mul3A_41, %mul3A_186 : i32
          %broadcast_in_dim3A_188 = vector.broadcast %add3A_187 : i32 to vector<16xi32>
          %add3A_189 = arith.constant 0 : i32
          %add3A_190 = vector.broadcast %add3A_189 : i32 to vector<16xi32>
          %add3A_191 = arith.addi %broadcast_in_dim3A_188, %add3A_190 : vector<16xi32>
          %gather3A_192 = tpu.vector_load_idx %arg5[%iota3A, %add3A_191] : memref<16x1041xf32, #tpu.memory_space<vmem>>[vector<16xi32>, vector<16xi32>], vector<16xf32>,
          %add3A_193 = arith.constant 1 : i32
          %add3A_194 = vector.broadcast %add3A_193 : i32 to vector<16xi32>
          %add3A_195 = arith.addi %broadcast_in_dim3A_188, %add3A_194 : vector<16xi32>
          %gather3A_196 = tpu.vector_load_idx %arg5[%iota3A, %add3A_195] : memref<16x1041xf32, #tpu.memory_space<vmem>>[vector<16xi32>, vector<16xi32>], vector<16xf32>,
          %add3A_197 = arith.constant 2 : i32
          %add3A_198 = vector.broadcast %add3A_197 : i32 to vector<16xi32>
          %add3A_199 = arith.addi %broadcast_in_dim3A_188, %add3A_198 : vector<16xi32>
          %gather3A_200 = tpu.vector_load_idx %arg5[%iota3A, %add3A_199] : memref<16x1041xf32, #tpu.memory_space<vmem>>[vector<16xi32>, vector<16xi32>], vector<16xf32>,
          %add3A_201 = arith.constant 3 : i32
          %add3A_202 = vector.broadcast %add3A_201 : i32 to vector<16xi32>
          %add3A_203 = arith.addi %broadcast_in_dim3A_188, %add3A_202 : vector<16xi32>
          %gather3A_204 = tpu.vector_load_idx %arg5[%iota3A, %add3A_203] : memref<16x1041xf32, #tpu.memory_space<vmem>>[vector<16xi32>, vector<16xi32>], vector<16xf32>,
          %add3A_205 = arith.constant 4 : i32
          %add3A_206 = vector.broadcast %add3A_205 : i32 to vector<16xi32>
          %add3A_207 = arith.addi %broadcast_in_dim3A_188, %add3A_206 : vector<16xi32>
          %gather3A_208 = tpu.vector_load_idx %arg5[%iota3A, %add3A_207] : memref<16x1041xf32, #tpu.memory_space<vmem>>[vector<16xi32>, vector<16xi32>], vector<16xf32>,
          %add3A_209 = arith.constant 5 : i32
          %add3A_210 = vector.broadcast %add3A_209 : i32 to vector<16xi32>
          %add3A_211 = arith.addi %broadcast_in_dim3A_188, %add3A_210 : vector<16xi32>
          %gather3A_212 = tpu.vector_load_idx %arg5[%iota3A, %add3A_211] : memref<16x1041xf32, #tpu.memory_space<vmem>>[vector<16xi32>, vector<16xi32>], vector<16xf32>,
          %add3A_213 = arith.constant 6 : i32
          %add3A_214 = vector.broadcast %add3A_213 : i32 to vector<16xi32>
          %add3A_215 = arith.addi %broadcast_in_dim3A_188, %add3A_214 : vector<16xi32>
          %gather3A_216 = tpu.vector_load_idx %arg5[%iota3A, %add3A_215] : memref<16x1041xf32, #tpu.memory_space<vmem>>[vector<16xi32>, vector<16xi32>], vector<16xf32>,
          %add3A_217 = arith.constant 7 : i32
          %add3A_218 = vector.broadcast %add3A_217 : i32 to vector<16xi32>
          %add3A_219 = arith.addi %broadcast_in_dim3A_188, %add3A_218 : vector<16xi32>
          %gather3A_220 = tpu.vector_load_idx %arg5[%iota3A, %add3A_219] : memref<16x1041xf32, #tpu.memory_space<vmem>>[vector<16xi32>, vector<16xi32>], vector<16xf32>,
          %add3A_221 = arith.constant 8 : i32
          %add3A_222 = vector.broadcast %add3A_221 : i32 to vector<16xi32>
          %add3A_223 = arith.addi %broadcast_in_dim3A_188, %add3A_222 : vector<16xi32>
          %gather3A_224 = tpu.vector_load_idx %arg5[%iota3A, %add3A_223] : memref<16x1041xf32, #tpu.memory_space<vmem>>[vector<16xi32>, vector<16xi32>], vector<16xf32>,
          %add3A_225 = arith.constant 9 : i32
          %add3A_226 = vector.broadcast %add3A_225 : i32 to vector<16xi32>
          %add3A_227 = arith.addi %broadcast_in_dim3A_188, %add3A_226 : vector<16xi32>
          %gather3A_228 = tpu.vector_load_idx %arg5[%iota3A, %add3A_227] : memref<16x1041xf32, #tpu.memory_space<vmem>>[vector<16xi32>, vector<16xi32>], vector<16xf32>,
          %add3A_229 = arith.constant 10 : i32
          %add3A_230 = vector.broadcast %add3A_229 : i32 to vector<16xi32>
          %add3A_231 = arith.addi %broadcast_in_dim3A_188, %add3A_230 : vector<16xi32>
          %gather3A_232 = tpu.vector_load_idx %arg5[%iota3A, %add3A_231] : memref<16x1041xf32, #tpu.memory_space<vmem>>[vector<16xi32>, vector<16xi32>], vector<16xf32>,
          %add3A_233 = arith.constant 11 : i32
          %add3A_234 = vector.broadcast %add3A_233 : i32 to vector<16xi32>
          %add3A_235 = arith.addi %broadcast_in_dim3A_188, %add3A_234 : vector<16xi32>
          %gather3A_236 = tpu.vector_load_idx %arg5[%iota3A, %add3A_235] : memref<16x1041xf32, #tpu.memory_space<vmem>>[vector<16xi32>, vector<16xi32>], vector<16xf32>,
          %add3A_237 = arith.constant 12 : i32
          %add3A_238 = vector.broadcast %add3A_237 : i32 to vector<16xi32>
          %add3A_239 = arith.addi %broadcast_in_dim3A_188, %add3A_238 : vector<16xi32>
          %gather3A_240 = tpu.vector_load_idx %arg5[%iota3A, %add3A_239] : memref<16x1041xf32, #tpu.memory_space<vmem>>[vector<16xi32>, vector<16xi32>], vector<16xf32>,
          %add3A_241 = arith.constant 13 : i32
          %add3A_242 = vector.broadcast %add3A_241 : i32 to vector<16xi32>
          %add3A_243 = arith.addi %broadcast_in_dim3A_188, %add3A_242 : vector<16xi32>
          %gather3A_244 = tpu.vector_load_idx %arg5[%iota3A, %add3A_243] : memref<16x1041xf32, #tpu.memory_space<vmem>>[vector<16xi32>, vector<16xi32>], vector<16xf32>,
          %add3A_245 = arith.constant 14 : i32
          %add3A_246 = vector.broadcast %add3A_245 : i32 to vector<16xi32>
          %add3A_247 = arith.addi %broadcast_in_dim3A_188, %add3A_246 : vector<16xi32>
          %gather3A_248 = tpu.vector_load_idx %arg5[%iota3A, %add3A_247] : memref<16x1041xf32, #tpu.memory_space<vmem>>[vector<16xi32>, vector<16xi32>], vector<16xf32>,
          %add3A_249 = arith.constant 15 : i32
          %add3A_250 = vector.broadcast %add3A_249 : i32 to vector<16xi32>
          %add3A_251 = arith.addi %broadcast_in_dim3A_188, %add3A_250 : vector<16xi32>
          %gather3A_252 = tpu.vector_load_idx %arg5[%iota3A, %add3A_251] : memref<16x1041xf32, #tpu.memory_space<vmem>>[vector<16xi32>, vector<16xi32>], vector<16xf32>,
          %sub3A = arith.constant 1 : i32
          %sub3A_253 = arith.subi %scan3A_168, %sub3A : i32
          %mul3A_254 = arith.constant 16 : i32
          %mul3A_255 = arith.muli %sub3A_253, %mul3A_254 : i32
          %add3A_256 = arith.addi %mul3A_41, %mul3A_255 : i32
          %mul3A_257 = arith.constant 16 : i32
          %mul3A_258 = arith.muli %add3A_256, %mul3A_257 : i32
          %broadcast_in_dim3A_259 = vector.broadcast %mul3A_258 : i32 to vector<16xi32>
          %add3A_260 = arith.addi %broadcast_in_dim3A_259, %iota3A_42 : vector<16xi32>
          %add3A_261 = arith.constant 0 : i32
          %add3A_262 = vector.broadcast %add3A_261 : i32 to vector<16xi32>
          %add3A_263 = arith.addi %add3A_260, %add3A_262 : vector<16xi32>
          tpu.vector_store_idx %arg7[%add3A_263], %scan3A_169 : memref<16384xf32, #tpu.memory_space<vmem>>[vector<16xi32>], vector<16xf32>,
          %add3A_264 = arith.constant 16 : i32
          %add3A_265 = vector.broadcast %add3A_264 : i32 to vector<16xi32>
          %add3A_266 = arith.addi %add3A_260, %add3A_265 : vector<16xi32>
          tpu.vector_store_idx %arg7[%add3A_266], %scan3A_170 : memref<16384xf32, #tpu.memory_space<vmem>>[vector<16xi32>], vector<16xf32>,
          %add3A_267 = arith.constant 32 : i32
          %add3A_268 = vector.broadcast %add3A_267 : i32 to vector<16xi32>
          %add3A_269 = arith.addi %add3A_260, %add3A_268 : vector<16xi32>
          tpu.vector_store_idx %arg7[%add3A_269], %scan3A_171 : memref<16384xf32, #tpu.memory_space<vmem>>[vector<16xi32>], vector<16xf32>,
          %add3A_270 = arith.constant 48 : i32
          %add3A_271 = vector.broadcast %add3A_270 : i32 to vector<16xi32>
          %add3A_272 = arith.addi %add3A_260, %add3A_271 : vector<16xi32>
          tpu.vector_store_idx %arg7[%add3A_272], %scan3A_172 : memref<16384xf32, #tpu.memory_space<vmem>>[vector<16xi32>], vector<16xf32>,
          %add3A_273 = arith.constant 64 : i32
          %add3A_274 = vector.broadcast %add3A_273 : i32 to vector<16xi32>
          %add3A_275 = arith.addi %add3A_260, %add3A_274 : vector<16xi32>
          tpu.vector_store_idx %arg7[%add3A_275], %scan3A_173 : memref<16384xf32, #tpu.memory_space<vmem>>[vector<16xi32>], vector<16xf32>,
          %add3A_276 = arith.constant 80 : i32
          %add3A_277 = vector.broadcast %add3A_276 : i32 to vector<16xi32>
          %add3A_278 = arith.addi %add3A_260, %add3A_277 : vector<16xi32>
          tpu.vector_store_idx %arg7[%add3A_278], %scan3A_174 : memref<16384xf32, #tpu.memory_space<vmem>>[vector<16xi32>], vector<16xf32>,
          %add3A_279 = arith.constant 96 : i32
          %add3A_280 = vector.broadcast %add3A_279 : i32 to vector<16xi32>
          %add3A_281 = arith.addi %add3A_260, %add3A_280 : vector<16xi32>
          tpu.vector_store_idx %arg7[%add3A_281], %scan3A_175 : memref<16384xf32, #tpu.memory_space<vmem>>[vector<16xi32>], vector<16xf32>,
          %add3A_282 = arith.constant 112 : i32
          %add3A_283 = vector.broadcast %add3A_282 : i32 to vector<16xi32>
          %add3A_284 = arith.addi %add3A_260, %add3A_283 : vector<16xi32>
          tpu.vector_store_idx %arg7[%add3A_284], %scan3A_176 : memref<16384xf32, #tpu.memory_space<vmem>>[vector<16xi32>], vector<16xf32>,
          %add3A_285 = arith.constant 128 : i32
          %add3A_286 = vector.broadcast %add3A_285 : i32 to vector<16xi32>
          %add3A_287 = arith.addi %add3A_260, %add3A_286 : vector<16xi32>
          tpu.vector_store_idx %arg7[%add3A_287], %scan3A_177 : memref<16384xf32, #tpu.memory_space<vmem>>[vector<16xi32>], vector<16xf32>,
          %add3A_288 = arith.constant 144 : i32
          %add3A_289 = vector.broadcast %add3A_288 : i32 to vector<16xi32>
          %add3A_290 = arith.addi %add3A_260, %add3A_289 : vector<16xi32>
          tpu.vector_store_idx %arg7[%add3A_290], %scan3A_178 : memref<16384xf32, #tpu.memory_space<vmem>>[vector<16xi32>], vector<16xf32>,
          %add3A_291 = arith.constant 160 : i32
          %add3A_292 = vector.broadcast %add3A_291 : i32 to vector<16xi32>
          %add3A_293 = arith.addi %add3A_260, %add3A_292 : vector<16xi32>
          tpu.vector_store_idx %arg7[%add3A_293], %scan3A_179 : memref<16384xf32, #tpu.memory_space<vmem>>[vector<16xi32>], vector<16xf32>,
          %add3A_294 = arith.constant 176 : i32
          %add3A_295 = vector.broadcast %add3A_294 : i32 to vector<16xi32>
          %add3A_296 = arith.addi %add3A_260, %add3A_295 : vector<16xi32>
          tpu.vector_store_idx %arg7[%add3A_296], %scan3A_180 : memref<16384xf32, #tpu.memory_space<vmem>>[vector<16xi32>], vector<16xf32>,
          %add3A_297 = arith.constant 192 : i32
          %add3A_298 = vector.broadcast %add3A_297 : i32 to vector<16xi32>
          %add3A_299 = arith.addi %add3A_260, %add3A_298 : vector<16xi32>
          tpu.vector_store_idx %arg7[%add3A_299], %scan3A_181 : memref<16384xf32, #tpu.memory_space<vmem>>[vector<16xi32>], vector<16xf32>,
          %add3A_300 = arith.constant 208 : i32
          %add3A_301 = vector.broadcast %add3A_300 : i32 to vector<16xi32>
          %add3A_302 = arith.addi %add3A_260, %add3A_301 : vector<16xi32>
          tpu.vector_store_idx %arg7[%add3A_302], %scan3A_182 : memref<16384xf32, #tpu.memory_space<vmem>>[vector<16xi32>], vector<16xf32>,
          %add3A_303 = arith.constant 224 : i32
          %add3A_304 = vector.broadcast %add3A_303 : i32 to vector<16xi32>
          %add3A_305 = arith.addi %add3A_260, %add3A_304 : vector<16xi32>
          tpu.vector_store_idx %arg7[%add3A_305], %scan3A_183 : memref<16384xf32, #tpu.memory_space<vmem>>[vector<16xi32>], vector<16xf32>,
          %add3A_306 = arith.constant 240 : i32
          %add3A_307 = vector.broadcast %add3A_306 : i32 to vector<16xi32>
          %add3A_308 = arith.addi %add3A_260, %add3A_307 : vector<16xi32>
          tpu.vector_store_idx %arg7[%add3A_308], %scan3A_184 : memref<16384xf32, #tpu.memory_space<vmem>>[vector<16xi32>], vector<16xf32>,
          scf.yield %gather3A_192, %gather3A_196, %gather3A_200, %gather3A_204, %gather3A_208, %gather3A_212, %gather3A_216, %gather3A_220, %gather3A_224, %gather3A_228, %gather3A_232, %gather3A_236, %gather3A_240, %gather3A_244, %gather3A_248, %gather3A_252 : vector<16xf32>, vector<16xf32>, vector<16xf32>, vector<16xf32>, vector<16xf32>, vector<16xf32>, vector<16xf32>, vector<16xf32>, vector<16xf32>, vector<16xf32>, vector<16xf32>, vector<16xf32>, vector<16xf32>, vector<16xf32>, vector<16xf32>, vector<16xf32>
        }
        %scan3A_113 = arith.constant 7 : i32
        %add3A_114 = arith.constant 112 : i32
        %add3A_115 = arith.addi %mul3A_41, %add3A_114 : i32
        %mul3A_116 = arith.constant 16 : i32
        %mul3A_117 = arith.muli %add3A_115, %mul3A_116 : i32
        %broadcast_in_dim3A_118 = vector.broadcast %mul3A_117 : i32 to vector<16xi32>
        %add3A_119 = arith.addi %broadcast_in_dim3A_118, %iota3A_42 : vector<16xi32>
        %add3A_120 = arith.constant 0 : i32
        %add3A_121 = vector.broadcast %add3A_120 : i32 to vector<16xi32>
        %add3A_122 = arith.addi %add3A_119, %add3A_121 : vector<16xi32>
        tpu.vector_store_idx %arg7[%add3A_122], %scan3A_112#0 : memref<16384xf32, #tpu.memory_space<vmem>>[vector<16xi32>], vector<16xf32>,
        %add3A_123 = arith.constant 16 : i32
        %add3A_124 = vector.broadcast %add3A_123 : i32 to vector<16xi32>
        %add3A_125 = arith.addi %add3A_119, %add3A_124 : vector<16xi32>
        tpu.vector_store_idx %arg7[%add3A_125], %scan3A_112#1 : memref<16384xf32, #tpu.memory_space<vmem>>[vector<16xi32>], vector<16xf32>,
        %add3A_126 = arith.constant 32 : i32
        %add3A_127 = vector.broadcast %add3A_126 : i32 to vector<16xi32>
        %add3A_128 = arith.addi %add3A_119, %add3A_127 : vector<16xi32>
        tpu.vector_store_idx %arg7[%add3A_128], %scan3A_112#2 : memref<16384xf32, #tpu.memory_space<vmem>>[vector<16xi32>], vector<16xf32>,
        %add3A_129 = arith.constant 48 : i32
        %add3A_130 = vector.broadcast %add3A_129 : i32 to vector<16xi32>
        %add3A_131 = arith.addi %add3A_119, %add3A_130 : vector<16xi32>
        tpu.vector_store_idx %arg7[%add3A_131], %scan3A_112#3 : memref<16384xf32, #tpu.memory_space<vmem>>[vector<16xi32>], vector<16xf32>,
        %add3A_132 = arith.constant 64 : i32
        %add3A_133 = vector.broadcast %add3A_132 : i32 to vector<16xi32>
        %add3A_134 = arith.addi %add3A_119, %add3A_133 : vector<16xi32>
        tpu.vector_store_idx %arg7[%add3A_134], %scan3A_112#4 : memref<16384xf32, #tpu.memory_space<vmem>>[vector<16xi32>], vector<16xf32>,
        %add3A_135 = arith.constant 80 : i32
        %add3A_136 = vector.broadcast %add3A_135 : i32 to vector<16xi32>
        %add3A_137 = arith.addi %add3A_119, %add3A_136 : vector<16xi32>
        tpu.vector_store_idx %arg7[%add3A_137], %scan3A_112#5 : memref<16384xf32, #tpu.memory_space<vmem>>[vector<16xi32>], vector<16xf32>,
        %add3A_138 = arith.constant 96 : i32
        %add3A_139 = vector.broadcast %add3A_138 : i32 to vector<16xi32>
        %add3A_140 = arith.addi %add3A_119, %add3A_139 : vector<16xi32>
        tpu.vector_store_idx %arg7[%add3A_140], %scan3A_112#6 : memref<16384xf32, #tpu.memory_space<vmem>>[vector<16xi32>], vector<16xf32>,
        %add3A_141 = arith.constant 112 : i32
        %add3A_142 = vector.broadcast %add3A_141 : i32 to vector<16xi32>
        %add3A_143 = arith.addi %add3A_119, %add3A_142 : vector<16xi32>
        tpu.vector_store_idx %arg7[%add3A_143], %scan3A_112#7 : memref<16384xf32, #tpu.memory_space<vmem>>[vector<16xi32>], vector<16xf32>,
        %add3A_144 = arith.constant 128 : i32
        %add3A_145 = vector.broadcast %add3A_144 : i32 to vector<16xi32>
        %add3A_146 = arith.addi %add3A_119, %add3A_145 : vector<16xi32>
        tpu.vector_store_idx %arg7[%add3A_146], %scan3A_112#8 : memref<16384xf32, #tpu.memory_space<vmem>>[vector<16xi32>], vector<16xf32>,
        %add3A_147 = arith.constant 144 : i32
        %add3A_148 = vector.broadcast %add3A_147 : i32 to vector<16xi32>
        %add3A_149 = arith.addi %add3A_119, %add3A_148 : vector<16xi32>
        tpu.vector_store_idx %arg7[%add3A_149], %scan3A_112#9 : memref<16384xf32, #tpu.memory_space<vmem>>[vector<16xi32>], vector<16xf32>,
        %add3A_150 = arith.constant 160 : i32
        %add3A_151 = vector.broadcast %add3A_150 : i32 to vector<16xi32>
        %add3A_152 = arith.addi %add3A_119, %add3A_151 : vector<16xi32>
        tpu.vector_store_idx %arg7[%add3A_152], %scan3A_112#10 : memref<16384xf32, #tpu.memory_space<vmem>>[vector<16xi32>], vector<16xf32>,
        %add3A_153 = arith.constant 176 : i32
        %add3A_154 = vector.broadcast %add3A_153 : i32 to vector<16xi32>
        %add3A_155 = arith.addi %add3A_119, %add3A_154 : vector<16xi32>
        tpu.vector_store_idx %arg7[%add3A_155], %scan3A_112#11 : memref<16384xf32, #tpu.memory_space<vmem>>[vector<16xi32>], vector<16xf32>,
        %add3A_156 = arith.constant 192 : i32
        %add3A_157 = vector.broadcast %add3A_156 : i32 to vector<16xi32>
        %add3A_158 = arith.addi %add3A_119, %add3A_157 : vector<16xi32>
        tpu.vector_store_idx %arg7[%add3A_158], %scan3A_112#12 : memref<16384xf32, #tpu.memory_space<vmem>>[vector<16xi32>], vector<16xf32>,
        %add3A_159 = arith.constant 208 : i32
        %add3A_160 = vector.broadcast %add3A_159 : i32 to vector<16xi32>
        %add3A_161 = arith.addi %add3A_119, %add3A_160 : vector<16xi32>
        tpu.vector_store_idx %arg7[%add3A_161], %scan3A_112#13 : memref<16384xf32, #tpu.memory_space<vmem>>[vector<16xi32>], vector<16xf32>,
        %add3A_162 = arith.constant 224 : i32
        %add3A_163 = vector.broadcast %add3A_162 : i32 to vector<16xi32>
        %add3A_164 = arith.addi %add3A_119, %add3A_163 : vector<16xi32>
        tpu.vector_store_idx %arg7[%add3A_164], %scan3A_112#14 : memref<16384xf32, #tpu.memory_space<vmem>>[vector<16xi32>], vector<16xf32>,
        %add3A_165 = arith.constant 240 : i32
        %add3A_166 = vector.broadcast %add3A_165 : i32 to vector<16xi32>
        %add3A_167 = arith.addi %add3A_119, %add3A_166 : vector<16xi32>
        tpu.vector_store_idx %arg7[%add3A_167], %scan3A_112#15 : memref<16384xf32, #tpu.memory_space<vmem>>[vector<16xi32>], vector<16xf32>,
      }
      %scan3A_38 = arith.constant 4 : i32
      "tpu.region"() ({
        %run_scoped3A = tpu.sem_alloc : memref<!tpu.dma_semaphore, #tpu.memory_space<semaphore_mem>>
        %dma_start3A = arith.constant 0 : i32
        %dma_start3A_39 = tpu.memref_slice %arg7[%dma_start3A] : memref<16384xf32, #tpu.memory_space<vmem>> -> memref<8192xf32, #tpu.memory_space<vmem>>
        %dma_start3A_40 = arith.constant 15990784 : i32
        %dma_start3A_41 = tpu.memref_slice %arg4[%dma_start3A_40] : memref<16000000xf32, #tpu.memory_space<hbm>> -> memref<8192xf32, #tpu.memory_space<hbm>>
        %dma_start3A_42 = arith.constant 15990784 : i32
        %dma_start3A_43 = tpu.memref_slice %arg4[%dma_start3A_42] : memref<16000000xf32, #tpu.memory_space<hbm>> -> memref<8192xf32, #tpu.memory_space<hbm>>
        %dma_start3A_44 = arith.constant 0 : i32
        %dma_start3A_45 = tpu.memref_slice %arg7[%dma_start3A_44] : memref<16384xf32, #tpu.memory_space<vmem>> -> memref<8192xf32, #tpu.memory_space<vmem>>
        tpu.enqueue_dma source(%dma_start3A_45 : memref<8192xf32, #tpu.memory_space<vmem>>) target(%dma_start3A_43 : memref<8192xf32, #tpu.memory_space<hbm>>) target_semaphore(%run_scoped3A : memref<!tpu.dma_semaphore, #tpu.memory_space<semaphore_mem>>)
        %dma_wait3A = arith.constant 0 : i32
        %dma_wait3A_46 = tpu.memref_slice %arg7[%dma_wait3A] : memref<16384xf32, #tpu.memory_space<vmem>> -> memref<8192xf32, #tpu.memory_space<vmem>>
        %dma_wait3A_47 = arith.constant 15990784 : i32
        %dma_wait3A_48 = tpu.memref_slice %arg4[%dma_wait3A_47] : memref<16000000xf32, #tpu.memory_space<hbm>> -> memref<8192xf32, #tpu.memory_space<hbm>>
        %dma_wait3A_49 = arith.constant 15990784 : i32
        %dma_wait3A_50 = tpu.memref_slice %arg4[%dma_wait3A_49] : memref<16000000xf32, #tpu.memory_space<hbm>> -> memref<8192xf32, #tpu.memory_space<hbm>>
        %dma_wait3A_51 = arith.constant 0 : i32
        %dma_wait3A_52 = tpu.memref_slice %arg7[%dma_wait3A_51] : memref<16384xf32, #tpu.memory_space<vmem>> -> memref<8192xf32, #tpu.memory_space<vmem>>
        tpu.wait_dma2 semaphore(%run_scoped3A : memref<!tpu.dma_semaphore, #tpu.memory_space<semaphore_mem>>) src(%dma_wait3A_52 : memref<8192xf32, #tpu.memory_space<vmem>>) dst(%dma_wait3A_50 : memref<8192xf32, #tpu.memory_space<hbm>>)
        tpu.yield
      }) : () -> ()
    } else {
    }
    %eq3A_29 = arith.constant 30 : i32
    %eq3A_30 = arith.cmpi eq, %add3A, %eq3A_29 : i32
    %convert_element_type3A_31 = arith.extui %eq3A_30 : i1 to i32
    %cond3A_32 = arith.constant 0 : i32
    %cond3A_33 = arith.cmpi ne, %convert_element_type3A_31, %cond3A_32 : i32
    scf.if %cond3A_33 {
      "tpu.region"() ({
        %run_scoped3A = tpu.sem_alloc : memref<!tpu.dma_semaphore, #tpu.memory_space<semaphore_mem>>
        %dma_start3A = arith.constant 0 : i32
        %dma_start3A_34 = tpu.memref_slice %arg8[%dma_start3A] : memref<16384xf32, #tpu.memory_space<vmem>> -> memref<1024xf32, #tpu.memory_space<vmem>>
        %dma_start3A_35 = arith.constant 0 : i32
        %dma_start3A_36 = tpu.memref_slice %arg8[%dma_start3A_35] : memref<16384xf32, #tpu.memory_space<vmem>> -> memref<1024xf32, #tpu.memory_space<vmem>>
        tpu.enqueue_dma source(%arg3 : memref<1024xf32, #tpu.memory_space<hbm>>) target(%dma_start3A_36 : memref<1024xf32, #tpu.memory_space<vmem>>) target_semaphore(%run_scoped3A : memref<!tpu.dma_semaphore, #tpu.memory_space<semaphore_mem>>)
        %dma_wait3A = arith.constant 0 : i32
        %dma_wait3A_37 = tpu.memref_slice %arg8[%dma_wait3A] : memref<16384xf32, #tpu.memory_space<vmem>> -> memref<1024xf32, #tpu.memory_space<vmem>>
        %dma_wait3A_38 = arith.constant 0 : i32
        %dma_wait3A_39 = tpu.memref_slice %arg8[%dma_wait3A_38] : memref<16384xf32, #tpu.memory_space<vmem>> -> memref<1024xf32, #tpu.memory_space<vmem>>
        tpu.wait_dma2 semaphore(%run_scoped3A : memref<!tpu.dma_semaphore, #tpu.memory_space<semaphore_mem>>) src(%arg3 : memref<1024xf32, #tpu.memory_space<hbm>>) dst(%dma_wait3A_39 : memref<1024xf32, #tpu.memory_space<vmem>>)
        tpu.yield
      }) : () -> ()
      "tpu.region"() ({
        %run_scoped3A = tpu.sem_alloc : memref<!tpu.dma_semaphore, #tpu.memory_space<semaphore_mem>>
        %dma_start3A = arith.constant 0 : i32
        %dma_start3A_34 = tpu.memref_slice %arg8[%dma_start3A] : memref<16384xf32, #tpu.memory_space<vmem>> -> memref<1024xf32, #tpu.memory_space<vmem>>
        %dma_start3A_35 = arith.constant 15998976 : i32
        %dma_start3A_36 = tpu.memref_slice %arg4[%dma_start3A_35] : memref<16000000xf32, #tpu.memory_space<hbm>> -> memref<1024xf32, #tpu.memory_space<hbm>>
        %dma_start3A_37 = arith.constant 15998976 : i32
        %dma_start3A_38 = tpu.memref_slice %arg4[%dma_start3A_37] : memref<16000000xf32, #tpu.memory_space<hbm>> -> memref<1024xf32, #tpu.memory_space<hbm>>
        %dma_start3A_39 = arith.constant 0 : i32
        %dma_start3A_40 = tpu.memref_slice %arg8[%dma_start3A_39] : memref<16384xf32, #tpu.memory_space<vmem>> -> memref<1024xf32, #tpu.memory_space<vmem>>
        tpu.enqueue_dma source(%dma_start3A_40 : memref<1024xf32, #tpu.memory_space<vmem>>) target(%dma_start3A_38 : memref<1024xf32, #tpu.memory_space<hbm>>) target_semaphore(%run_scoped3A : memref<!tpu.dma_semaphore, #tpu.memory_space<semaphore_mem>>)
        %dma_wait3A = arith.constant 0 : i32
        %dma_wait3A_41 = tpu.memref_slice %arg8[%dma_wait3A] : memref<16384xf32, #tpu.memory_space<vmem>> -> memref<1024xf32, #tpu.memory_space<vmem>>
        %dma_wait3A_42 = arith.constant 15998976 : i32
        %dma_wait3A_43 = tpu.memref_slice %arg4[%dma_wait3A_42] : memref<16000000xf32, #tpu.memory_space<hbm>> -> memref<1024xf32, #tpu.memory_space<hbm>>
        %dma_wait3A_44 = arith.constant 15998976 : i32
        %dma_wait3A_45 = tpu.memref_slice %arg4[%dma_wait3A_44] : memref<16000000xf32, #tpu.memory_space<hbm>> -> memref<1024xf32, #tpu.memory_space<hbm>>
        %dma_wait3A_46 = arith.constant 0 : i32
        %dma_wait3A_47 = tpu.memref_slice %arg8[%dma_wait3A_46] : memref<16384xf32, #tpu.memory_space<vmem>> -> memref<1024xf32, #tpu.memory_space<vmem>>
        tpu.wait_dma2 semaphore(%run_scoped3A : memref<!tpu.dma_semaphore, #tpu.memory_space<semaphore_mem>>) src(%dma_wait3A_47 : memref<1024xf32, #tpu.memory_space<vmem>>) dst(%dma_wait3A_45 : memref<1024xf32, #tpu.memory_space<hbm>>)
        tpu.yield
      }) : () -> ()
    } else {
    }
    return
  }
}

#map = affine_map<(d0, d1) -> (0)>
#map1 = affine_map<(d0, d1) -> (0, 0)>
module attributes {stable_mosaic.version = 14 : i64} {
  func.func @gather_kernel(%arg0: i32, %arg1: i32, %arg2: memref<100352xi32, #tpu.memory_space<hbm>>, %arg3: memref<1000000x16xf32, #tpu.memory_space<hbm>>, %arg4: memref<100000x16xf32, #tpu.memory_space<hbm>>, %arg5: memref<3136xi32, #tpu.memory_space<vmem>>, %arg6: memref<3136x16xf32, #tpu.memory_space<vmem>>, %arg7: memref<!tpu.dma_semaphore, #tpu.memory_space<semaphore_mem>>) attributes {dimension_semantics = [#tpu.dimension_semantics<core_parallel>, #tpu.dimension_semantics<subcore_parallel>], iteration_bounds = array<i64: 2, 16>, scalar_prefetch = 0 : i64, scratch_operands = 3 : i64, tpu.core_type = #tpu.core_type<sc_vector_subcore>, window_params = [{transform_indices = #map}, {transform_indices = #map1}, {transform_indices = #map1}]} {
    %mul3A = arith.constant 2 : i32
    %mul3A_0 = arith.muli %arg1, %mul3A : i32
    %add3A = arith.addi %mul3A_0, %arg0 : i32
    %mul3A_1 = arith.constant 3136 : i32
    %mul3A_2 = arith.muli %add3A, %mul3A_1 : i32
    %multiple_of3A = tpu.assume_multiple %mul3A_2, 8 : i32
    "tpu.region"() ({
      %run_scoped3A = tpu.sem_alloc : memref<!tpu.dma_semaphore, #tpu.memory_space<semaphore_mem>>
      %dma_start3A_13 = tpu.memref_slice %arg2[%multiple_of3A] : memref<100352xi32, #tpu.memory_space<hbm>> -> memref<3136xi32, #tpu.memory_space<hbm>>
      %dma_start3A_14 = tpu.memref_slice %arg2[%multiple_of3A] : memref<100352xi32, #tpu.memory_space<hbm>> -> memref<3136xi32, #tpu.memory_space<hbm>>
      tpu.enqueue_dma source(%dma_start3A_14 : memref<3136xi32, #tpu.memory_space<hbm>>) target(%arg5 : memref<3136xi32, #tpu.memory_space<vmem>>) target_semaphore(%run_scoped3A : memref<!tpu.dma_semaphore, #tpu.memory_space<semaphore_mem>>)
      %dma_wait3A_15 = tpu.memref_slice %arg2[%multiple_of3A] : memref<100352xi32, #tpu.memory_space<hbm>> -> memref<3136xi32, #tpu.memory_space<hbm>>
      %dma_wait3A_16 = tpu.memref_slice %arg2[%multiple_of3A] : memref<100352xi32, #tpu.memory_space<hbm>> -> memref<3136xi32, #tpu.memory_space<hbm>>
      tpu.wait_dma2 semaphore(%run_scoped3A : memref<!tpu.dma_semaphore, #tpu.memory_space<semaphore_mem>>) src(%dma_wait3A_16 : memref<3136xi32, #tpu.memory_space<hbm>>) dst(%arg5 : memref<3136xi32, #tpu.memory_space<vmem>>)
      tpu.yield
    }) : () -> ()
    %dma_start3A = arith.constant 0 : i32
    %dma_start3A_3 = arith.constant 0 : i32
    %dma_start3A_4 = tpu.memref_slice %arg3[%dma_start3A, %dma_start3A_3] : memref<1000000x16xf32, #tpu.memory_space<hbm>> -> memref<1000000x16xf32, #tpu.memory_space<hbm>>
    tpu.enqueue_indirect_dma source(%dma_start3A_4 : memref<1000000x16xf32, #tpu.memory_space<hbm>>) target(%arg6 : memref<3136x16xf32, #tpu.memory_space<vmem>>) offsets(%arg5 : memref<3136xi32, #tpu.memory_space<vmem>>) semaphore(%arg7 : memref<!tpu.dma_semaphore, #tpu.memory_space<semaphore_mem>>)
    %dma_wait3A = arith.constant 0 : i32
    %dma_wait3A_5 = arith.constant 0 : i32
    %dma_wait3A_6 = tpu.memref_slice %arg3[%dma_wait3A, %dma_wait3A_5] : memref<1000000x16xf32, #tpu.memory_space<hbm>> -> memref<1000000x16xf32, #tpu.memory_space<hbm>>
    tpu.wait_indirect_dma semaphore(%arg7 : memref<!tpu.dma_semaphore, #tpu.memory_space<semaphore_mem>>) src(%dma_wait3A_6 : memref<1000000x16xf32, #tpu.memory_space<hbm>>) dst(%arg6 : memref<3136x16xf32, #tpu.memory_space<vmem>>)
    %lt3A = arith.constant 31 : i32
    %lt3A_7 = arith.cmpi slt, %add3A, %lt3A : i32
    %convert_element_type3A = arith.extui %lt3A_7 : i1 to i32
    %cond3A = arith.constant 0 : i32
    %cond3A_8 = arith.cmpi ne, %convert_element_type3A, %cond3A : i32
    scf.if %cond3A_8 {
      "tpu.region"() ({
        %run_scoped3A = tpu.sem_alloc : memref<!tpu.dma_semaphore, #tpu.memory_space<semaphore_mem>>
        %dma_start3A_13 = arith.constant 0 : i32
        %dma_start3A_14 = tpu.memref_slice %arg4[%multiple_of3A, %dma_start3A_13] : memref<100000x16xf32, #tpu.memory_space<hbm>> -> memref<3136x16xf32, #tpu.memory_space<hbm>>
        %dma_start3A_15 = arith.constant 0 : i32
        %dma_start3A_16 = tpu.memref_slice %arg4[%multiple_of3A, %dma_start3A_15] : memref<100000x16xf32, #tpu.memory_space<hbm>> -> memref<3136x16xf32, #tpu.memory_space<hbm>>
        tpu.enqueue_dma source(%arg6 : memref<3136x16xf32, #tpu.memory_space<vmem>>) target(%dma_start3A_16 : memref<3136x16xf32, #tpu.memory_space<hbm>>) target_semaphore(%run_scoped3A : memref<!tpu.dma_semaphore, #tpu.memory_space<semaphore_mem>>)
        %dma_wait3A_17 = arith.constant 0 : i32
        %dma_wait3A_18 = tpu.memref_slice %arg4[%multiple_of3A, %dma_wait3A_17] : memref<100000x16xf32, #tpu.memory_space<hbm>> -> memref<3136x16xf32, #tpu.memory_space<hbm>>
        %dma_wait3A_19 = arith.constant 0 : i32
        %dma_wait3A_20 = tpu.memref_slice %arg4[%multiple_of3A, %dma_wait3A_19] : memref<100000x16xf32, #tpu.memory_space<hbm>> -> memref<3136x16xf32, #tpu.memory_space<hbm>>
        tpu.wait_dma2 semaphore(%run_scoped3A : memref<!tpu.dma_semaphore, #tpu.memory_space<semaphore_mem>>) src(%arg6 : memref<3136x16xf32, #tpu.memory_space<vmem>>) dst(%dma_wait3A_20 : memref<3136x16xf32, #tpu.memory_space<hbm>>)
        tpu.yield
      }) : () -> ()
    } else {
    }
    %eq3A = arith.constant 31 : i32
    %eq3A_9 = arith.cmpi eq, %add3A, %eq3A : i32
    %convert_element_type3A_10 = arith.extui %eq3A_9 : i1 to i32
    %cond3A_11 = arith.constant 0 : i32
    %cond3A_12 = arith.cmpi ne, %convert_element_type3A_10, %cond3A_11 : i32
    scf.if %cond3A_12 {
      "tpu.region"() ({
        %run_scoped3A = tpu.sem_alloc : memref<!tpu.dma_semaphore, #tpu.memory_space<semaphore_mem>>
        %dma_start3A_13 = arith.constant 0 : i32
        %dma_start3A_14 = arith.constant 0 : i32
        %dma_start3A_15 = tpu.memref_slice %arg6[%dma_start3A_13, %dma_start3A_14] : memref<3136x16xf32, #tpu.memory_space<vmem>> -> memref<2784x16xf32, #tpu.memory_space<vmem>>
        %dma_start3A_16 = arith.constant 0 : i32
        %dma_start3A_17 = tpu.memref_slice %arg4[%multiple_of3A, %dma_start3A_16] : memref<100000x16xf32, #tpu.memory_space<hbm>> -> memref<2784x16xf32, #tpu.memory_space<hbm>>
        %dma_start3A_18 = arith.constant 0 : i32
        %dma_start3A_19 = tpu.memref_slice %arg4[%multiple_of3A, %dma_start3A_18] : memref<100000x16xf32, #tpu.memory_space<hbm>> -> memref<2784x16xf32, #tpu.memory_space<hbm>>
        %dma_start3A_20 = arith.constant 0 : i32
        %dma_start3A_21 = arith.constant 0 : i32
        %dma_start3A_22 = tpu.memref_slice %arg6[%dma_start3A_20, %dma_start3A_21] : memref<3136x16xf32, #tpu.memory_space<vmem>> -> memref<2784x16xf32, #tpu.memory_space<vmem>>
        tpu.enqueue_dma source(%dma_start3A_22 : memref<2784x16xf32, #tpu.memory_space<vmem>>) target(%dma_start3A_19 : memref<2784x16xf32, #tpu.memory_space<hbm>>) target_semaphore(%run_scoped3A : memref<!tpu.dma_semaphore, #tpu.memory_space<semaphore_mem>>)
        %dma_wait3A_23 = arith.constant 0 : i32
        %dma_wait3A_24 = arith.constant 0 : i32
        %dma_wait3A_25 = tpu.memref_slice %arg6[%dma_wait3A_23, %dma_wait3A_24] : memref<3136x16xf32, #tpu.memory_space<vmem>> -> memref<2784x16xf32, #tpu.memory_space<vmem>>
        %dma_wait3A_26 = arith.constant 0 : i32
        %dma_wait3A_27 = tpu.memref_slice %arg4[%multiple_of3A, %dma_wait3A_26] : memref<100000x16xf32, #tpu.memory_space<hbm>> -> memref<2784x16xf32, #tpu.memory_space<hbm>>
        %dma_wait3A_28 = arith.constant 0 : i32
        %dma_wait3A_29 = tpu.memref_slice %arg4[%multiple_of3A, %dma_wait3A_28] : memref<100000x16xf32, #tpu.memory_space<hbm>> -> memref<2784x16xf32, #tpu.memory_space<hbm>>
        %dma_wait3A_30 = arith.constant 0 : i32
        %dma_wait3A_31 = arith.constant 0 : i32
        %dma_wait3A_32 = tpu.memref_slice %arg6[%dma_wait3A_30, %dma_wait3A_31] : memref<3136x16xf32, #tpu.memory_space<vmem>> -> memref<2784x16xf32, #tpu.memory_space<vmem>>
        tpu.wait_dma2 semaphore(%run_scoped3A : memref<!tpu.dma_semaphore, #tpu.memory_space<semaphore_mem>>) src(%dma_wait3A_32 : memref<2784x16xf32, #tpu.memory_space<vmem>>) dst(%dma_wait3A_29 : memref<2784x16xf32, #tpu.memory_space<hbm>>)
        tpu.yield
      }) : () -> ()
    } else {
    }
    return
  }
}

</mosaic_0001>

<sc_bundles>
// kernel: kernel.4.cloned.1.call-start
scs
__scs_entry_jumppad:
0x0: {  	(pc) =	sbr.rel $0x88, $3  }
0x1: {  	(tag) =	ssettag $0x0;
	lr =	simm.s32 $0x1  }
0x2: {  	[smem:$0x3F9F] =	sst lr;
	_ =	strace $0xD0000000  }
0x3: {  	_ = 	snop  }
0x4: {  	_ = 	snop  }
0x5: {  	_ = 	snop  }
0x6: {  	_ = 	snop  }
0x7: {  	_ = 	snop  }
__scs_overlays_trampoline_lowered:
0x8: {  	[smem:$0x3FAE] =	sst s0  }
0x9: {  	[smem:$0x3FAF] =	sst s1  }
0xa: {  	[smem:$0x3FB0] =	sst s2  }
0xb: {  	[smem:$0x3FB1] =	sst s3  }
0xc: {  	[smem:$0x3FB2] =	sst s4  }
0xd: {  	[smem:$0x3FB3] =	sst s5  }
0xe: {  	[smem:$0x3FB4] =	sst s6  }
0xf: {  	[smem:$0x3FB5] =	sst s7  }
0x10: {  	[smem:$0x3FB6] =	sst s8  }
0x11: {  	[smem:$0x3FB7] =	sst s9;
	s0 =	simm.s32 @!p0 $0x0  }
0x12: {  	s1 =	sld [smem:$0x3F9D];
	s0 =	simm.s32 @p0 $0x1  }
0x13: {  	[smem:$0x3FB8] =	sst s0;
	s0 =	simm.s32 @!p1 $0x0  }
0x14: {  	s2 =	sld [smem:$0x3F9C];
	s0 =	simm.s32 @p1 $0x1  }
0x15: {  	[smem:$0x3FB9] =	sst s0;
	s0 =	simm.s32 @!p2 $0x0  }
0x16: {  	s3 =	sld [smem:$0x3FDB];
	s0 =	simm.s32 @p2 $0x1  }
0x17: {  	s4 =	simm.s32 $0x1BF5;
	[smem:$0x3FBB] =	sst s0  }
0x18: {  	s0 =	sld [smem:$0x3F9E];
	_ =	swait.ge [sflag:s4], $0x0  }
0x19: {  	s7 =	sld [smem:$0x3F9F]  }
0x1a: {  	s8 =	sadd.s32 $0xFFFFE003, lr  }
0x1b: {  	s9 =	sadd.s32 $0xFFFFFEF7, lr;
	s5 =	simm.s32 $0xFFFFFFFF;
	p2 =	slt.u32 s8, $0xFFFFF086  }
0x1c: {  	p1 =	slt.u32 s9, $0xF7A;
	s5 =	simm.s32 @!p2 $0x0  }
0x1d: {  	s5 =	simm.s32 @p1 $0x1;
	p0 =	seq.s32 s7, s2  }
0x1e: {  	s7 =	smul.u32 @!p0 $0xF7A, s2;
	p2 =	seq.s32 @!p0 s5, $0x0  }
0x1f: {  	s9 =	smul.u32 $0xF7A, s1;
	s8 =	simm.s32 @!p0 $0x1BF5;
	p2 =	por !p2, p0  }
0x20: {  	[sflag:s8] =	ssyncset.s32 @!p0 $0xFFFFF086;
	s6 =	sadd.s32 @!p0 s3, s7;
	s7 =	simm.s32 @!p0 $0x108  }
0x21: {  	s3 =	sadd.s32 s3, s9;
	s6 =	sadd.s32 @!p0 $0x88, s6;
	s7 =	simm.s32 @p2 $0x1082  }
0x22: {  	[simem:s7], [sflag:s8] =	dma.local @!p0 [hbm:s6], $0xF7A  }
0x23: {  	s9 =	sor.u32 $0xD0000000, s2;
	s6 =	simm.s32 $0x108;
	_ =	swait.ge @!p0 [sflag:s8], $0x0  }
0x24: {  	s3 =	sadd.s32 $0x88, s3;
	s6 =	simm.s32 @!p1 $0x1082;
	[sflag:s4] =	ssyncset.s32 $0xFFFFF086  }
0x25: {  	[simem:s6], [sflag:s4] =	dma.local [hbm:s3], $0xF7A  }
0x26: {  	[smem:$0x3F9F] =	sst s1;
	(tag) =	ssettag s2;
	_ =	strace s9  }
0x27: {  	s1 =	sld [smem:$0x3FAF]  }
0x28: {  	s2 =	sld [smem:$0x3FB0]  }
0x29: {  	s4 =	sld [smem:$0x3FB2]  }
0x2a: {  	p0 =	seq.s32 s5, $0x0;
	s5 =	sld [smem:$0x3FB3]  }
0x2b: {  	s6 =	sld [smem:$0x3FB4]  }
0x2c: {  	s7 =	sld [smem:$0x3FB5]  }
0x2d: {  	s3 =	simm.s32 $0x108;
	s8 =	sld [smem:$0x3FB6]  }
0x2e: {  	s3 =	simm.s32 @!p0 $0x1082;
	s9 =	sld [smem:$0x3FB7]  }
0x2f: {  	lr =	sadd.s32 s0, s3;
	s0 =	sld [smem:$0x3FAE]  }
0x30: {  	s3 =	sld [smem:$0x3FB1]  }
0x31: {  	[smem:$0x3FBA] =	sst s10  }
0x32: {  	s10 =	sld [smem:$0x3FB8];
	_ =	sdelay $0x3  }
0x33: {  	p0 =	seq.s32 s10, $0x1;
	s10 =	sld [smem:$0x3FBA];
	_ =	sdelay $0x3  }
0x34: {  	[smem:$0x3FBA] =	sst s10  }
0x35: {  	s10 =	sld [smem:$0x3FB9];
	_ =	sdelay $0x3  }
0x36: {  	p1 =	seq.s32 s10, $0x1;
	s10 =	sld [smem:$0x3FBA];
	_ =	sdelay $0x3  }
0x37: {  	[smem:$0x3FBA] =	sst s10  }
0x38: {  	s10 =	sld [smem:$0x3FBB]  }
0x39: {  	_ = 	snop;
	(pc) =	sbr.ind lr, $3  }
0x3a: {  	_ = 	snop  }
0x3b: {  	_ = 	snop  }
0x3c: {  	p2 =	seq.s32 s10, $0x1;
	s10 =	sld [smem:$0x3FBA]  }
0x3d: {  	_ =	shalt  }
0x3e: {  	_ =	shalt  }
0x3f: {  	_ =	shalt  }
0x40: {  	_ =	shalt  }
0x41: {  	_ =	shalt  }
0x42: {  	_ =	shalt  }
0x43: {  	_ =	shalt  }
0x44: {  	_ =	shalt  }
0x45: {  	_ =	shalt  }
0x46: {  	_ =	shalt  }
0x47: {  	_ =	shalt  }
0x48: {  	_ =	shalt  }
0x49: {  	_ =	shalt  }
0x4a: {  	_ =	shalt  }
0x4b: {  	_ =	shalt  }
0x4c: {  	_ =	shalt  }
0x4d: {  	_ =	shalt  }
0x4e: {  	_ =	shalt  }
0x4f: {  	_ =	shalt  }
0x50: {  	_ =	shalt  }
0x51: {  	_ =	shalt  }
0x52: {  	_ =	shalt  }
0x53: {  	_ =	shalt  }
0x54: {  	_ =	shalt  }
0x55: {  	_ =	shalt  }
0x56: {  	_ =	shalt  }
0x57: {  	_ =	shalt  }
0x58: {  	_ =	shalt  }
0x59: {  	_ =	shalt  }
0x5a: {  	_ =	shalt  }
0x5b: {  	_ =	shalt  }
0x5c: {  	_ =	shalt  }
0x5d: {  	_ =	shalt  }
0x5e: {  	_ =	shalt  }
0x5f: {  	_ =	shalt  }
0x60: {  	_ =	shalt  }
0x61: {  	_ =	shalt  }
0x62: {  	_ =	shalt  }
0x63: {  	_ =	shalt  }
0x64: {  	_ =	shalt  }
0x65: {  	_ =	shalt  }
0x66: {  	_ =	shalt  }
0x67: {  	_ =	shalt  }
0x68: {  	_ =	shalt  }
0x69: {  	_ =	shalt  }
0x6a: {  	_ =	shalt  }
0x6b: {  	_ =	shalt  }
0x6c: {  	_ =	shalt  }
0x6d: {  	_ =	shalt  }
0x6e: {  	_ =	shalt  }
0x6f: {  	_ =	shalt  }
0x70: {  	_ =	shalt  }
0x71: {  	_ =	shalt  }
0x72: {  	_ =	shalt  }
0x73: {  	_ =	shalt  }
0x74: {  	_ =	shalt  }
0x75: {  	_ =	shalt  }
0x76: {  	_ =	shalt  }
0x77: {  	_ =	shalt  }
0x78: {  	_ =	shalt  }
0x79: {  	_ =	shalt  }
0x7a: {  	_ =	shalt  }
0x7b: {  	_ =	shalt  }
0x7c: {  	_ =	shalt  }
0x7d: {  	_ =	shalt  }
0x7e: {  	_ =	shalt  }
0x7f: {  	_ =	shalt  }
0x80: {  	_ =	shalt  }
0x81: {  	_ =	shalt  }
0x82: {  	_ =	shalt  }
0x83: {  	_ =	shalt  }
0x84: {  	_ =	shalt  }
0x85: {  	_ =	shalt  }
0x86: {  	_ =	shalt  }
0x87: {  	_ =	shalt  }
.Lfunc_end0:
.L_simem_size_0:
called_computation_lowered:
.L_overlay_start_0:
0x88: {  	s2 =	sld [smem:$0x3FD9]  }
0x89: {  	s3 =	sld [smem:$0x3FFE];
	_ =	sdelay $0x1  }
0x8a: {  	s1 =	srdreg.scid  }
0x8b: {  	s0 =	sand.u32 $0x1, s1  }
0x8c: {  	s17 =	sshll.u32 s0, $0xA;
	s2 =	sadd.s32 s3, s2  }
0x8d: {  	s2 =	sadd.s32 s2, s17  }
0x8e: {  	[smem:$0x3FC6] =	sst s2  }
0x8f: {  	_ = 	snop  }
0x90: {  	s2 =	sld [smem:$0x3FC8]  }
0x91: {  	s18 =	sld [smem:$0x3FD0];
	(tm) =	ssettm $0x1  }
0x92: {  	s4 =	sld [smem:$0x3FFB];
	_ =	sdelay $0x3  }
0x93: {  	_ =	strace s4  }
0x94: {  	s4 =	sld [smem:$0x3FFC];
	_ =	sdelay $0x3  }
0x95: {  	_ =	strace s4  }
0x96: {  	s4 =	sld [smem:$0x3FFD];
	_ =	sdelay $0x3  }
0x97: {  	_ =	strace s4  }
0x98: {  	_ =	strace $0x8FFFFFFF  }
0x99: {  	s19 =	sld [smem:$0x3FDB];
	_ =	sdelay $0x1  }
0x9a: {  	s5 =	simm.s32 $_scs_section_size  }
0x9b: {  	s6 =	simm.s32 $_size__tile_overlayer_lowered;
	s7 =	simm.s32 $_tile_overlayer_lowered  }
0x9c: {  	s22 =	simm.s32 $0x1BFF;
	s21 =	sshll.u32 s7, $0x1;
	s4 =	sadd.s32 s5, s19  }
0x9d: {  	s8 =	simm.s32 $0x0;
	s20 =	sshll.u32 s6, $0x1;
	s6 =	sadd.s32 s21, s4  }
0x9e: {  	[timem:s8], [sflag:s22] =	dma.local [hbm:s6], s20  }
0x9f: {  	_ =	swait.ge [sflag:s22], s20  }
0xa0: {  	s5 =	ssub.s32 $0x0, s20;
	[sflag:s22] =	ssyncset.done $0x0  }
0xa1: {  	[sflag:s22] =	ssyncadd.s32 s5;
	_ =	sdelay $0x1  }
0xa2: {  	s23 =	simm.s32 $0x1B8B  }
0xa3: {  	_ =	swait.ge [sflag:s23], $0x1  }
0xa4: {  	[sflag:s23] =	ssyncset.done $0x0  }
0xa5: {  	s25 =	simm.s32 $0x1B8E;
	s24 =	sld [smem:$0x3FFE];
	[sflag:s23] =	ssyncadd.s32 $0xFFFFFFFF  }
0xa6: {  	s26 =	simm.s32 $execute0_lowered;
	[smem:$0x3FD2] =	sst s25  }
0xa7: {  	s6 =	sshll.u32 s26, $0x1;
	_ =	strace $0x80000046;
	[dreg:$0x1] =	wrdreg $0xFFFFFFFF  }
0xa8: {  	s28 =	simm.s32 $_size_execute0_lowered;
	s4 =	sadd.s32 s4, s6;
	[dreg:$0x0] =	wrdreg $0x0  }
0xa9: {  	s6 =	sshll.u32 s28, $0x1;
	[dreg:$0x2] =	wrdreg s4  }
0xaa: {  	[dreg:$0x3] =	wrdreg s6  }
0xab: {  	[dreg:$0x4] =	wrdreg $0xC0  }
0xac: {  	_ =	task [dreg:s8], $0x5FFFF  }
0xad: {  	[dreg:$0x1] =	wrdreg $0xFFFFFFFF  }
0xae: {  	[dreg:$0x0] =	wrdreg $0x60  }
0xaf: {  	[dreg:$0x2] =	wrdreg s2  }
0xb0: {  	[dreg:$0x3] =	wrdreg s18  }
0xb1: {  	[dreg:$0x4] =	wrdreg s24  }
0xb2: {  	[dreg:$0x5] =	wrdreg $0x9  }
0xb3: {  	_ =	task.clear_ibuf [dreg:s8], $0x6FFFF;
	_ =	strace $0x90000046  }
0xb4: {  	s29 =	simm.s32 $0x9;
	_ =	strace $0x80000048  }
0xb5: {  	_ =	swait.ge [sflag:s29], $0x1  }
0xb6: {  	[sflag:s29] =	ssyncadd.s32 $0xFFFFFFFF  }
0xb7: {  	_ =	strace $0x90000048  }
0xb8: {  	_ =	sfence  }
0xb9: {  	s30 =	sld [smem:$0x0];
	_ =	sdelay $0x2  }
0xba: {  	s31 =	sshll.u32 s1, $0xD;
	s1 =	sshrl.u32 s1, $0x2  }
0xbb: {  	s3 =	sand.u32 $0x4000, s31;
	s1 =	sadd.s32 s1, s30  }
0xbc: {  	s0 =	sor.u32 s3, s0;
	s1 =	sshll.u32 s1, $0x11  }
0xbd: {  	s0 =	sor.u32 s1, s0  }
0xbe: {  	s0 =	sadd.s32 $0x8F2B, s0  }
0xbf: {  	[sflag:s0] =	ssyncadd.remote.s32 $0x1  }
0xc0: {  	_ =	sfence.sel $0xFFFF  }
0xc1: {  	[dreg:$0x0] =	wrdreg $0xFFFFFFFF;
	(pc) =	sbr.abs _section_cstart, $3  }
0xc2: {  	[dreg:$0x1] =	wrdreg $0xFFFFFFFF  }
0xc3: {  	_ =	task.clear_ibuf [dreg:s8], $0x2FFFF;
	_ =	strace $0x9FFFFFFF  }
0xc4: {  	(tm) =	ssettm $0x7FFFFFFF  }
0xc5: {  	_ =	shalt  }
tec
execute0_lowered:
.L_overlay_start_1:
0x0: {  	(tag) =	ssettag $0x1  }
0x1: {  	v0 =	vimm.s32 $0x2780;
	vm14 =	vcmask $0x300  }
0x2: {  	vm13 =	vcmask $0x704;
	vm12 =	vcmask $0xB08;
	vm11 =	vcmask $0xF0C  }
0x3: {  	vm10 =	vcmask $0x1310;
	vm9 =	vcmask $0x1714;
	vm8 =	vcmask $0x1B18  }
0x4: {  	vm7 =	vcmask $0x1F1C;
	vm6 =	vcmask $0x2320;
	vm5 =	vcmask $0x2724  }
0x5: {  	vm4 =	vcmask $0x2B28;
	vm3 =	vcmask $0x2F2C;
	v1 =	vimm.s32 $0x2781  }
0x6: {  	vm2 =	vcmask $0x3330;
	vm1 =	vcmask $0x3734;
	v1 =	vsel vm14, $0x1, v1  }
0x7: {  	vm0 =	vcmask $0x3B38;
	v2 =	vimm.s32 $0x2782;
	v1 =	vsel vm13, $0x81, v1  }
0x8: {  	v3 =	vimm.s32 $0x2783;
	v2 =	vsel vm14, $0x2, v2;
	v1 =	vsel vm12, $0x101, v1  }
0x9: {  	v4 =	vimm.s32 $0x2786;
	v2 =	vsel vm13, $0x82, v2;
	v1 =	vsel vm11, $0x181, v1  }
0xa: {  	v16 =	vlaneseq.u32;
	v2 =	vsel vm12, $0x102, v2;
	v1 =	vsel vm10, $0x201, v1  }
0xb: {  	v3 =	vsel vm14, $0x3, v3;
	v2 =	vsel vm11, $0x182, v2;
	v1 =	vsel vm9, $0x281, v1  }
0xc: {  	v3 =	vsel vm13, $0x83, v3;
	v2 =	vsel vm10, $0x202, v2;
	v1 =	vsel vm8, $0x301, v1  }
0xd: {  	v3 =	vsel vm12, $0x103, v3;
	v2 =	vsel vm9, $0x282, v2;
	v1 =	vsel vm7, $0x381, v1  }
0xe: {  	v3 =	vsel vm11, $0x183, v3;
	v2 =	vsel vm8, $0x302, v2;
	v1 =	vsel vm6, $0x2401, v1  }
0xf: {  	v3 =	vsel vm10, $0x203, v3;
	v2 =	vsel vm7, $0x382, v2;
	v1 =	vsel vm5, $0x2481, v1  }
0x10: {  	v3 =	vsel vm9, $0x283, v3;
	v2 =	vsel vm6, $0x2402, v2;
	v1 =	vsel vm4, $0x2501, v1  }
0x11: {  	v3 =	vsel vm8, $0x303, v3;
	v2 =	vsel vm5, $0x2482, v2;
	v1 =	vsel vm3, $0x2581, v1  }
0x12: {  	v3 =	vsel vm7, $0x383, v3;
	v2 =	vsel vm4, $0x2502, v2;
	v1 =	vsel vm2, $0x2601, v1  }
0x13: {  	v3 =	vsel vm6, $0x2403, v3;
	v2 =	vsel vm3, $0x2582, v2;
	v1 =	vsel vm1, $0x2681, v1  }
0x14: {  	v3 =	vsel vm5, $0x2483, v3;
	v2 =	vsel vm2, $0x2602, v2;
	v1 =	vsel vm0, $0x2701, v1  }
0x15: {  	v0 =	vsel vm14, $0x0, v0;
	v3 =	vsel vm4, $0x2503, v3;
	[tilespmem:$0x1FF50] =	vst v1;
	v1 =	vsel vm1, $0x2682, v2  }
0x16: {  	v4 =	vsel vm14, $0x6, v4;
	v3 =	vsel vm3, $0x2583, v3;
	v1 =	vsel vm0, $0x2702, v1  }
0x17: {  	v17 =	vor.u32 $0x10, v16;
	v3 =	vsel vm2, $0x2603, v3;
	[tilespmem:$0x1FF60] =	vst v1;
	v1 =	vimm.s32 $0x2784  }
0x18: {  	v18 =	vor.u32 $0x20, v16;
	v2 =	vsel vm1, $0x2683, v3;
	v1 =	vsel vm14, $0x4, v1  }
0x19: {  	v3 =	vsel vm0, $0x2703, v2;
	v2 =	vimm.s32 $0x2785;
	v1 =	vsel vm13, $0x84, v1  }
0x1a: {  	v19 =	vor.u32 $0x30, v16;
	v2 =	vsel vm14, $0x5, v2;
	v1 =	vsel vm12, $0x104, v1  }
0x1b: {  	v20 =	vor.u32 $0x40, v16;
	v2 =	vsel vm13, $0x85, v2;
	v1 =	vsel vm11, $0x184, v1  }
0x1c: {  	v4 =	vsel vm13, $0x86, v4;
	v2 =	vsel vm12, $0x105, v2;
	v1 =	vsel vm10, $0x204, v1  }
0x1d: {  	v4 =	vsel vm12, $0x106, v4;
	v2 =	vsel vm11, $0x185, v2;
	v1 =	vsel vm9, $0x284, v1  }
0x1e: {  	v4 =	vsel vm11, $0x186, v4;
	v2 =	vsel vm10, $0x205, v2;
	v1 =	vsel vm8, $0x304, v1  }
0x1f: {  	v4 =	vsel vm10, $0x206, v4;
	v2 =	vsel vm9, $0x285, v2;
	v1 =	vsel vm7, $0x384, v1  }
0x20: {  	v4 =	vsel vm9, $0x286, v4;
	v2 =	vsel vm8, $0x305, v2;
	v1 =	vsel vm6, $0x2404, v1  }
0x21: {  	v4 =	vsel vm8, $0x306, v4;
	v2 =	vsel vm7, $0x385, v2;
	v1 =	vsel vm5, $0x2484, v1  }
0x22: {  	v4 =	vsel vm7, $0x386, v4;
	v2 =	vsel vm6, $0x2405, v2;
	v1 =	vsel vm4, $0x2504, v1  }
0x23: {  	v4 =	vsel vm6, $0x2406, v4;
	v2 =	vsel vm5, $0x2485, v2;
	v1 =	vsel vm3, $0x2584, v1  }
0x24: {  	v4 =	vsel vm5, $0x2486, v4;
	v2 =	vsel vm4, $0x2505, v2;
	v1 =	vsel vm2, $0x2604, v1  }
0x25: {  	v4 =	vsel vm4, $0x2506, v4;
	v2 =	vsel vm3, $0x2585, v2;
	v1 =	vsel vm1, $0x2684, v1  }
0x26: {  	v4 =	vsel vm3, $0x2586, v4;
	v2 =	vsel vm2, $0x2605, v2;
	v1 =	vsel vm0, $0x2704, v1  }
0x27: {  	v21 =	vor.u32 $0x50, v16;
	v4 =	vsel vm2, $0x2606, v4;
	[tilespmem:$0x1FF70] =	vst v1;
	v1 =	vsel vm1, $0x2685, v2  }
0x28: {  	v22 =	vor.u32 $0x60, v16;
	v2 =	vsel vm1, $0x2686, v4;
	v1 =	vsel vm0, $0x2705, v1  }
0x29: {  	v23 =	vor.u32 $0x70, v16;
	v24 =	vor.u32 $0x80, v16;
	[tilespmem:$0x1FF80] =	vst v1;
	v1 =	vsel vm0, $0x2706, v2  }
0x2a: {  	v25 =	vor.u32 $0x90, v16;
	v0 =	vsel vm13, $0x80, v0;
	[tilespmem:$0x1FF90] =	vst v1;
	v1 =	vimm.s32 $0x2787  }
0x2b: {  	v26 =	vor.u32 $0xA0, v16;
	v0 =	vsel vm12, $0x100, v0;
	v1 =	vsel vm14, $0x7, v1  }
0x2c: {  	v0 =	vsel vm11, $0x180, v0;
	v2 =	vimm.s32 $0x2788;
	v1 =	vsel vm13, $0x87, v1  }
0x2d: {  	v4 =	vimm.s32 $0x2789;
	v2 =	vsel vm14, $0x8, v2;
	v1 =	vsel vm12, $0x107, v1  }
0x2e: {  	v4 =	vsel vm14, $0x9, v4;
	v2 =	vsel vm13, $0x88, v2;
	v1 =	vsel vm11, $0x187, v1  }
0x2f: {  	v4 =	vsel vm13, $0x89, v4;
	v2 =	vsel vm12, $0x108, v2;
	v1 =	vsel vm10, $0x207, v1  }
0x30: {  	v4 =	vsel vm12, $0x109, v4;
	v2 =	vsel vm11, $0x188, v2;
	v1 =	vsel vm9, $0x287, v1  }
0x31: {  	v4 =	vsel vm11, $0x189, v4;
	v2 =	vsel vm10, $0x208, v2;
	v1 =	vsel vm8, $0x307, v1  }
0x32: {  	v4 =	vsel vm10, $0x209, v4;
	v2 =	vsel vm9, $0x288, v2;
	v1 =	vsel vm7, $0x387, v1  }
0x33: {  	v4 =	vsel vm9, $0x289, v4;
	v2 =	vsel vm8, $0x308, v2;
	v1 =	vsel vm6, $0x2407, v1  }
0x34: {  	v4 =	vsel vm8, $0x309, v4;
	v2 =	vsel vm7, $0x388, v2;
	v1 =	vsel vm5, $0x2487, v1  }
0x35: {  	v4 =	vsel vm7, $0x389, v4;
	v2 =	vsel vm6, $0x2408, v2;
	v1 =	vsel vm4, $0x2507, v1  }
0x36: {  	v4 =	vsel vm6, $0x2409, v4;
	v2 =	vsel vm5, $0x2488, v2;
	v1 =	vsel vm3, $0x2587, v1  }
0x37: {  	v4 =	vsel vm5, $0x2489, v4;
	v2 =	vsel vm4, $0x2508, v2;
	v1 =	vsel vm2, $0x2607, v1  }
0x38: {  	v4 =	vsel vm4, $0x2509, v4;
	v2 =	vsel vm3, $0x2588, v2;
	v1 =	vsel vm1, $0x2687, v1  }
0x39: {  	v4 =	vsel vm3, $0x2589, v4;
	v2 =	vsel vm2, $0x2608, v2;
	v1 =	vsel vm0, $0x2707, v1  }
0x3a: {  	v0 =	vsel vm10, $0x200, v0;
	v4 =	vsel vm2, $0x2609, v4;
	[tilespmem:$0x1FFA0] =	vst v1;
	v1 =	vsel vm1, $0x2688, v2  }
0x3b: {  	v0 =	vsel vm9, $0x280, v0;
	v2 =	vsel vm1, $0x2689, v4;
	v1 =	vsel vm0, $0x2708, v1  }
0x3c: {  	v27 =	vor.u32 $0xB0, v16;
	v0 =	vsel vm8, $0x300, v0;
	[tilespmem:$0x1FFB0] =	vst v1;
	v1 =	vsel vm0, $0x2709, v2  }
0x3d: {  	v28 =	vor.u32 $0xC0, v16;
	v0 =	vsel vm7, $0x380, v0;
	[tilespmem:$0x1FFC0] =	vst v1;
	v1 =	vimm.s32 $0x278A  }
0x3e: {  	v29 =	vor.u32 $0xD0, v16;
	v0 =	vsel vm6, $0x2400, v0;
	v1 =	vsel vm14, $0xA, v1  }
0x3f: {  	v0 =	vsel vm5, $0x2480, v0;
	v2 =	vimm.s32 $0x278B;
	v1 =	vsel vm13, $0x8A, v1  }
0x40: {  	v4 =	vimm.s32 $0x278C;
	v2 =	vsel vm14, $0xB, v2;
	v1 =	vsel vm12, $0x10A, v1  }
0x41: {  	v4 =	vsel vm14, $0xC, v4;
	v2 =	vsel vm13, $0x8B, v2;
	v1 =	vsel vm11, $0x18A, v1  }
0x42: {  	v4 =	vsel vm13, $0x8C, v4;
	v2 =	vsel vm12, $0x10B, v2;
	v1 =	vsel vm10, $0x20A, v1  }
0x43: {  	v4 =	vsel vm12, $0x10C, v4;
	v2 =	vsel vm11, $0x18B, v2;
	v1 =	vsel vm9, $0x28A, v1  }
0x44: {  	v4 =	vsel vm11, $0x18C, v4;
	v2 =	vsel vm10, $0x20B, v2;
	v1 =	vsel vm8, $0x30A, v1  }
0x45: {  	v4 =	vsel vm10, $0x20C, v4;
	v2 =	vsel vm9, $0x28B, v2;
	v1 =	vsel vm7, $0x38A, v1  }
0x46: {  	v4 =	vsel vm9, $0x28C, v4;
	v2 =	vsel vm8, $0x30B, v2;
	v1 =	vsel vm6, $0x240A, v1  }
0x47: {  	v4 =	vsel vm8, $0x30C, v4;
	v2 =	vsel vm7, $0x38B, v2;
	v1 =	vsel vm5, $0x248A, v1  }
0x48: {  	v4 =	vsel vm7, $0x38C, v4;
	v2 =	vsel vm6, $0x240B, v2;
	v1 =	vsel vm4, $0x250A, v1  }
0x49: {  	v4 =	vsel vm6, $0x240C, v4;
	v2 =	vsel vm5, $0x248B, v2;
	v1 =	vsel vm3, $0x258A, v1  }
0x4a: {  	v4 =	vsel vm5, $0x248C, v4;
	v2 =	vsel vm4, $0x250B, v2;
	v1 =	vsel vm2, $0x260A, v1  }
0x4b: {  	v4 =	vsel vm4, $0x250C, v4;
	v2 =	vsel vm3, $0x258B, v2;
	v1 =	vsel vm1, $0x268A, v1  }
0x4c: {  	v4 =	vsel vm3, $0x258C, v4;
	v2 =	vsel vm2, $0x260B, v2;
	v1 =	vsel vm0, $0x270A, v1  }
0x4d: {  	v0 =	vsel vm4, $0x2500, v0;
	v4 =	vsel vm2, $0x260C, v4;
	[tilespmem:$0x1FFD0] =	vst v1;
	v1 =	vsel vm1, $0x268B, v2  }
0x4e: {  	v0 =	vsel vm3, $0x2580, v0;
	v2 =	vsel vm1, $0x268C, v4;
	v1 =	vsel vm0, $0x270B, v1  }
0x4f: {  	v30 =	vor.u32 $0xE0, v16;
	v0 =	vsel vm2, $0x2600, v0;
	[tilespmem:$0x1FFE0] =	vst v1;
	v1 =	vsel vm0, $0x270C, v2  }
0x50: {  	v31 =	vor.u32 $0xF0, v16;
	v0 =	vsel vm1, $0x2680, v0;
	[tilespmem:$0x1FFF0] =	vst v1;
	v1 =	vimm.s32 $0x278D  }
0x51: {  	v4 =	vimm.s32 $0x278F;
	v2 =	vimm.s32 $0x278E;
	v1 =	vsel vm14, $0xD, v1  }
0x52: {  	s0 =	rddreg [dreg:$0x0];
	v4 =	vsel vm14, $0xF, v4;
	v2 =	vsel vm14, $0xE, v2;
	v1 =	vsel vm13, $0x8D, v1  }
0x53: {  	s2 =	rddreg [dreg:$0x2];
	v4 =	vsel vm13, $0x8F, v4;
	v2 =	vsel vm13, $0x8E, v2;
	v1 =	vsel vm12, $0x10D, v1  }
0x54: {  	s4 =	srdreg.scid;
	s3 =	simm.s32 $0x0;
	s1 =	stileid.u32;
	v4 =	vsel vm12, $0x10F, v4;
	v2 =	vsel vm12, $0x10E, v2;
	v1 =	vsel vm11, $0x18D, v1  }
0x55: {  	s15 =	simm.s32 $0x3;
	s16 =	simm.s32 $0x4;
	s17 =	simm.s32 $0x2400;
	v4 =	vsel vm11, $0x18F, v4;
	v2 =	vsel vm11, $0x18E, v2;
	v1 =	vsel vm10, $0x20D, v1  }
0x56: {  	s18 =	simm.s32 $0x2;
	s19 =	simm.s32 $0x4800;
	s20 =	simm.s32 $0xD000;
	v4 =	vsel vm10, $0x20F, v4;
	v2 =	vsel vm10, $0x20E, v2;
	v1 =	vsel vm9, $0x28D, v1  }
0x57: {  	s21 =	simm.s32 $0x5;
	s22 =	simm.s32 $0x9000;
	s23 =	simm.s32 $0x1;
	v4 =	vsel vm9, $0x28F, v4;
	v2 =	vsel vm9, $0x28E, v2;
	v1 =	vsel vm8, $0x30D, v1  }
0x58: {  	s24 =	simm.s32 $0x0;
	s4 =	sand.u32 $0x1, s4;
	[smem:$0x7FF] =	sst s3;
	v4 =	vsel vm8, $0x30F, v4;
	v2 =	vsel vm8, $0x30E, v2;
	v1 =	vsel vm7, $0x38D, v1  }
0x59: {  	s5 =	sadd.s32 $0xA00, s2;
	s31 =	sshll.u32 s1, $0x1;
	s10 =	sadd.s32 $0x1E8E00, s2;
	v4 =	vsel vm7, $0x38F, v4;
	v2 =	vsel vm7, $0x38E, v2;
	v1 =	vsel vm6, $0x240D, v1  }
0x5a: {  	p0 =	sgt.u32 s1, $0x7;
	s11 =	sadd.s32 $0xF4000, s0;
	s12 =	sadd.s32 $0x1E8A00, s2;
	v4 =	vsel vm6, $0x240F, v4;
	v2 =	vsel vm6, $0x240E, v2;
	v1 =	vsel vm5, $0x248D, v1  }
0x5b: {  	s6 =	ssub.s32 $0x2, s4;
	s4 =	sor.u32 s4, s31;
	s15 =	simm.s32 @!p0 $0x4;
	v4 =	vsel vm5, $0x248F, v4;
	v2 =	vsel vm5, $0x248E, v2;
	v1 =	vsel vm4, $0x250D, v1  }
.Ltmp0:
0x5c: {  	s16 =	simm.s32 @!p0 $0x3;
	s7 =	sshrl.u32 s6, $0x1;
	v4 =	vsel vm4, $0x250F, v4;
	v2 =	vsel vm4, $0x250E, v2;
	v1 =	vsel vm3, $0x258D, v1;
	(pc) =	sbr.rel .LBB2_1-.Ltmp0, $4  }
0x5d: {  	s8 =	sshll.u32 s4, $0xA;
	s9 =	sshll.u32 s4, $0xE;
	p1 =	sne.s32 s4, $0x1F;
	v4 =	vsel vm3, $0x258F, v4;
	v2 =	vsel vm3, $0x258E, v2;
	v1 =	vsel vm2, $0x260D, v1  }
0x5e: {  	s13 =	ssub.s32 s6, s7;
	s6 =	simm.s32 $0x1E;
	s8 =	sadd.s32 s0, s8;
	v4 =	vsel vm2, $0x260F, v4;
	v2 =	vsel vm2, $0x260E, v2;
	v1 =	vsel vm1, $0x268D, v1  }
0x5f: {  	s7 =	sshll.u32 s4, $0xD;
	s6 =	simm.s32 @!p0 $0x1F;
	s14 =	sadd.s32 $0xF4280, s8;
	v13 =	vsel vm0, $0x270D, v1;
	v1 =	vsel vm1, $0x268E, v2;
	v2 =	vsel vm1, $0x268F, v4  }
0x60: {  	s13 =	smax.u32 s13, $0x1;
	p0 =	seq.s32 s4, $0x1E;
	v0 =	vsel vm0, $0x2700, v0;
	_ =	strace $0x80000047;
	v14 =	vsel vm0, $0x270E, v1;
	v15 =	vsel vm0, $0x270F, v2  }
.LBB2_21:
0x61: {  	s1 =	rddreg [dreg:$0x1]  }
0x62: {  	[tilespmem:s20], [sflag:$0x5] =	stream.linear.gather [hbm4b:s1+s3], $0x400, $0x38;
	[tilespmem:$0x11000] =	vst v63  }
0x63: {  	_ =	swait.ge [sflag:s21], $0x400  }
0x64: {  	[sflag:s21] =	ssyncset.done $0x0  }
0x65: {  	[sflag:s21] =	ssyncadd.s32 $0xFFFFFC00  }
0x66: {  	[hbm4b:s10+s3] =	stream.linear.scatter [tilespmem:s20], [sflag:$0x5], $0x400, $0x38;
	[tilespmem:$0x11000] =	vst v63  }
0x67: {  	_ =	swait.ge [sflag:s21], $0x400  }
0x68: {  	[sflag:s21] =	ssyncset.done $0x0  }
0x69: {  	[sflag:s21] =	ssyncadd.s32 $0xFFFFFC00  }
.LBB2_22:
0x6a: {  	s24 =	sadd.s32 $0x1, s24  }
0x6b: {  	p2 =	sne.s32 s24, s13  }
.Ltmp1:
0x6c: {  	_ = 	snop;
	(pc) =	sbr.rel @!p2 .LBB2_23-.Ltmp1, $1  }
0x6d: {  	_ =	sdelay $0x3  }
.LBB2_1:
.Ltmp2:
0x6e: {  	(pc) =	sbr.rel .LBB2_2-.Ltmp2, $4  }
0x6f: {  	_ = 	snop  }
0x70: {  	[tilespmem:s3], [sflag:$0x1] =	stream.linear.gather [hbm4b:s8+s3], $0x2000, $0x38;
	[tilespmem:$0x11000] =	vst v63  }
0x71: {  	s26 =	simm.s32 $0x0  }
0x72: {  	[tilespmem:s17], [sflag:$0x1] =	stream.linear.gather [hbm4b:s14+s3], $0x2000, $0x38;
	[tilespmem:$0x11000] =	vst v63  }
.LBB2_13:
0x73: {  	p2 =	sne.s32 s25, s6  }
.Ltmp3:
0x74: {  	_ = 	snop;
	(pc) =	sbr.rel @!p2 .LBB2_14-.Ltmp3, $2  }
0x75: {  	_ =	sdelay $0x2  }
0x76: {  	s26 =	smov.u32 s25  }
.LBB2_2:
0x77: {  	s2 =	sand.u32 $0x1, s26  }
0x78: {  	p2 =	seq.s32 s2, $0x1  }
.Ltmp4:
0x79: {  	_ = 	snop;
	(pc) =	sbr.rel @!p2 .LBB2_3-.Ltmp4, $1  }
0x7a: {  	_ =	sdelay $0x3  }
0x7b: {  	s25 =	sadd.s32 $0x1, s26  }
0x7c: {  	p2 =	sge.u32 s25, s6  }
0x7d: {  	s1 =	sshll.u32 @!p2 s25, $0x12  }
0x7e: {  	s1 =	sor.u32 @!p2 s7, s1  }
0x7f: {  	s1 =	sshrl.u32 @!p2 s1, $0x3  }
0x80: {  	s2 =	simm.s32 @!p2 $0x0;
	s1 =	sadd.s32 @!p2 s0, s1  }
0x81: {  	[tilespmem:s2], [sflag:$0x1] =	stream.linear.gather @!p2 [hbm4b:s1+s2], $0x2000, $0x38;
	[tilespmem:$0x11000] =	vst v63  }
0x82: {  	s4 =	simm.s32 @!p2 $0x2400;
	s1 =	sadd.s32 @!p2 $0xF4280, s1  }
0x83: {  	[tilespmem:s4], [sflag:$0x1] =	stream.linear.gather @!p2 [hbm4b:s1+s2], $0x2000, $0x38;
	[tilespmem:$0x11000] =	vst v63  }
0x84: {  	p2 =	slt.u32 s26, $0x2  }
0x85: {  	s1 =	simm.s32 @!p2 $0x4  }
0x86: {  	_ =	swait.ge @!p2 [sflag:s1], $0x4000  }
0x87: {  	[sflag:s1] =	ssyncset.done @!p2 $0x0  }
0x88: {  	[sflag:s1] =	ssyncadd.s32 @!p2 $0xFFFFC000  }
0x89: {  	_ =	swait.ge [sflag:s18], $0x4000  }
0x8a: {  	s28 =	simm.s32 $0x0;
	[sflag:s18] =	ssyncset.done $0x0  }
0x8b: {  	s29 =	simm.s32 $0x0;
	s30 =	simm.s32 $0x0;
	[sflag:s18] =	ssyncadd.s32 $0xFFFFC000  }
.LBB2_9:
0x8c: {  	s1 =	sshll.u32 s30, $0x7  }
0x8d: {  	v1 =	vmov s1  }
0x8e: {  	v4 =	vld [tilespmem:$0x1FF50];
	v1 =	vshll.u32 v1, $0x3  }
0x8f: {  	v1 =	vbroadcast v1, $0x0  }
0x90: {  	v5 =	vld [tilespmem:$0x1FF60]  }
0x91: {  	v2 =	vadd.s32 v0, v1;
	_ =	sdelay $0x1  }
0x92: {  	v4 =	vadd.s32 v4, v1;
	_ =	sdelay $0x1  }
0x93: {  	v7 =	vld [tilespmem:$0x1FF70];
	v5 =	vadd.s32 v5, v1  }
0x94: {  	v8 =	vld.idx.msk [tilespmem:v2+s19+$0x0], $0xffff  }
0x95: {  	v2 =	vld [tilespmem:$0x1FF80]  }
0x96: {  	v6 =	vadd.s32 v3, v1;
	v33 =	vld.idx.msk [tilespmem:v4+s19+$0x0], $0xffff  }
0x97: {  	v4 =	vld [tilespmem:$0x1FF90]  }
0x98: {  	v7 =	vadd.s32 v7, v1;
	v34 =	vld.idx.msk [tilespmem:v5+s19+$0x0], $0xffff  }
0x99: {  	v5 =	vld [tilespmem:$0x1FFA0]  }
0x9a: {  	v2 =	vadd.s32 v2, v1  }
0x9b: {  	v35 =	vld.idx.msk [tilespmem:v6+s19+$0x0], $0xffff  }
0x9c: {  	v6 =	vld [tilespmem:$0x1FFB0];
	v4 =	vadd.s32 v4, v1  }
0x9d: {  	v36 =	vld.idx.msk [tilespmem:v7+s19+$0x0], $0xffff  }
0x9e: {  	v7 =	vld [tilespmem:$0x1FFC0];
	v5 =	vadd.s32 v5, v1  }
0x9f: {  	v37 =	vld.idx.msk [tilespmem:v2+s19+$0x0], $0xffff  }
0xa0: {  	v2 =	vld [tilespmem:$0x1FFD0]  }
0xa1: {  	v38 =	vld.idx.msk [tilespmem:v4+s19+$0x0], $0xffff  }
0xa2: {  	v4 =	vld [tilespmem:$0x1FFE0]  }
0xa3: {  	v6 =	vadd.s32 v6, v1;
	v39 =	vld.idx.msk [tilespmem:v5+s19+$0x0], $0xffff  }
0xa4: {  	v5 =	vld [tilespmem:$0x1FFF0]  }
0xa5: {  	v7 =	vadd.s32 v7, v1  }
0xa6: {  	v2 =	vadd.s32 v2, v1  }
0xa7: {  	s4 =	sadd.s32 $0x10, s29;
	v4 =	vadd.s32 v4, v1  }
0xa8: {  	v9 =	vmov s4;
	v40 =	vld.idx.msk [tilespmem:v6+s19+$0x0], $0xffff;
	v6 =	vadd.s32 v13, v1  }
0xa9: {  	v10 =	vshll.u32 v9, $0x3;
	v5 =	vadd.s32 v5, v1  }
0xaa: {  	v9 =	vand.u32 $0x70, v9;
	v10 =	vand.u32 $0x1C00, v10;
	v41 =	vld.idx.msk [tilespmem:v7+s19+$0x0], $0xffff;
	v7 =	vadd.s32 v14, v1  }
0xab: {  	v1 =	vadd.s32 v15, v1;
	v42 =	vld.idx.msk [tilespmem:v2+s19+$0x0], $0xffff;
	v2 =	vor.u32 v9, v10  }
0xac: {  	v43 =	vld.idx.msk [tilespmem:v4+s19+$0x0], $0xffff;
	v4 =	vadd.s32 v0, v2  }
0xad: {  	v45 =	vld.idx.msk [tilespmem:v6+s19+$0x0], $0xffff;
	v2 =	vadd.s32 v3, v2  }
0xae: {  	v44 =	vld.idx.msk [tilespmem:v5+s19+$0x0], $0xffff;
	v5 =	vor.u32 $0x1, v4  }
0xaf: {  	v46 =	vld.idx.msk [tilespmem:v7+s19+$0x0], $0xffff;
	v6 =	vor.u32 $0xF, v4  }
0xb0: {  	v47 =	vld.idx.msk [tilespmem:v1+s19+$0x0], $0xffff;
	v1 =	vor.u32 $0x2, v4  }
0xb1: {  	v7 =	vor.u32 $0x6, v4;
	v57 =	vld.idx.msk [tilespmem:v4+s19+$0x0], $0xffff  }
0xb2: {  	v50 =	vor.u32 $0x9, v4;
	v55 =	vld.idx.msk [tilespmem:v2+s19+$0x0], $0xffff  }
0xb3: {  	v52 =	vor.u32 $0xD, v4;
	v59 =	vld.idx.msk [tilespmem:v5+s19+$0x0], $0xffff  }
0xb4: {  	v2 =	vor.u32 $0xC, v4;
	v32 =	vld.idx.msk [tilespmem:v6+s19+$0x0], $0xffff  }
0xb5: {  	v5 =	vor.u32 $0x4, v4;
	v60 =	vld.idx.msk [tilespmem:v1+s19+$0x0], $0xffff  }
0xb6: {  	v1 =	vor.u32 $0x8, v4;
	v53 =	vld.idx.msk [tilespmem:v7+s19+$0x0], $0xffff  }
0xb7: {  	v7 =	vor.u32 $0xE, v4;
	v51 =	vld.idx.msk [tilespmem:v50+s19+$0x0], $0xffff  }
0xb8: {  	v6 =	vor.u32 $0x5, v4;
	v50 =	vld.idx.msk [tilespmem:v52+s19+$0x0], $0xffff  }
0xb9: {  	v10 =	vor.u32 $0xA, v4;
	v48 =	vld.idx.msk [tilespmem:v2+s19+$0x0], $0xffff  }
0xba: {  	v62 =	vld.idx.msk [tilespmem:v5+s19+$0x0], $0xffff;
	v5 =	vor.u32 $0xB, v4  }
0xbb: {  	v2 =	vor.u32 $0x7, v4;
	v56 =	vld.idx.msk [tilespmem:v1+s19+$0x0], $0xffff;
	v1 =	vor.u32 s28, v16  }
0xbc: {  	v49 =	vld.idx.msk [tilespmem:v7+s19+$0x0], $0xffff;
	v7 =	vor.u32 s28, v17  }
0xbd: {  	v61 =	vld.idx.msk [tilespmem:v6+s19+$0x0], $0xffff;
	v6 =	vor.u32 s28, v18  }
0xbe: {  	v58 =	vld.idx.msk [tilespmem:v10+s19+$0x0], $0xffff;
	v4 =	vor.u32 s28, v19  }
0xbf: {  	v54 =	vld.idx.msk [tilespmem:v5+s19+$0x0], $0xffff;
	v5 =	vor.u32 s28, v20  }
0xc0: {  	s2 =	simm.s32 $0x20;
	s31 =	smov.u32 s28;
	s4 =	sadd.s32 $0x100, s28;
	v52 =	vor.u32 s28, v23;
	v63 =	vld.idx.msk [tilespmem:v2+s19+$0x0], $0xffff;
	v2 =	vor.u32 s28, v21;
	[tilespmem:v1+s20+$0x0] =	vst.idx.msk $0xffff, v8;
	v1 =	vor.u32 s28, v22  }
.LBB2_10:
0xc1: {  	v8 =	vor.u32 s4, v23;
	p2 =	sne.s32 s2, $0x70;
	[tilespmem:v7+s20+$0x0] =	vst.idx.msk $0xffff, v33;
	v9 =	vmov v57;
	v33 =	vmov v59;
	s1 =	smov.u32 s2;
	s2 =	sadd.s32 $0x10, s2  }
0xc2: {  	[tilespmem:v6+s20+$0x0] =	vst.idx.msk $0xffff, v34;
	v6 =	vor.u32 s31, v24;
	v34 =	vmov v60  }
0xc3: {  	[tilespmem:v4+s20+$0x0] =	vst.idx.msk $0xffff, v35;
	v4 =	vor.u32 s31, v25;
	v35 =	vmov v55  }
0xc4: {  	[tilespmem:v5+s20+$0x0] =	vst.idx.msk $0xffff, v36;
	v5 =	vor.u32 s31, v26;
	v36 =	vmov v62  }
0xc5: {  	[tilespmem:v2+s20+$0x0] =	vst.idx.msk $0xffff, v37;
	v2 =	vor.u32 s31, v27;
	v37 =	vmov v61  }
0xc6: {  	s1 =	sadd.s32 s1, s29;
	[tilespmem:v1+s20+$0x0] =	vst.idx.msk $0xffff, v38;
	v1 =	vor.u32 s31, v28;
	v38 =	vmov v53  }
0xc7: {  	v10 =	vor.u32 s31, v29;
	v7 =	vmov s1;
	[tilespmem:v52+s20+$0x0] =	vst.idx.msk $0xffff, v39;
	v52 =	vmovc v8;
	v39 =	vmov v63  }
0xc8: {  	v8 =	vshll.u32 v7, $0x3;
	[tilespmem:v6+s20+$0x0] =	vst.idx.msk $0xffff, v40;
	v6 =	vor.u32 s31, v30;
	v40 =	vmov v56  }
0xc9: {  	v7 =	vand.u32 $0x70, v7;
	v8 =	vand.u32 $0x1C00, v8;
	[tilespmem:v4+s20+$0x0] =	vst.idx.msk $0xffff, v41;
	v4 =	vor.u32 s31, v31;
	v41 =	vmovc v51;
	s31 =	smov.u32 s4  }
0xca: {  	v7 =	vor.u32 v7, v8;
	[tilespmem:v5+s20+$0x0] =	vst.idx.msk $0xffff, v42;
	v42 =	vmov v58  }
0xcb: {  	v5 =	vadd.s32 v0, v7;
	v7 =	vadd.s32 v3, v7;
	[tilespmem:v2+s20+$0x0] =	vst.idx.msk $0xffff, v43;
	v43 =	vmov v54  }
0xcc: {  	v2 =	vor.u32 $0x1, v5;
	v8 =	vor.u32 $0x2, v5;
	v11 =	vor.u32 $0xF, v5;
	[tilespmem:v1+s20+$0x0] =	vst.idx.msk $0xffff, v44;
	v44 =	vmovc v48  }
0xcd: {  	v54 =	vor.u32 $0x5, v5;
	v1 =	vor.u32 $0x4, v5;
	v48 =	vor.u32 $0x6, v5;
	[tilespmem:v10+s20+$0x0] =	vst.idx.msk $0xffff, v45;
	v45 =	vmovc v50  }
0xce: {  	v51 =	vor.u32 $0x9, v5;
	v10 =	vor.u32 $0x7, v5;
	v50 =	vor.u32 $0x8, v5;
	[tilespmem:v6+s20+$0x0] =	vst.idx.msk $0xffff, v46;
	v46 =	vmovc v49  }
0xcf: {  	v58 =	vor.u32 $0xA, v5;
	v12 =	vor.u32 $0xB, v5;
	v6 =	vor.u32 $0xC, v5;
	[tilespmem:v4+s20+$0x0] =	vst.idx.msk $0xffff, v47;
	v47 =	vmovc v32  }
0xd0: {  	v4 =	vor.u32 $0xD, v5;
	v57 =	vld.idx.msk [tilespmem:v5+s19+$0x0], $0xffff;
	v5 =	vor.u32 $0xE, v5  }
0xd1: {  	v55 =	vld.idx.msk [tilespmem:v7+s19+$0x0], $0xffff  }
0xd2: {  	v59 =	vld.idx.msk [tilespmem:v2+s19+$0x0], $0xffff  }
0xd3: {  	v32 =	vld.idx.msk [tilespmem:v11+s19+$0x0], $0xffff  }
0xd4: {  	v60 =	vld.idx.msk [tilespmem:v8+s19+$0x0], $0xffff  }
0xd5: {  	v53 =	vld.idx.msk [tilespmem:v48+s19+$0x0], $0xffff  }
0xd6: {  	v51 =	vld.idx.msk [tilespmem:v51+s19+$0x0], $0xffff  }
0xd7: {  	v48 =	vld.idx.msk [tilespmem:v6+s19+$0x0], $0xffff  }
0xd8: {  	v62 =	vld.idx.msk [tilespmem:v1+s19+$0x0], $0xffff  }
0xd9: {  	v61 =	vld.idx.msk [tilespmem:v54+s19+$0x0], $0xffff  }
0xda: {  	v1 =	vor.u32 s4, v16;
	v56 =	vld.idx.msk [tilespmem:v50+s19+$0x0], $0xffff  }
0xdb: {  	v7 =	vor.u32 s4, v17;
	v49 =	vld.idx.msk [tilespmem:v5+s19+$0x0], $0xffff  }
.Ltmp5:
0xdc: {  	v6 =	vor.u32 s4, v18;
	v50 =	vld.idx.msk [tilespmem:v4+s19+$0x0], $0xffff;
	(pc) =	sbr.rel @p2 .LBB2_10-.Ltmp5, $4  }
0xdd: {  	v4 =	vor.u32 s4, v19;
	v63 =	vld.idx.msk [tilespmem:v10+s19+$0x0], $0xffff  }
0xde: {  	v5 =	vor.u32 s4, v20;
	v54 =	vld.idx.msk [tilespmem:v12+s19+$0x0], $0xffff  }
0xdf: {  	v2 =	vor.u32 s4, v21;
	v58 =	vld.idx.msk [tilespmem:v58+s19+$0x0], $0xffff  }
0xe0: {  	s4 =	sadd.s32 $0x100, s4;
	[tilespmem:v1+s20+$0x0] =	vst.idx.msk $0xffff, v9;
	v1 =	vor.u32 s31, v22  }
0xe1: {  	_ =	sdelay $0x3  }
0xe2: {  	[tilespmem:v7+s20+$0x0] =	vst.idx.msk $0xffff, v33  }
0xe3: {  	[tilespmem:v6+s20+$0x0] =	vst.idx.msk $0xffff, v34  }
0xe4: {  	v34 =	vor.u32 s31, v24;
	[tilespmem:v4+s20+$0x0] =	vst.idx.msk $0xffff, v35  }
0xe5: {  	v4 =	vor.u32 s31, v25;
	[tilespmem:v5+s20+$0x0] =	vst.idx.msk $0xffff, v36  }
0xe6: {  	v5 =	vor.u32 s31, v26;
	[tilespmem:v2+s20+$0x0] =	vst.idx.msk $0xffff, v37  }
0xe7: {  	v2 =	vor.u32 s31, v27;
	[tilespmem:v1+s20+$0x0] =	vst.idx.msk $0xffff, v38  }
0xe8: {  	v1 =	vor.u32 s31, v28;
	[tilespmem:v52+s20+$0x0] =	vst.idx.msk $0xffff, v39  }
0xe9: {  	v39 =	vor.u32 s31, v29;
	[tilespmem:v34+s20+$0x0] =	vst.idx.msk $0xffff, v40  }
0xea: {  	s1 =	sshll.u32 s30, $0xB;
	v40 =	vor.u32 s31, v30;
	[tilespmem:v4+s20+$0x0] =	vst.idx.msk $0xffff, v41  }
0xeb: {  	s1 =	sor.u32 $0x700, s1;
	v4 =	vor.u32 s31, v31;
	[tilespmem:v5+s20+$0x0] =	vst.idx.msk $0xffff, v42  }
0xec: {  	[tilespmem:v2+s20+$0x0] =	vst.idx.msk $0xffff, v43;
	v2 =	vor.u32 s1, v16  }
0xed: {  	[tilespmem:v1+s20+$0x0] =	vst.idx.msk $0xffff, v44;
	v1 =	vor.u32 s1, v17  }
0xee: {  	v5 =	vor.u32 s1, v18;
	[tilespmem:v39+s20+$0x0] =	vst.idx.msk $0xffff, v45  }
0xef: {  	v52 =	vor.u32 s1, v19;
	[tilespmem:v40+s20+$0x0] =	vst.idx.msk $0xffff, v46  }
0xf0: {  	[tilespmem:v4+s20+$0x0] =	vst.idx.msk $0xffff, v47;
	v4 =	vor.u32 s1, v20  }
0xf1: {  	[tilespmem:v2+s20+$0x0] =	vst.idx.msk $0xffff, v57;
	v2 =	vor.u32 s1, v21  }
0xf2: {  	[tilespmem:v1+s20+$0x0] =	vst.idx.msk $0xffff, v59;
	v1 =	vor.u32 s1, v22  }
0xf3: {  	[tilespmem:v5+s20+$0x0] =	vst.idx.msk $0xffff, v60;
	v5 =	vor.u32 s1, v23  }
0xf4: {  	v60 =	vor.u32 s1, v24;
	[tilespmem:v52+s20+$0x0] =	vst.idx.msk $0xffff, v55  }
0xf5: {  	[tilespmem:v4+s20+$0x0] =	vst.idx.msk $0xffff, v62;
	v4 =	vor.u32 s1, v25  }
0xf6: {  	[tilespmem:v2+s20+$0x0] =	vst.idx.msk $0xffff, v61;
	v2 =	vor.u32 s1, v26  }
0xf7: {  	[tilespmem:v1+s20+$0x0] =	vst.idx.msk $0xffff, v53;
	v1 =	vor.u32 s1, v27  }
0xf8: {  	[tilespmem:v5+s20+$0x0] =	vst.idx.msk $0xffff, v63;
	v5 =	vor.u32 s1, v28  }
0xf9: {  	v63 =	vor.u32 s1, v29;
	[tilespmem:v60+s20+$0x0] =	vst.idx.msk $0xffff, v56  }
0xfa: {  	s30 =	sadd.s32 $0x1, s30;
	[tilespmem:v4+s20+$0x0] =	vst.idx.msk $0xffff, v51;
	v4 =	vor.u32 s1, v30  }
0xfb: {  	p2 =	sne.s32 s30, $0x8;
	[tilespmem:v2+s20+$0x0] =	vst.idx.msk $0xffff, v58;
	v2 =	vor.u32 s1, v31  }
.Ltmp6:
0xfc: {  	[tilespmem:v1+s20+$0x0] =	vst.idx.msk $0xffff, v54;
	(pc) =	sbr.rel @p2 .LBB2_9-.Ltmp6, $4  }
0xfd: {  	[tilespmem:v5+s20+$0x0] =	vst.idx.msk $0xffff, v48  }
0xfe: {  	[tilespmem:v63+s20+$0x0] =	vst.idx.msk $0xffff, v50  }
0xff: {  	[tilespmem:v4+s20+$0x0] =	vst.idx.msk $0xffff, v49  }
0x100: {  	s28 =	sadd.s32 $0x800, s28;
	s29 =	sadd.s32 $0x80, s29;
	[tilespmem:v2+s20+$0x0] =	vst.idx.msk $0xffff, v32  }
.Ltmp7:
0x101: {  	s1 =	sshll.u32 s26, $0x13;
	(pc) =	sbr.rel .LBB2_13-.Ltmp7, $4  }
0x102: {  	s1 =	sor.u32 s9, s1  }
0x103: {  	s1 =	sshrl.u32 s1, $0x3  }
0x104: {  	s1 =	sadd.s32 s5, s1  }
0x105: {  	[hbm4b:s1+s3] =	stream.linear.scatter [tilespmem:s20], [sflag:$0x4], $0x4000, $0x38;
	[tilespmem:$0x11000] =	vst v63  }
.LBB2_3:
0x106: {  	s25 =	sor.u32 $0x1, s26  }
0x107: {  	p2 =	sge.u32 s25, s6  }
0x108: {  	s2 =	sshll.u32 @!p2 s25, $0x12  }
0x109: {  	s2 =	sor.u32 @!p2 s7, s2  }
0x10a: {  	s2 =	sshrl.u32 @!p2 s2, $0x3  }
0x10b: {  	s4 =	simm.s32 @!p2 $0x0;
	s28 =	simm.s32 @!p2 $0x4800;
	s2 =	sadd.s32 @!p2 s0, s2  }
0x10c: {  	[tilespmem:s28], [sflag:$0x2] =	stream.linear.gather @!p2 [hbm4b:s2+s4], $0x2000, $0x38;
	[tilespmem:$0x11000] =	vst v63  }
0x10d: {  	s2 =	sadd.s32 @!p2 $0xF4280, s2;
	s28 =	simm.s32 @!p2 $0x6C00  }
0x10e: {  	[tilespmem:s28], [sflag:$0x2] =	stream.linear.gather @!p2 [hbm4b:s2+s4], $0x2000, $0x38;
	[tilespmem:$0x11000] =	vst v63  }
0x10f: {  	p2 =	slt.u32 s26, $0x2  }
0x110: {  	s2 =	simm.s32 @!p2 $0x3  }
0x111: {  	_ =	swait.ge @!p2 [sflag:s2], $0x4000  }
0x112: {  	[sflag:s2] =	ssyncset.done @!p2 $0x0  }
0x113: {  	[sflag:s2] =	ssyncadd.s32 @!p2 $0xFFFFC000  }
0x114: {  	_ =	swait.ge [sflag:s23], $0x4000  }
0x115: {  	s29 =	simm.s32 $0x0;
	[sflag:s23] =	ssyncset.done $0x0  }
0x116: {  	s30 =	simm.s32 $0x0;
	s28 =	simm.s32 $0x0;
	[sflag:s23] =	ssyncadd.s32 $0xFFFFC000  }
.LBB2_4:
0x117: {  	s2 =	sshll.u32 s30, $0x7  }
0x118: {  	v1 =	vmov s2  }
0x119: {  	v4 =	vld [tilespmem:$0x1FF50];
	v1 =	vshll.u32 v1, $0x3  }
0x11a: {  	v1 =	vbroadcast v1, $0x0  }
0x11b: {  	v5 =	vld [tilespmem:$0x1FF60]  }
0x11c: {  	v2 =	vadd.s32 v0, v1;
	_ =	sdelay $0x1  }
0x11d: {  	v4 =	vadd.s32 v4, v1;
	_ =	sdelay $0x1  }
0x11e: {  	v7 =	vld [tilespmem:$0x1FF70];
	v5 =	vadd.s32 v5, v1  }
0x11f: {  	v8 =	vld.idx.msk [tilespmem:v2+s3+$0x0], $0xffff  }
0x120: {  	v2 =	vld [tilespmem:$0x1FF80]  }
0x121: {  	v6 =	vadd.s32 v3, v1;
	v33 =	vld.idx.msk [tilespmem:v4+s3+$0x0], $0xffff  }
0x122: {  	v4 =	vld [tilespmem:$0x1FF90]  }
0x123: {  	v7 =	vadd.s32 v7, v1;
	v34 =	vld.idx.msk [tilespmem:v5+s3+$0x0], $0xffff  }
0x124: {  	v5 =	vld [tilespmem:$0x1FFA0]  }
0x125: {  	v2 =	vadd.s32 v2, v1  }
0x126: {  	v35 =	vld.idx.msk [tilespmem:v6+s3+$0x0], $0xffff  }
0x127: {  	v6 =	vld [tilespmem:$0x1FFB0];
	v4 =	vadd.s32 v4, v1  }
0x128: {  	v36 =	vld.idx.msk [tilespmem:v7+s3+$0x0], $0xffff  }
0x129: {  	v7 =	vld [tilespmem:$0x1FFC0];
	v5 =	vadd.s32 v5, v1  }
0x12a: {  	v37 =	vld.idx.msk [tilespmem:v2+s3+$0x0], $0xffff  }
0x12b: {  	v2 =	vld [tilespmem:$0x1FFD0]  }
0x12c: {  	v38 =	vld.idx.msk [tilespmem:v4+s3+$0x0], $0xffff  }
0x12d: {  	v4 =	vld [tilespmem:$0x1FFE0]  }
0x12e: {  	v6 =	vadd.s32 v6, v1;
	v39 =	vld.idx.msk [tilespmem:v5+s3+$0x0], $0xffff  }
0x12f: {  	v5 =	vld [tilespmem:$0x1FFF0]  }
0x130: {  	v7 =	vadd.s32 v7, v1  }
0x131: {  	v2 =	vadd.s32 v2, v1  }
0x132: {  	s4 =	sadd.s32 $0x10, s29;
	v4 =	vadd.s32 v4, v1  }
0x133: {  	v32 =	vmov s4;
	v40 =	vld.idx.msk [tilespmem:v6+s3+$0x0], $0xffff;
	v6 =	vadd.s32 v13, v1  }
0x134: {  	v42 =	vshll.u32 v32, $0x3;
	v5 =	vadd.s32 v5, v1  }
0x135: {  	v32 =	vand.u32 $0x70, v32;
	v43 =	vand.u32 $0x1C00, v42;
	v41 =	vld.idx.msk [tilespmem:v7+s3+$0x0], $0xffff;
	v7 =	vadd.s32 v14, v1  }
0x136: {  	v1 =	vadd.s32 v15, v1;
	v42 =	vld.idx.msk [tilespmem:v2+s3+$0x0], $0xffff;
	v2 =	vor.u32 v32, v43  }
0x137: {  	v43 =	vld.idx.msk [tilespmem:v4+s3+$0x0], $0xffff;
	v4 =	vadd.s32 v0, v2  }
0x138: {  	v45 =	vld.idx.msk [tilespmem:v6+s3+$0x0], $0xffff;
	v2 =	vadd.s32 v3, v2  }
0x139: {  	v44 =	vld.idx.msk [tilespmem:v5+s3+$0x0], $0xffff;
	v5 =	vor.u32 $0x1, v4  }
0x13a: {  	v46 =	vld.idx.msk [tilespmem:v7+s3+$0x0], $0xffff;
	v6 =	vor.u32 $0xF, v4  }
0x13b: {  	v47 =	vld.idx.msk [tilespmem:v1+s3+$0x0], $0xffff;
	v1 =	vor.u32 $0x2, v4  }
0x13c: {  	v7 =	vor.u32 $0x6, v4;
	v57 =	vld.idx.msk [tilespmem:v4+s3+$0x0], $0xffff  }
0x13d: {  	v48 =	vor.u32 $0x9, v4;
	v55 =	vld.idx.msk [tilespmem:v2+s3+$0x0], $0xffff  }
0x13e: {  	v50 =	vor.u32 $0xD, v4;
	v59 =	vld.idx.msk [tilespmem:v5+s3+$0x0], $0xffff  }
0x13f: {  	v2 =	vor.u32 $0xC, v4;
	v32 =	vld.idx.msk [tilespmem:v6+s3+$0x0], $0xffff  }
0x140: {  	v5 =	vor.u32 $0x4, v4;
	v60 =	vld.idx.msk [tilespmem:v1+s3+$0x0], $0xffff  }
0x141: {  	v1 =	vor.u32 $0x8, v4;
	v53 =	vld.idx.msk [tilespmem:v7+s3+$0x0], $0xffff  }
0x142: {  	v7 =	vor.u32 $0xE, v4;
	v51 =	vld.idx.msk [tilespmem:v48+s3+$0x0], $0xffff  }
0x143: {  	v6 =	vor.u32 $0x5, v4;
	v50 =	vld.idx.msk [tilespmem:v50+s3+$0x0], $0xffff  }
0x144: {  	v58 =	vor.u32 $0xA, v4;
	v48 =	vld.idx.msk [tilespmem:v2+s3+$0x0], $0xffff  }
0x145: {  	v62 =	vld.idx.msk [tilespmem:v5+s3+$0x0], $0xffff;
	v5 =	vor.u32 $0xB, v4  }
0x146: {  	v2 =	vor.u32 $0x7, v4;
	v56 =	vld.idx.msk [tilespmem:v1+s3+$0x0], $0xffff;
	v1 =	vor.u32 s28, v16  }
0x147: {  	v49 =	vld.idx.msk [tilespmem:v7+s3+$0x0], $0xffff;
	v7 =	vor.u32 s28, v17  }
0x148: {  	v61 =	vld.idx.msk [tilespmem:v6+s3+$0x0], $0xffff;
	v6 =	vor.u32 s28, v18  }
0x149: {  	v58 =	vld.idx.msk [tilespmem:v58+s3+$0x0], $0xffff;
	v4 =	vor.u32 s28, v19  }
0x14a: {  	v54 =	vld.idx.msk [tilespmem:v5+s3+$0x0], $0xffff;
	v5 =	vor.u32 s28, v20  }
0x14b: {  	v52 =	vor.u32 s28, v23;
	s31 =	smov.u32 s28;
	s2 =	simm.s32 $0x20;
	s4 =	sadd.s32 $0x100, s28;
	v63 =	vld.idx.msk [tilespmem:v2+s3+$0x0], $0xffff;
	v2 =	vor.u32 s28, v21;
	[tilespmem:v1+s22+$0x0] =	vst.idx.msk $0xffff, v8;
	v1 =	vor.u32 s28, v22  }
.LBB2_5:
0x14c: {  	v8 =	vor.u32 s4, v23;
	p2 =	sne.s32 s2, $0x70;
	[tilespmem:v7+s22+$0x0] =	vst.idx.msk $0xffff, v33;
	v9 =	vmov v57;
	v33 =	vmov v59;
	s1 =	smov.u32 s2;
	s2 =	sadd.s32 $0x10, s2  }
0x14d: {  	[tilespmem:v6+s22+$0x0] =	vst.idx.msk $0xffff, v34;
	v6 =	vor.u32 s31, v24;
	v34 =	vmov v60  }
0x14e: {  	[tilespmem:v4+s22+$0x0] =	vst.idx.msk $0xffff, v35;
	v4 =	vor.u32 s31, v25;
	v35 =	vmov v55  }
0x14f: {  	[tilespmem:v5+s22+$0x0] =	vst.idx.msk $0xffff, v36;
	v5 =	vor.u32 s31, v26;
	v36 =	vmov v62  }
0x150: {  	[tilespmem:v2+s22+$0x0] =	vst.idx.msk $0xffff, v37;
	v2 =	vor.u32 s31, v27;
	v37 =	vmov v61  }
0x151: {  	s1 =	sadd.s32 s1, s29;
	[tilespmem:v1+s22+$0x0] =	vst.idx.msk $0xffff, v38;
	v1 =	vor.u32 s31, v28;
	v38 =	vmov v53  }
0x152: {  	v7 =	vmov s1;
	v53 =	vor.u32 s31, v29;
	[tilespmem:v52+s22+$0x0] =	vst.idx.msk $0xffff, v39;
	v52 =	vmovc v8;
	v39 =	vmov v63  }
0x153: {  	v8 =	vshll.u32 v7, $0x3;
	[tilespmem:v6+s22+$0x0] =	vst.idx.msk $0xffff, v40;
	v6 =	vor.u32 s31, v30;
	v40 =	vmov v56  }
0x154: {  	v7 =	vand.u32 $0x70, v7;
	v8 =	vand.u32 $0x1C00, v8;
	[tilespmem:v4+s22+$0x0] =	vst.idx.msk $0xffff, v41;
	v4 =	vor.u32 s31, v31;
	v41 =	vmovc v51;
	s31 =	smov.u32 s4  }
0x155: {  	v7 =	vor.u32 v7, v8;
	[tilespmem:v5+s22+$0x0] =	vst.idx.msk $0xffff, v42;
	v42 =	vmov v58  }
0x156: {  	v5 =	vadd.s32 v0, v7;
	v7 =	vadd.s32 v3, v7;
	[tilespmem:v2+s22+$0x0] =	vst.idx.msk $0xffff, v43;
	v43 =	vmov v54  }
0x157: {  	v2 =	vor.u32 $0x1, v5;
	v8 =	vor.u32 $0x2, v5;
	v51 =	vor.u32 $0xF, v5;
	[tilespmem:v1+s22+$0x0] =	vst.idx.msk $0xffff, v44;
	v44 =	vmovc v48  }
0x158: {  	v54 =	vor.u32 $0x5, v5;
	v1 =	vor.u32 $0x4, v5;
	v48 =	vor.u32 $0x6, v5;
	[tilespmem:v53+s22+$0x0] =	vst.idx.msk $0xffff, v45;
	v45 =	vmovc v50  }
0x159: {  	v58 =	vor.u32 $0x7, v5;
	v56 =	vor.u32 $0x9, v5;
	v50 =	vor.u32 $0x8, v5;
	[tilespmem:v6+s22+$0x0] =	vst.idx.msk $0xffff, v46;
	v46 =	vmovc v49  }
0x15a: {  	v10 =	vor.u32 $0xA, v5;
	v11 =	vor.u32 $0xB, v5;
	v6 =	vor.u32 $0xC, v5;
	[tilespmem:v4+s22+$0x0] =	vst.idx.msk $0xffff, v47;
	v47 =	vmovc v32  }
0x15b: {  	v4 =	vor.u32 $0xD, v5;
	v57 =	vld.idx.msk [tilespmem:v5+s3+$0x0], $0xffff;
	v5 =	vor.u32 $0xE, v5  }
0x15c: {  	v55 =	vld.idx.msk [tilespmem:v7+s3+$0x0], $0xffff  }
0x15d: {  	v59 =	vld.idx.msk [tilespmem:v2+s3+$0x0], $0xffff  }
0x15e: {  	v32 =	vld.idx.msk [tilespmem:v51+s3+$0x0], $0xffff  }
0x15f: {  	v60 =	vld.idx.msk [tilespmem:v8+s3+$0x0], $0xffff  }
0x160: {  	v53 =	vld.idx.msk [tilespmem:v48+s3+$0x0], $0xffff  }
0x161: {  	v51 =	vld.idx.msk [tilespmem:v56+s3+$0x0], $0xffff  }
0x162: {  	v48 =	vld.idx.msk [tilespmem:v6+s3+$0x0], $0xffff  }
0x163: {  	v62 =	vld.idx.msk [tilespmem:v1+s3+$0x0], $0xffff  }
0x164: {  	v61 =	vld.idx.msk [tilespmem:v54+s3+$0x0], $0xffff  }
0x165: {  	v1 =	vor.u32 s4, v16;
	v56 =	vld.idx.msk [tilespmem:v50+s3+$0x0], $0xffff  }
0x166: {  	v7 =	vor.u32 s4, v17;
	v49 =	vld.idx.msk [tilespmem:v5+s3+$0x0], $0xffff  }
.Ltmp8:
0x167: {  	v6 =	vor.u32 s4, v18;
	v50 =	vld.idx.msk [tilespmem:v4+s3+$0x0], $0xffff;
	(pc) =	sbr.rel @p2 .LBB2_5-.Ltmp8, $4  }
0x168: {  	v4 =	vor.u32 s4, v19;
	v63 =	vld.idx.msk [tilespmem:v58+s3+$0x0], $0xffff  }
0x169: {  	v5 =	vor.u32 s4, v20;
	v54 =	vld.idx.msk [tilespmem:v11+s3+$0x0], $0xffff  }
0x16a: {  	v2 =	vor.u32 s4, v21;
	v58 =	vld.idx.msk [tilespmem:v10+s3+$0x0], $0xffff  }
0x16b: {  	s4 =	sadd.s32 $0x100, s4;
	[tilespmem:v1+s22+$0x0] =	vst.idx.msk $0xffff, v9;
	v1 =	vor.u32 s31, v22  }
0x16c: {  	_ =	sdelay $0x3  }
0x16d: {  	[tilespmem:v7+s22+$0x0] =	vst.idx.msk $0xffff, v33  }
0x16e: {  	[tilespmem:v6+s22+$0x0] =	vst.idx.msk $0xffff, v34  }
0x16f: {  	v34 =	vor.u32 s31, v24;
	[tilespmem:v4+s22+$0x0] =	vst.idx.msk $0xffff, v35  }
0x170: {  	v4 =	vor.u32 s31, v25;
	[tilespmem:v5+s22+$0x0] =	vst.idx.msk $0xffff, v36  }
0x171: {  	v5 =	vor.u32 s31, v26;
	[tilespmem:v2+s22+$0x0] =	vst.idx.msk $0xffff, v37  }
0x172: {  	v2 =	vor.u32 s31, v27;
	[tilespmem:v1+s22+$0x0] =	vst.idx.msk $0xffff, v38  }
0x173: {  	v1 =	vor.u32 s31, v28;
	[tilespmem:v52+s22+$0x0] =	vst.idx.msk $0xffff, v39  }
0x174: {  	v39 =	vor.u32 s31, v29;
	[tilespmem:v34+s22+$0x0] =	vst.idx.msk $0xffff, v40  }
0x175: {  	s1 =	sshll.u32 s30, $0xB;
	v40 =	vor.u32 s31, v30;
	[tilespmem:v4+s22+$0x0] =	vst.idx.msk $0xffff, v41  }
0x176: {  	s1 =	sor.u32 $0x700, s1;
	v4 =	vor.u32 s31, v31;
	[tilespmem:v5+s22+$0x0] =	vst.idx.msk $0xffff, v42  }
0x177: {  	[tilespmem:v2+s22+$0x0] =	vst.idx.msk $0xffff, v43;
	v2 =	vor.u32 s1, v16  }
0x178: {  	[tilespmem:v1+s22+$0x0] =	vst.idx.msk $0xffff, v44;
	v1 =	vor.u32 s1, v17  }
0x179: {  	v5 =	vor.u32 s1, v18;
	[tilespmem:v39+s22+$0x0] =	vst.idx.msk $0xffff, v45  }
0x17a: {  	v52 =	vor.u32 s1, v19;
	[tilespmem:v40+s22+$0x0] =	vst.idx.msk $0xffff, v46  }
0x17b: {  	[tilespmem:v4+s22+$0x0] =	vst.idx.msk $0xffff, v47;
	v4 =	vor.u32 s1, v20  }
0x17c: {  	[tilespmem:v2+s22+$0x0] =	vst.idx.msk $0xffff, v57;
	v2 =	vor.u32 s1, v21  }
0x17d: {  	[tilespmem:v1+s22+$0x0] =	vst.idx.msk $0xffff, v59;
	v1 =	vor.u32 s1, v22  }
0x17e: {  	[tilespmem:v5+s22+$0x0] =	vst.idx.msk $0xffff, v60;
	v5 =	vor.u32 s1, v23  }
0x17f: {  	v60 =	vor.u32 s1, v24;
	[tilespmem:v52+s22+$0x0] =	vst.idx.msk $0xffff, v55  }
0x180: {  	[tilespmem:v4+s22+$0x0] =	vst.idx.msk $0xffff, v62;
	v4 =	vor.u32 s1, v25  }
0x181: {  	[tilespmem:v2+s22+$0x0] =	vst.idx.msk $0xffff, v61;
	v2 =	vor.u32 s1, v26  }
0x182: {  	[tilespmem:v1+s22+$0x0] =	vst.idx.msk $0xffff, v53;
	v1 =	vor.u32 s1, v27  }
0x183: {  	[tilespmem:v5+s22+$0x0] =	vst.idx.msk $0xffff, v63;
	v5 =	vor.u32 s1, v28  }
0x184: {  	v63 =	vor.u32 s1, v29;
	[tilespmem:v60+s22+$0x0] =	vst.idx.msk $0xffff, v56  }
0x185: {  	s30 =	sadd.s32 $0x1, s30;
	[tilespmem:v4+s22+$0x0] =	vst.idx.msk $0xffff, v51;
	v4 =	vor.u32 s1, v30  }
0x186: {  	p2 =	sne.s32 s30, $0x8;
	[tilespmem:v2+s22+$0x0] =	vst.idx.msk $0xffff, v58;
	v2 =	vor.u32 s1, v31  }
.Ltmp9:
0x187: {  	[tilespmem:v1+s22+$0x0] =	vst.idx.msk $0xffff, v54;
	(pc) =	sbr.rel @p2 .LBB2_4-.Ltmp9, $4  }
0x188: {  	[tilespmem:v5+s22+$0x0] =	vst.idx.msk $0xffff, v48  }
0x189: {  	[tilespmem:v63+s22+$0x0] =	vst.idx.msk $0xffff, v50  }
0x18a: {  	[tilespmem:v4+s22+$0x0] =	vst.idx.msk $0xffff, v49  }
0x18b: {  	s28 =	sadd.s32 $0x800, s28;
	s29 =	sadd.s32 $0x80, s29;
	[tilespmem:v2+s22+$0x0] =	vst.idx.msk $0xffff, v32  }
.Ltmp10:
0x18c: {  	s1 =	sshll.u32 s26, $0x13;
	(pc) =	sbr.rel .LBB2_13-.Ltmp10, $4  }
0x18d: {  	s1 =	sor.u32 s9, s1  }
0x18e: {  	s1 =	sshrl.u32 s1, $0x3  }
0x18f: {  	s1 =	sadd.s32 s5, s1  }
0x190: {  	[hbm4b:s1+s3] =	stream.linear.scatter [tilespmem:s22], [sflag:$0x3], $0x4000, $0x38;
	[tilespmem:$0x11000] =	vst v63  }
.LBB2_14:
0x191: {  	_ =	swait.ge [sflag:s15], $0x4000  }
.Ltmp11:
0x192: {  	[sflag:s15] =	ssyncset.done $0x0;
	(pc) =	sbr.rel @p0 .LBB2_21-.Ltmp11, $4  }
0x193: {  	[sflag:s15] =	ssyncadd.s32 $0xFFFFC000  }
0x194: {  	_ =	swait.ge [sflag:s16], $0x4000  }
0x195: {  	[sflag:s16] =	ssyncset.done $0x0  }
0x196: {  	[sflag:s16] =	ssyncadd.s32 $0xFFFFC000  }
.Ltmp12:
0x197: {  	(pc) =	sbr.rel @p1 .LBB2_22-.Ltmp12, $1  }
0x198: {  	_ =	sdelay $0x3  }
0x199: {  	s25 =	simm.s32 $0x0  }
0x19a: {  	[tilespmem:s25], [sflag:$0x5] =	stream.linear.gather [hbm4b:s11+s25], $0x1000, $0x38;
	[tilespmem:$0x11000] =	vst v63  }
0x19b: {  	s1 =	sadd.s32 $0xF4280, s11  }
0x19c: {  	[tilespmem:s17], [sflag:$0x5] =	stream.linear.gather [hbm4b:s1+s25], $0x1000, $0x38;
	[tilespmem:$0x11000] =	vst v63  }
0x19d: {  	_ =	swait.ge [sflag:s21], $0x2000  }
0x19e: {  	[sflag:s21] =	ssyncset.done $0x0  }
0x19f: {  	s26 =	simm.s32 $0x0;
	s28 =	simm.s32 $0x0;
	[sflag:s21] =	ssyncadd.s32 $0xFFFFE000  }
.LBB2_17:
0x1a0: {  	s1 =	sshll.u32 s28, $0x7  }
0x1a1: {  	v1 =	vmov s1  }
0x1a2: {  	v4 =	vld [tilespmem:$0x1FF50];
	v1 =	vshll.u32 v1, $0x3  }
0x1a3: {  	v1 =	vbroadcast v1, $0x0  }
0x1a4: {  	v5 =	vld [tilespmem:$0x1FF60]  }
0x1a5: {  	v2 =	vadd.s32 v0, v1;
	_ =	sdelay $0x1  }
0x1a6: {  	v4 =	vadd.s32 v4, v1;
	_ =	sdelay $0x1  }
0x1a7: {  	v7 =	vld [tilespmem:$0x1FF70];
	v5 =	vadd.s32 v5, v1  }
0x1a8: {  	v8 =	vld.idx.msk [tilespmem:v2+s3+$0x0], $0xffff  }
0x1a9: {  	v2 =	vld [tilespmem:$0x1FF80]  }
0x1aa: {  	v6 =	vadd.s32 v3, v1;
	v33 =	vld.idx.msk [tilespmem:v4+s3+$0x0], $0xffff  }
0x1ab: {  	v4 =	vld [tilespmem:$0x1FF90]  }
0x1ac: {  	v7 =	vadd.s32 v7, v1;
	v34 =	vld.idx.msk [tilespmem:v5+s3+$0x0], $0xffff  }
0x1ad: {  	v5 =	vld [tilespmem:$0x1FFA0]  }
0x1ae: {  	v2 =	vadd.s32 v2, v1  }
0x1af: {  	v35 =	vld.idx.msk [tilespmem:v6+s3+$0x0], $0xffff  }
0x1b0: {  	v6 =	vld [tilespmem:$0x1FFB0];
	v4 =	vadd.s32 v4, v1  }
0x1b1: {  	v36 =	vld.idx.msk [tilespmem:v7+s3+$0x0], $0xffff  }
0x1b2: {  	v7 =	vld [tilespmem:$0x1FFC0];
	v5 =	vadd.s32 v5, v1  }
0x1b3: {  	v37 =	vld.idx.msk [tilespmem:v2+s3+$0x0], $0xffff  }
0x1b4: {  	v2 =	vld [tilespmem:$0x1FFD0]  }
0x1b5: {  	v38 =	vld.idx.msk [tilespmem:v4+s3+$0x0], $0xffff  }
0x1b6: {  	v4 =	vld [tilespmem:$0x1FFE0]  }
0x1b7: {  	v6 =	vadd.s32 v6, v1;
	v39 =	vld.idx.msk [tilespmem:v5+s3+$0x0], $0xffff  }
0x1b8: {  	v5 =	vld [tilespmem:$0x1FFF0]  }
0x1b9: {  	v7 =	vadd.s32 v7, v1  }
0x1ba: {  	v2 =	vadd.s32 v2, v1  }
0x1bb: {  	s31 =	sadd.s32 $0x10, s26;
	v4 =	vadd.s32 v4, v1  }
0x1bc: {  	v9 =	vmov s31;
	v40 =	vld.idx.msk [tilespmem:v6+s3+$0x0], $0xffff;
	v6 =	vadd.s32 v13, v1  }
0x1bd: {  	v10 =	vshll.u32 v9, $0x3;
	v5 =	vadd.s32 v5, v1  }
0x1be: {  	v9 =	vand.u32 $0x70, v9;
	v10 =	vand.u32 $0xC00, v10;
	v41 =	vld.idx.msk [tilespmem:v7+s3+$0x0], $0xffff;
	v7 =	vadd.s32 v14, v1  }
0x1bf: {  	v1 =	vadd.s32 v15, v1;
	v42 =	vld.idx.msk [tilespmem:v2+s3+$0x0], $0xffff;
	v2 =	vor.u32 v9, v10  }
0x1c0: {  	v43 =	vld.idx.msk [tilespmem:v4+s3+$0x0], $0xffff;
	v4 =	vadd.s32 v0, v2  }
0x1c1: {  	v45 =	vld.idx.msk [tilespmem:v6+s3+$0x0], $0xffff;
	v2 =	vadd.s32 v3, v2  }
0x1c2: {  	v44 =	vld.idx.msk [tilespmem:v5+s3+$0x0], $0xffff;
	v5 =	vor.u32 $0x1, v4  }
0x1c3: {  	v46 =	vld.idx.msk [tilespmem:v7+s3+$0x0], $0xffff;
	v6 =	vor.u32 $0xF, v4  }
0x1c4: {  	v47 =	vld.idx.msk [tilespmem:v1+s3+$0x0], $0xffff;
	v1 =	vor.u32 $0x2, v4  }
0x1c5: {  	v7 =	vor.u32 $0x6, v4;
	v57 =	vld.idx.msk [tilespmem:v4+s3+$0x0], $0xffff  }
0x1c6: {  	v50 =	vor.u32 $0x9, v4;
	v55 =	vld.idx.msk [tilespmem:v2+s3+$0x0], $0xffff  }
0x1c7: {  	v52 =	vor.u32 $0xD, v4;
	v59 =	vld.idx.msk [tilespmem:v5+s3+$0x0], $0xffff  }
0x1c8: {  	v2 =	vor.u32 $0xC, v4;
	v32 =	vld.idx.msk [tilespmem:v6+s3+$0x0], $0xffff  }
0x1c9: {  	v5 =	vor.u32 $0x4, v4;
	v60 =	vld.idx.msk [tilespmem:v1+s3+$0x0], $0xffff  }
0x1ca: {  	v1 =	vor.u32 $0x8, v4;
	v53 =	vld.idx.msk [tilespmem:v7+s3+$0x0], $0xffff  }
0x1cb: {  	v7 =	vor.u32 $0xE, v4;
	v51 =	vld.idx.msk [tilespmem:v50+s3+$0x0], $0xffff  }
0x1cc: {  	v6 =	vor.u32 $0x5, v4;
	v50 =	vld.idx.msk [tilespmem:v52+s3+$0x0], $0xffff  }
0x1cd: {  	v10 =	vor.u32 $0xA, v4;
	v48 =	vld.idx.msk [tilespmem:v2+s3+$0x0], $0xffff  }
0x1ce: {  	v62 =	vld.idx.msk [tilespmem:v5+s3+$0x0], $0xffff;
	v5 =	vor.u32 $0xB, v4  }
0x1cf: {  	v2 =	vor.u32 $0x7, v4;
	v56 =	vld.idx.msk [tilespmem:v1+s3+$0x0], $0xffff;
	v1 =	vor.u32 s25, v16  }
0x1d0: {  	v49 =	vld.idx.msk [tilespmem:v7+s3+$0x0], $0xffff;
	v7 =	vor.u32 s25, v17  }
0x1d1: {  	v61 =	vld.idx.msk [tilespmem:v6+s3+$0x0], $0xffff;
	v6 =	vor.u32 s25, v18  }
0x1d2: {  	v58 =	vld.idx.msk [tilespmem:v10+s3+$0x0], $0xffff;
	v4 =	vor.u32 s25, v19  }
0x1d3: {  	v54 =	vld.idx.msk [tilespmem:v5+s3+$0x0], $0xffff;
	v5 =	vor.u32 s25, v20  }
0x1d4: {  	s2 =	simm.s32 $0x20;
	s4 =	sadd.s32 $0x100, s25;
	s29 =	smov.u32 s25;
	v52 =	vor.u32 s25, v23;
	v63 =	vld.idx.msk [tilespmem:v2+s3+$0x0], $0xffff;
	v2 =	vor.u32 s25, v21;
	[tilespmem:v1+s22+$0x0] =	vst.idx.msk $0xffff, v8;
	v1 =	vor.u32 s25, v22  }
.LBB2_18:
0x1d5: {  	v8 =	vor.u32 s4, v23;
	p2 =	sne.s32 s2, $0x70;
	[tilespmem:v7+s22+$0x0] =	vst.idx.msk $0xffff, v33;
	v9 =	vmov v57;
	v33 =	vmov v59;
	s1 =	smov.u32 s2;
	s2 =	sadd.s32 $0x10, s2  }
0x1d6: {  	[tilespmem:v6+s22+$0x0] =	vst.idx.msk $0xffff, v34;
	v6 =	vor.u32 s29, v24;
	v34 =	vmov v60  }
0x1d7: {  	[tilespmem:v4+s22+$0x0] =	vst.idx.msk $0xffff, v35;
	v4 =	vor.u32 s29, v25;
	v35 =	vmov v55  }
0x1d8: {  	[tilespmem:v5+s22+$0x0] =	vst.idx.msk $0xffff, v36;
	v5 =	vor.u32 s29, v26;
	v36 =	vmov v62  }
0x1d9: {  	[tilespmem:v2+s22+$0x0] =	vst.idx.msk $0xffff, v37;
	v2 =	vor.u32 s29, v27;
	v37 =	vmov v61  }
0x1da: {  	s1 =	sadd.s32 s1, s26;
	[tilespmem:v1+s22+$0x0] =	vst.idx.msk $0xffff, v38;
	v1 =	vor.u32 s29, v28;
	v38 =	vmov v53  }
0x1db: {  	v10 =	vor.u32 s29, v29;
	v7 =	vmov s1;
	[tilespmem:v52+s22+$0x0] =	vst.idx.msk $0xffff, v39;
	v52 =	vmovc v8;
	v39 =	vmov v63  }
0x1dc: {  	v8 =	vshll.u32 v7, $0x3;
	[tilespmem:v6+s22+$0x0] =	vst.idx.msk $0xffff, v40;
	v6 =	vor.u32 s29, v30;
	v40 =	vmov v56  }
0x1dd: {  	v7 =	vand.u32 $0x70, v7;
	v8 =	vand.u32 $0xC00, v8;
	[tilespmem:v4+s22+$0x0] =	vst.idx.msk $0xffff, v41;
	v4 =	vor.u32 s29, v31;
	v41 =	vmovc v51;
	s29 =	smov.u32 s4  }
0x1de: {  	v7 =	vor.u32 v7, v8;
	[tilespmem:v5+s22+$0x0] =	vst.idx.msk $0xffff, v42;
	v42 =	vmov v58  }
0x1df: {  	v5 =	vadd.s32 v0, v7;
	v7 =	vadd.s32 v3, v7;
	[tilespmem:v2+s22+$0x0] =	vst.idx.msk $0xffff, v43;
	v43 =	vmov v54  }
0x1e0: {  	v2 =	vor.u32 $0x1, v5;
	v8 =	vor.u32 $0x2, v5;
	v11 =	vor.u32 $0xF, v5;
	[tilespmem:v1+s22+$0x0] =	vst.idx.msk $0xffff, v44;
	v44 =	vmovc v48  }
0x1e1: {  	v12 =	vor.u32 $0x5, v5;
	v1 =	vor.u32 $0x4, v5;
	v48 =	vor.u32 $0x6, v5;
	[tilespmem:v10+s22+$0x0] =	vst.idx.msk $0xffff, v45;
	v45 =	vmovc v50  }
0x1e2: {  	v51 =	vor.u32 $0x9, v5;
	v10 =	vor.u32 $0x7, v5;
	v50 =	vor.u32 $0x8, v5;
	[tilespmem:v6+s22+$0x0] =	vst.idx.msk $0xffff, v46;
	v46 =	vmovc v49  }
0x1e3: {  	v58 =	vor.u32 $0xA, v5;
	v54 =	vor.u32 $0xB, v5;
	v6 =	vor.u32 $0xC, v5;
	[tilespmem:v4+s22+$0x0] =	vst.idx.msk $0xffff, v47;
	v47 =	vmovc v32  }
0x1e4: {  	v4 =	vor.u32 $0xD, v5;
	v57 =	vld.idx.msk [tilespmem:v5+s3+$0x0], $0xffff;
	v5 =	vor.u32 $0xE, v5  }
0x1e5: {  	v55 =	vld.idx.msk [tilespmem:v7+s3+$0x0], $0xffff  }
0x1e6: {  	v59 =	vld.idx.msk [tilespmem:v2+s3+$0x0], $0xffff  }
0x1e7: {  	v32 =	vld.idx.msk [tilespmem:v11+s3+$0x0], $0xffff  }
0x1e8: {  	v60 =	vld.idx.msk [tilespmem:v8+s3+$0x0], $0xffff  }
0x1e9: {  	v53 =	vld.idx.msk [tilespmem:v48+s3+$0x0], $0xffff  }
0x1ea: {  	v51 =	vld.idx.msk [tilespmem:v51+s3+$0x0], $0xffff  }
0x1eb: {  	v48 =	vld.idx.msk [tilespmem:v6+s3+$0x0], $0xffff  }
0x1ec: {  	v62 =	vld.idx.msk [tilespmem:v1+s3+$0x0], $0xffff  }
0x1ed: {  	v61 =	vld.idx.msk [tilespmem:v12+s3+$0x0], $0xffff  }
0x1ee: {  	v1 =	vor.u32 s4, v16;
	v56 =	vld.idx.msk [tilespmem:v50+s3+$0x0], $0xffff  }
0x1ef: {  	v7 =	vor.u32 s4, v17;
	v49 =	vld.idx.msk [tilespmem:v5+s3+$0x0], $0xffff  }
.Ltmp13:
0x1f0: {  	v6 =	vor.u32 s4, v18;
	v50 =	vld.idx.msk [tilespmem:v4+s3+$0x0], $0xffff;
	(pc) =	sbr.rel @p2 .LBB2_18-.Ltmp13, $4  }
0x1f1: {  	v4 =	vor.u32 s4, v19;
	v63 =	vld.idx.msk [tilespmem:v10+s3+$0x0], $0xffff  }
0x1f2: {  	v5 =	vor.u32 s4, v20;
	v54 =	vld.idx.msk [tilespmem:v54+s3+$0x0], $0xffff  }
0x1f3: {  	v2 =	vor.u32 s4, v21;
	v58 =	vld.idx.msk [tilespmem:v58+s3+$0x0], $0xffff  }
0x1f4: {  	s4 =	sadd.s32 $0x100, s4;
	[tilespmem:v1+s22+$0x0] =	vst.idx.msk $0xffff, v9;
	v1 =	vor.u32 s29, v22  }
0x1f5: {  	_ =	sdelay $0x3  }
0x1f6: {  	[tilespmem:v7+s22+$0x0] =	vst.idx.msk $0xffff, v33  }
0x1f7: {  	[tilespmem:v6+s22+$0x0] =	vst.idx.msk $0xffff, v34  }
0x1f8: {  	v34 =	vor.u32 s29, v24;
	[tilespmem:v4+s22+$0x0] =	vst.idx.msk $0xffff, v35  }
0x1f9: {  	v4 =	vor.u32 s29, v25;
	[tilespmem:v5+s22+$0x0] =	vst.idx.msk $0xffff, v36  }
0x1fa: {  	v5 =	vor.u32 s29, v26;
	[tilespmem:v2+s22+$0x0] =	vst.idx.msk $0xffff, v37  }
0x1fb: {  	v2 =	vor.u32 s29, v27;
	[tilespmem:v1+s22+$0x0] =	vst.idx.msk $0xffff, v38  }
0x1fc: {  	v1 =	vor.u32 s29, v28;
	[tilespmem:v52+s22+$0x0] =	vst.idx.msk $0xffff, v39  }
0x1fd: {  	v39 =	vor.u32 s29, v29;
	[tilespmem:v34+s22+$0x0] =	vst.idx.msk $0xffff, v40  }
0x1fe: {  	s1 =	sshll.u32 s28, $0xB;
	v40 =	vor.u32 s29, v30;
	[tilespmem:v4+s22+$0x0] =	vst.idx.msk $0xffff, v41  }
0x1ff: {  	s1 =	sor.u32 $0x700, s1;
	v4 =	vor.u32 s29, v31;
	[tilespmem:v5+s22+$0x0] =	vst.idx.msk $0xffff, v42  }
0x200: {  	[tilespmem:v2+s22+$0x0] =	vst.idx.msk $0xffff, v43;
	v2 =	vor.u32 s1, v16  }
0x201: {  	[tilespmem:v1+s22+$0x0] =	vst.idx.msk $0xffff, v44;
	v1 =	vor.u32 s1, v17  }
0x202: {  	v5 =	vor.u32 s1, v18;
	[tilespmem:v39+s22+$0x0] =	vst.idx.msk $0xffff, v45  }
0x203: {  	v52 =	vor.u32 s1, v19;
	[tilespmem:v40+s22+$0x0] =	vst.idx.msk $0xffff, v46  }
0x204: {  	[tilespmem:v4+s22+$0x0] =	vst.idx.msk $0xffff, v47;
	v4 =	vor.u32 s1, v20  }
0x205: {  	[tilespmem:v2+s22+$0x0] =	vst.idx.msk $0xffff, v57;
	v2 =	vor.u32 s1, v21  }
0x206: {  	[tilespmem:v1+s22+$0x0] =	vst.idx.msk $0xffff, v59;
	v1 =	vor.u32 s1, v22  }
0x207: {  	[tilespmem:v5+s22+$0x0] =	vst.idx.msk $0xffff, v60;
	v5 =	vor.u32 s1, v23  }
0x208: {  	v60 =	vor.u32 s1, v24;
	[tilespmem:v52+s22+$0x0] =	vst.idx.msk $0xffff, v55  }
0x209: {  	[tilespmem:v4+s22+$0x0] =	vst.idx.msk $0xffff, v62;
	v4 =	vor.u32 s1, v25  }
0x20a: {  	[tilespmem:v2+s22+$0x0] =	vst.idx.msk $0xffff, v61;
	v2 =	vor.u32 s1, v26  }
0x20b: {  	[tilespmem:v1+s22+$0x0] =	vst.idx.msk $0xffff, v53;
	v1 =	vor.u32 s1, v27  }
0x20c: {  	[tilespmem:v5+s22+$0x0] =	vst.idx.msk $0xffff, v63;
	v5 =	vor.u32 s1, v28  }
0x20d: {  	v63 =	vor.u32 s1, v29;
	[tilespmem:v60+s22+$0x0] =	vst.idx.msk $0xffff, v56  }
0x20e: {  	s28 =	sadd.s32 $0x1, s28;
	[tilespmem:v4+s22+$0x0] =	vst.idx.msk $0xffff, v51;
	v4 =	vor.u32 s1, v30  }
0x20f: {  	p2 =	sne.s32 s28, $0x4;
	[tilespmem:v2+s22+$0x0] =	vst.idx.msk $0xffff, v58;
	v2 =	vor.u32 s1, v31  }
.Ltmp14:
0x210: {  	[tilespmem:v1+s22+$0x0] =	vst.idx.msk $0xffff, v54;
	(pc) =	sbr.rel @p2 .LBB2_17-.Ltmp14, $4  }
0x211: {  	[tilespmem:v5+s22+$0x0] =	vst.idx.msk $0xffff, v48  }
0x212: {  	[tilespmem:v63+s22+$0x0] =	vst.idx.msk $0xffff, v50  }
0x213: {  	[tilespmem:v4+s22+$0x0] =	vst.idx.msk $0xffff, v49  }
0x214: {  	s25 =	sadd.s32 $0x800, s25;
	s26 =	sadd.s32 $0x80, s26;
	[tilespmem:v2+s22+$0x0] =	vst.idx.msk $0xffff, v32  }
.Ltmp15:
0x215: {  	(pc) =	sbr.rel .LBB2_22-.Ltmp15, $4  }
0x216: {  	[hbm4b:s12+s3] =	stream.linear.scatter [tilespmem:s22], [sflag:$0x5], $0x2000, $0x38;
	[tilespmem:$0x11000] =	vst v63  }
0x217: {  	_ =	swait.ge [sflag:s21], $0x2000  }
0x218: {  	[sflag:s21] =	ssyncset.done $0x0  }
0x219: {  	[sflag:s21] =	ssyncadd.s32 $0xFFFFE000  }
.LBB2_23:
0x21a: {  	_ =	sfence.sel $0x180000  }
0x21b: {  	[bflag:$0x0] =	sbarrier.arrive $0xFFFF  }
0x21c: {  	_ =	strace $0x90000047  }
0x21d: {  	s0 =	stileid.u32;
	[bflag:$0x2] =	sbarrier.arrive $0xFFFF  }
0x21e: {  	p0 =	sne.s32 s0, $0x0;
	s0 =	rddreg [dreg:$0x3]  }
0x21f: {  	s0 =	sadd.s32 @!p0 $0x100000, s0  }
0x220: {  	[sflag:s0] =	ssyncadd.tile.s32 @!p0 $0x1;
	_ =	shalt  }
.Lfunc_end2:
_tile_overlayer_lowered:
.L_overlay_start_2:
0x221: {  	(tag) =	ssettag $0x2  }
0x222: {  	s0 =	rddreg [dreg:$0x0];
	s2 =	stileid.u32  }
0x223: {  	s1 =	rddreg [dreg:$0x1];
	p0 =	sne.s32 s2, $0x0  }
0x224: {  	s3 =	rddreg [dreg:$0x2];
	[bflag:$0x3] =	sbarrier.arrive $0xFFFF;
	s2 =	simm.s32 @!p0 $0x1C05  }
0x225: {  	[timem:s3], [sflag:s2] =	dma.local @!p0 [hbm:s0], s1  }
0x226: {  	s0 =	simm.s32 @!p0 $0x5  }
0x227: {  	_ =	swait.ge @!p0 [sflag:s0], s1  }
0x228: {  	s1 =	ssub.s32 @!p0 $0x0, s1;
	[sflag:s0] =	ssyncset.done @!p0 $0x0  }
0x229: {  	[sflag:s0] =	ssyncadd.s32 @!p0 s1  }
0x22a: {  	[bflag:$0x3] =	sbarrier.arrive $0xFFFF  }
0x22b: {  	_ =	shalt  }

// kernel: kernel.7.cloned.1.call-start
scs
__scs_entry_jumppad:
0x0: {  	(pc) =	sbr.rel $0x88, $3  }
0x1: {  	(tag) =	ssettag $0x0;
	lr =	simm.s32 $0x1  }
0x2: {  	[smem:$0x3F9F] =	sst lr;
	_ =	strace $0xD0000000  }
0x3: {  	_ = 	snop  }
0x4: {  	_ = 	snop  }
0x5: {  	_ = 	snop  }
0x6: {  	_ = 	snop  }
0x7: {  	_ = 	snop  }
__scs_overlays_trampoline_lowered:
0x8: {  	[smem:$0x3FAE] =	sst s0  }
0x9: {  	[smem:$0x3FAF] =	sst s1  }
0xa: {  	[smem:$0x3FB0] =	sst s2  }
0xb: {  	[smem:$0x3FB1] =	sst s3  }
0xc: {  	[smem:$0x3FB2] =	sst s4  }
0xd: {  	[smem:$0x3FB3] =	sst s5  }
0xe: {  	[smem:$0x3FB4] =	sst s6  }
0xf: {  	[smem:$0x3FB5] =	sst s7  }
0x10: {  	[smem:$0x3FB6] =	sst s8  }
0x11: {  	[smem:$0x3FB7] =	sst s9;
	s0 =	simm.s32 @!p0 $0x0  }
0x12: {  	s1 =	sld [smem:$0x3F9D];
	s0 =	simm.s32 @p0 $0x1  }
0x13: {  	[smem:$0x3FB8] =	sst s0;
	s0 =	simm.s32 @!p1 $0x0  }
0x14: {  	s2 =	sld [smem:$0x3F9C];
	s0 =	simm.s32 @p1 $0x1  }
0x15: {  	[smem:$0x3FB9] =	sst s0;
	s0 =	simm.s32 @!p2 $0x0  }
0x16: {  	s3 =	sld [smem:$0x3FDB];
	s0 =	simm.s32 @p2 $0x1  }
0x17: {  	s4 =	simm.s32 $0x1BF5;
	[smem:$0x3FBB] =	sst s0  }
0x18: {  	s0 =	sld [smem:$0x3F9E];
	_ =	swait.ge [sflag:s4], $0x0  }
0x19: {  	s7 =	sld [smem:$0x3F9F]  }
0x1a: {  	s8 =	sadd.s32 $0xFFFFE003, lr  }
0x1b: {  	s9 =	sadd.s32 $0xFFFFFEF7, lr;
	s5 =	simm.s32 $0xFFFFFFFF;
	p2 =	slt.u32 s8, $0xFFFFF086  }
0x1c: {  	p1 =	slt.u32 s9, $0xF7A;
	s5 =	simm.s32 @!p2 $0x0  }
0x1d: {  	s5 =	simm.s32 @p1 $0x1;
	p0 =	seq.s32 s7, s2  }
0x1e: {  	s7 =	smul.u32 @!p0 $0xF7A, s2;
	p2 =	seq.s32 @!p0 s5, $0x0  }
0x1f: {  	s9 =	smul.u32 $0xF7A, s1;
	s8 =	simm.s32 @!p0 $0x1BF5;
	p2 =	por !p2, p0  }
0x20: {  	[sflag:s8] =	ssyncset.s32 @!p0 $0xFFFFF086;
	s6 =	sadd.s32 @!p0 s3, s7;
	s7 =	simm.s32 @!p0 $0x108  }
0x21: {  	s3 =	sadd.s32 s3, s9;
	s6 =	sadd.s32 @!p0 $0x88, s6;
	s7 =	simm.s32 @p2 $0x1082  }
0x22: {  	[simem:s7], [sflag:s8] =	dma.local @!p0 [hbm:s6], $0xF7A  }
0x23: {  	s9 =	sor.u32 $0xD0000000, s2;
	s6 =	simm.s32 $0x108;
	_ =	swait.ge @!p0 [sflag:s8], $0x0  }
0x24: {  	s3 =	sadd.s32 $0x88, s3;
	s6 =	simm.s32 @!p1 $0x1082;
	[sflag:s4] =	ssyncset.s32 $0xFFFFF086  }
0x25: {  	[simem:s6], [sflag:s4] =	dma.local [hbm:s3], $0xF7A  }
0x26: {  	[smem:$0x3F9F] =	sst s1;
	(tag) =	ssettag s2;
	_ =	strace s9  }
0x27: {  	s1 =	sld [smem:$0x3FAF]  }
0x28: {  	s2 =	sld [smem:$0x3FB0]  }
0x29: {  	s4 =	sld [smem:$0x3FB2]  }
0x2a: {  	p0 =	seq.s32 s5, $0x0;
	s5 =	sld [smem:$0x3FB3]  }
0x2b: {  	s6 =	sld [smem:$0x3FB4]  }
0x2c: {  	s7 =	sld [smem:$0x3FB5]  }
0x2d: {  	s3 =	simm.s32 $0x108;
	s8 =	sld [smem:$0x3FB6]  }
0x2e: {  	s3 =	simm.s32 @!p0 $0x1082;
	s9 =	sld [smem:$0x3FB7]  }
0x2f: {  	lr =	sadd.s32 s0, s3;
	s0 =	sld [smem:$0x3FAE]  }
0x30: {  	s3 =	sld [smem:$0x3FB1]  }
0x31: {  	[smem:$0x3FBA] =	sst s10  }
0x32: {  	s10 =	sld [smem:$0x3FB8];
	_ =	sdelay $0x3  }
0x33: {  	p0 =	seq.s32 s10, $0x1;
	s10 =	sld [smem:$0x3FBA];
	_ =	sdelay $0x3  }
0x34: {  	[smem:$0x3FBA] =	sst s10  }
0x35: {  	s10 =	sld [smem:$0x3FB9];
	_ =	sdelay $0x3  }
0x36: {  	p1 =	seq.s32 s10, $0x1;
	s10 =	sld [smem:$0x3FBA];
	_ =	sdelay $0x3  }
0x37: {  	[smem:$0x3FBA] =	sst s10  }
0x38: {  	s10 =	sld [smem:$0x3FBB]  }
0x39: {  	_ = 	snop;
	(pc) =	sbr.ind lr, $3  }
0x3a: {  	_ = 	snop  }
0x3b: {  	_ = 	snop  }
0x3c: {  	p2 =	seq.s32 s10, $0x1;
	s10 =	sld [smem:$0x3FBA]  }
0x3d: {  	_ =	shalt  }
0x3e: {  	_ =	shalt  }
0x3f: {  	_ =	shalt  }
0x40: {  	_ =	shalt  }
0x41: {  	_ =	shalt  }
0x42: {  	_ =	shalt  }
0x43: {  	_ =	shalt  }
0x44: {  	_ =	shalt  }
0x45: {  	_ =	shalt  }
0x46: {  	_ =	shalt  }
0x47: {  	_ =	shalt  }
0x48: {  	_ =	shalt  }
0x49: {  	_ =	shalt  }
0x4a: {  	_ =	shalt  }
0x4b: {  	_ =	shalt  }
0x4c: {  	_ =	shalt  }
0x4d: {  	_ =	shalt  }
0x4e: {  	_ =	shalt  }
0x4f: {  	_ =	shalt  }
0x50: {  	_ =	shalt  }
0x51: {  	_ =	shalt  }
0x52: {  	_ =	shalt  }
0x53: {  	_ =	shalt  }
0x54: {  	_ =	shalt  }
0x55: {  	_ =	shalt  }
0x56: {  	_ =	shalt  }
0x57: {  	_ =	shalt  }
0x58: {  	_ =	shalt  }
0x59: {  	_ =	shalt  }
0x5a: {  	_ =	shalt  }
0x5b: {  	_ =	shalt  }
0x5c: {  	_ =	shalt  }
0x5d: {  	_ =	shalt  }
0x5e: {  	_ =	shalt  }
0x5f: {  	_ =	shalt  }
0x60: {  	_ =	shalt  }
0x61: {  	_ =	shalt  }
0x62: {  	_ =	shalt  }
0x63: {  	_ =	shalt  }
0x64: {  	_ =	shalt  }
0x65: {  	_ =	shalt  }
0x66: {  	_ =	shalt  }
0x67: {  	_ =	shalt  }
0x68: {  	_ =	shalt  }
0x69: {  	_ =	shalt  }
0x6a: {  	_ =	shalt  }
0x6b: {  	_ =	shalt  }
0x6c: {  	_ =	shalt  }
0x6d: {  	_ =	shalt  }
0x6e: {  	_ =	shalt  }
0x6f: {  	_ =	shalt  }
0x70: {  	_ =	shalt  }
0x71: {  	_ =	shalt  }
0x72: {  	_ =	shalt  }
0x73: {  	_ =	shalt  }
0x74: {  	_ =	shalt  }
0x75: {  	_ =	shalt  }
0x76: {  	_ =	shalt  }
0x77: {  	_ =	shalt  }
0x78: {  	_ =	shalt  }
0x79: {  	_ =	shalt  }
0x7a: {  	_ =	shalt  }
0x7b: {  	_ =	shalt  }
0x7c: {  	_ =	shalt  }
0x7d: {  	_ =	shalt  }
0x7e: {  	_ =	shalt  }
0x7f: {  	_ =	shalt  }
0x80: {  	_ =	shalt  }
0x81: {  	_ =	shalt  }
0x82: {  	_ =	shalt  }
0x83: {  	_ =	shalt  }
0x84: {  	_ =	shalt  }
0x85: {  	_ =	shalt  }
0x86: {  	_ =	shalt  }
0x87: {  	_ =	shalt  }
.Lfunc_end0:
.L_simem_size_0:
called_computation.1_lowered:
.L_overlay_start_0:
0x88: {  	s2 =	sld [smem:$0x3FD9]  }
0x89: {  	s3 =	sld [smem:$0x3FFE];
	_ =	sdelay $0x1  }
0x8a: {  	s1 =	srdreg.scid  }
0x8b: {  	s0 =	sand.u32 $0x1, s1  }
0x8c: {  	s17 =	sshll.u32 s0, $0xA;
	s2 =	sadd.s32 s3, s2  }
0x8d: {  	s2 =	sadd.s32 s2, s17  }
0x8e: {  	[smem:$0x3FC6] =	sst s2  }
0x8f: {  	_ = 	snop  }
0x90: {  	s2 =	sld [smem:$0x3FD0];
	(tm) =	ssettm $0x1  }
0x91: {  	s18 =	sld [smem:$0x3FFB];
	_ =	sdelay $0x3  }
0x92: {  	_ =	strace s18  }
0x93: {  	s3 =	sld [smem:$0x3FFC];
	_ =	sdelay $0x3  }
0x94: {  	_ =	strace s3  }
0x95: {  	s3 =	sld [smem:$0x3FFD];
	_ =	sdelay $0x3  }
0x96: {  	_ =	strace s3  }
0x97: {  	_ =	strace $0x8FFFFFFF  }
0x98: {  	s19 =	sld [smem:$0x3FDB];
	_ =	sdelay $0x1  }
0x99: {  	s4 =	simm.s32 $_scs_section_size  }
0x9a: {  	s5 =	simm.s32 $_size__tile_overlayer_lowered;
	s6 =	simm.s32 $_tile_overlayer_lowered  }
0x9b: {  	s22 =	simm.s32 $0x1BFF;
	s21 =	sshll.u32 s6, $0x1;
	s3 =	sadd.s32 s4, s19  }
0x9c: {  	s7 =	simm.s32 $0x0;
	s20 =	sshll.u32 s5, $0x1;
	s5 =	sadd.s32 s21, s3  }
0x9d: {  	[timem:s7], [sflag:s22] =	dma.local [hbm:s5], s20  }
0x9e: {  	_ =	swait.ge [sflag:s22], s20  }
0x9f: {  	s4 =	ssub.s32 $0x0, s20;
	[sflag:s22] =	ssyncset.done $0x0  }
0xa0: {  	[sflag:s22] =	ssyncadd.s32 s4;
	_ =	sdelay $0x1  }
0xa1: {  	s23 =	simm.s32 $0x1B8B  }
0xa2: {  	_ =	swait.ge [sflag:s23], $0x1  }
0xa3: {  	[sflag:s23] =	ssyncset.done $0x0  }
0xa4: {  	s25 =	simm.s32 $0x1B8E;
	s24 =	sld [smem:$0x3FFE];
	[sflag:s23] =	ssyncadd.s32 $0xFFFFFFFF  }
0xa5: {  	s26 =	simm.s32 $execute0_lowered;
	[smem:$0x3FD2] =	sst s25  }
0xa6: {  	s5 =	sshll.u32 s26, $0x1;
	_ =	strace $0x80000049;
	[dreg:$0x1] =	wrdreg $0xFFFFFFFF  }
0xa7: {  	s28 =	simm.s32 $_size_execute0_lowered;
	s3 =	sadd.s32 s3, s5;
	[dreg:$0x0] =	wrdreg $0x0  }
0xa8: {  	s5 =	sshll.u32 s28, $0x1;
	[dreg:$0x2] =	wrdreg s3  }
0xa9: {  	[dreg:$0x3] =	wrdreg s5  }
0xaa: {  	[dreg:$0x4] =	wrdreg $0xC0  }
0xab: {  	_ =	task [dreg:s7], $0x5FFFF  }
0xac: {  	[dreg:$0x1] =	wrdreg $0xFFFFFFFF  }
0xad: {  	[dreg:$0x0] =	wrdreg $0x60  }
0xae: {  	[dreg:$0x2] =	wrdreg s24  }
0xaf: {  	[dreg:$0x3] =	wrdreg s2  }
0xb0: {  	[dreg:$0x4] =	wrdreg $0x9  }
0xb1: {  	_ =	task.clear_ibuf [dreg:s7], $0x5FFFF;
	_ =	strace $0x90000049  }
0xb2: {  	s29 =	simm.s32 $0x9;
	_ =	strace $0x8000004B  }
0xb3: {  	_ =	swait.ge [sflag:s29], $0x1  }
0xb4: {  	[sflag:s29] =	ssyncadd.s32 $0xFFFFFFFF  }
0xb5: {  	_ =	strace $0x9000004B  }
0xb6: {  	_ =	sfence  }
0xb7: {  	s30 =	sld [smem:$0x0];
	_ =	sdelay $0x2  }
0xb8: {  	s31 =	sshll.u32 s1, $0xD;
	s1 =	sshrl.u32 s1, $0x2  }
0xb9: {  	s3 =	sand.u32 $0x4000, s31;
	s1 =	sadd.s32 s1, s30  }
0xba: {  	s0 =	sor.u32 s3, s0;
	s1 =	sshll.u32 s1, $0x11  }
0xbb: {  	s0 =	sor.u32 s1, s0  }
0xbc: {  	s0 =	sadd.s32 $0x8F2B, s0  }
0xbd: {  	[sflag:s0] =	ssyncadd.remote.s32 $0x1  }
0xbe: {  	_ =	sfence.sel $0xFFFF  }
0xbf: {  	[dreg:$0x0] =	wrdreg $0xFFFFFFFF;
	(pc) =	sbr.abs _section_cstart, $3  }
0xc0: {  	[dreg:$0x1] =	wrdreg $0xFFFFFFFF  }
0xc1: {  	_ =	task.clear_ibuf [dreg:s7], $0x2FFFF;
	_ =	strace $0x9FFFFFFF  }
0xc2: {  	(tm) =	ssettm $0x7FFFFFFF  }
0xc3: {  	_ =	shalt  }
tec
execute0_lowered:
.L_overlay_start_1:
0x0: {  	(tag) =	ssettag $0x1  }
0x1: {  	s1 =	srdreg.scid;
	s0 =	stileid.u32  }
0x2: {  	s5 =	rddreg [dreg:$0x0];
	s3 =	sand.u32 $0x1, s1;
	s31 =	sshll.u32 s0, $0x1  }
0x3: {  	s12 =	rddreg [dreg:$0x1];
	s8 =	sor.u32 s3, s31  }
0x4: {  	s2 =	simm.s32 $0x0;
	s1 =	rddreg [dreg:$0x2];
	s4 =	smul.u32 $0x188, s8  }
0x5: {  	[smem:$0x7FF] =	sst s2;
	s6 =	ssub.s32 $0x2, s3  }
0x6: {  	_ =	strace $0x8000004A;
	s7 =	sshrl.u32 s6, $0x1;
	s4 =	sadd.s32 s4, s5  }
0x7: {  	s14 =	smul.u32 $0x1880, s8;
	s3 =	sadd.s32 $0x1E9000, s4;
	s4 =	simm.s32 $0x2  }
0x8: {  	[tilespmem:s2], [sflag:$0x2] =	stream.linear.gather [hbm4b:s3+s2], $0xC40, $0x38;
	[tilespmem:$0xD040] =	vst v63  }
0x9: {  	p0 =	seq.s32 s8, $0x1F;
	s8 =	sadd.s32 $0x2F780, s12;
	_ =	swait.ge [sflag:s4], $0xC40  }
0xa: {  	s13 =	ssub.s32 s6, s7;
	s6 =	simm.s32 $0xC40;
	[sflag:s4] =	ssyncset.done $0x0  }
0xb: {  	s7 =	simm.s32 $0x1;
	s5 =	sadd.s32 $0xA00, s5;
	[sflag:s4] =	ssyncadd.s32 $0xFFFFF3C0  }
0xc: {  	[tilespmem:s6], [sflag:$0x1] =	stream.indirect.gather [hbm4b:s5+s6], $0x10, s2, s6, $0xb8;
	[tilespmem:$0xD040] =	vst v63  }
0xd: {  	s9 =	simm.s32 @p0 $0x2;
	s10 =	simm.s32 @p0 $0x0;
	_ =	swait.ge [sflag:s7], $0xC400  }
0xe: {  	s11 =	simm.s32 @p0 $0xC40;
	s13 =	smax.u32 s13, $0x1;
	[sflag:s7] =	ssyncset.done $0x0  }
0xf: {  	s12 =	sadd.s32 s12, s14;
	s14 =	sadd.s32 $0xFFFFFFFF, s13;
	[sflag:s7] =	ssyncadd.s32 $0xFFFF3C00  }
0x10: {  	[hbm4b:s8+s10] =	stream.linear.scatter @p0 [tilespmem:s11], [sflag:$0x2], $0xAE00, $0x38;
	[tilespmem:$0xD040] =	vst v63  }
0x11: {  	p1 =	sne.s32 s14, $0x0;
	_ =	swait.ge @p0 [sflag:s9], $0xAE00  }
.Ltmp0:
0x12: {  	s15 =	simm.s32 @!p0 $0x0;
	[sflag:s9] =	ssyncset.done @p0 $0x0;
	(pc) =	sbr.rel @!p1 .LBB2_2-.Ltmp0, $4  }
0x13: {  	s16 =	simm.s32 @!p0 $0xC40;
	s13 =	simm.s32 @!p0 $0x2;
	[sflag:s9] =	ssyncadd.s32 @p0 $0xFFFF5200  }
0x14: {  	[hbm4b:s12+s15] =	stream.linear.scatter @!p0 [tilespmem:s16], [sflag:$0x2], $0xC400, $0x38;
	[tilespmem:$0xD040] =	vst v63  }
0x15: {  	_ =	swait.ge @!p0 [sflag:s13], $0xC400  }
0x16: {  	[sflag:s13] =	ssyncset.done @!p0 $0x0  }
.LBB2_1:
0x17: {  	s14 =	sadd.s32 $0xFFFFFFFF, s14;
	[sflag:s13] =	ssyncadd.s32 @!p0 $0xFFFF3C00  }
0x18: {  	[tilespmem:s2], [sflag:$0x2] =	stream.linear.gather [hbm4b:s3+s2], $0xC40, $0x38;
	[tilespmem:$0xD040] =	vst v63  }
0x19: {  	p1 =	sne.s32 s14, $0x0;
	_ =	swait.ge [sflag:s4], $0xC40  }
0x1a: {  	[sflag:s4] =	ssyncset.done $0x0  }
0x1b: {  	[sflag:s4] =	ssyncadd.s32 $0xFFFFF3C0  }
0x1c: {  	[tilespmem:s6], [sflag:$0x1] =	stream.indirect.gather [hbm4b:s5+s6], $0x10, s2, s6, $0xb8;
	[tilespmem:$0xD040] =	vst v63  }
0x1d: {  	_ =	swait.ge [sflag:s7], $0xC400  }
0x1e: {  	[sflag:s7] =	ssyncset.done $0x0  }
0x1f: {  	[sflag:s7] =	ssyncadd.s32 $0xFFFF3C00  }
0x20: {  	[hbm4b:s8+s10] =	stream.linear.scatter @p0 [tilespmem:s11], [sflag:$0x2], $0xAE00, $0x38;
	[tilespmem:$0xD040] =	vst v63  }
0x21: {  	_ =	swait.ge @p0 [sflag:s9], $0xAE00  }
.Ltmp1:
0x22: {  	[sflag:s9] =	ssyncset.done @p0 $0x0;
	(pc) =	sbr.rel @p1 .LBB2_1-.Ltmp1, $4  }
0x23: {  	[sflag:s9] =	ssyncadd.s32 @p0 $0xFFFF5200  }
0x24: {  	[hbm4b:s12+s15] =	stream.linear.scatter @!p0 [tilespmem:s16], [sflag:$0x2], $0xC400, $0x38;
	[tilespmem:$0xD040] =	vst v63  }
0x25: {  	_ =	swait.ge @!p0 [sflag:s13], $0xC400  }
0x26: {  	[sflag:s13] =	ssyncset.done @!p0 $0x0  }
.LBB2_2:
0x27: {  	[sflag:s13] =	ssyncadd.s32 @!p0 $0xFFFF3C00  }
0x28: {  	_ =	sfence.sel $0x180000  }
0x29: {  	[bflag:$0x0] =	sbarrier.arrive $0xFFFF  }
0x2a: {  	p0 =	sne.s32 s0, $0x0;
	_ =	strace $0x9000004A  }
0x2b: {  	s0 =	sadd.s32 @!p0 $0x100000, s1;
	[bflag:$0x2] =	sbarrier.arrive $0xFFFF  }
0x2c: {  	[sflag:s0] =	ssyncadd.tile.s32 @!p0 $0x1;
	_ =	shalt  }
.Lfunc_end2:
_tile_overlayer_lowered:
.L_overlay_start_2:
0x2d: {  	(tag) =	ssettag $0x2  }
0x2e: {  	s0 =	rddreg [dreg:$0x0];
	s2 =	stileid.u32  }
0x2f: {  	s1 =	rddreg [dreg:$0x1];
	p0 =	sne.s32 s2, $0x0  }
0x30: {  	s3 =	rddreg [dreg:$0x2];
	[bflag:$0x3] =	sbarrier.arrive $0xFFFF;
	s2 =	simm.s32 @!p0 $0x1C02  }
0x31: {  	[timem:s3], [sflag:s2] =	dma.local @!p0 [hbm:s0], s1  }
0x32: {  	s0 =	simm.s32 @!p0 $0x2  }
0x33: {  	_ =	swait.ge @!p0 [sflag:s0], s1  }
0x34: {  	s1 =	ssub.s32 @!p0 $0x0, s1;
	[sflag:s0] =	ssyncset.done @!p0 $0x0  }
0x35: {  	[sflag:s0] =	ssyncadd.s32 @!p0 s1  }
0x36: {  	[bflag:$0x3] =	sbarrier.arrive $0xFFFF  }
0x37: {  	_ =	shalt  }

</sc_bundles>
